<compile_context>
chip_gen: v7x
topology: tpu7x:2x2x1
jax: 0.10.2.dev20260603
libtpu: 0.0.44.dev20260713+nightly
codegen_flags: <defaults>
</compile_context>

<pallas_src>
import functools

import jax
import jax.numpy as jnp
from jax import lax
from jax.experimental import pallas as pl
from jax.experimental.pallas import tpu as pltpu
from jax.experimental.pallas import tpu_sc as plsc

NC = 2
NS = 16
LANE = 16


def _signal_tc(y, Wt, b):
    B, S = y.shape
    D = Wt.shape[1]
    blk = 2048

    def body(y_ref, wt_ref, b_ref, o_ref):
        o_ref[...] = (
            lax.dot_general(
                y_ref[...], wt_ref[...],
                (((1,), (0,)), ((), ())),
                preferred_element_type=jnp.float32,
            )
            + b_ref[...]
        )

    return pl.pallas_call(
        body,
        grid=(B // blk,),
        in_specs=[
            pl.BlockSpec((blk, S), lambda i: (i, 0)),
            pl.BlockSpec((S, D), lambda i: (0, 0)),
            pl.BlockSpec((1, D), lambda i: (0, 0)),
        ],
        out_specs=pl.BlockSpec((blk, D), lambda i: (i, 0)),
        out_shape=jax.ShapeDtypeStruct((B, D), jnp.float32),
    )(y, Wt, b.reshape(1, D))


def _make_sc_kernel(B, L, D, bpw, idx_chunk, nbuf):
    n_chunks = L // idx_chunk
    mesh = plsc.VectorSubcoreMesh(core_axis_name="c", subcore_axis_name="s")

    @functools.partial(
        pl.kernel,
        mesh=mesh,
        out_type=jax.ShapeDtypeStruct((B, L, 2 * D), jnp.float32),
        scratch_types=[
            pltpu.VMEM((nbuf, n_chunks, idx_chunk), jnp.int32),
            pltpu.VMEM((nbuf, L, D), jnp.float32),
            pltpu.VMEM((bpw, D), jnp.float32),
            [pltpu.SemaphoreType.DMA] * nbuf,
            [pltpu.SemaphoreType.DMA] * nbuf,
        ],
        compiler_params=pltpu.CompilerParams(use_tc_tiling_on_sc=False),
    )
    def sc_k(x_hbm, sig_hbm, emb_hbm, out_hbm, idx_v, rows_v, sig_v,
             gsems, wsems):
        wid = lax.axis_index("s") * NC + lax.axis_index("c")
        batch0 = wid * bpw
        pltpu.sync_copy(sig_hbm.at[pl.ds(batch0, bpw)], sig_v)

        def gather_start(i, b):
            batch = batch0 + i
            pltpu.sync_copy(
                x_hbm.at[pl.ds(batch * n_chunks, n_chunks)], idx_v.at[b])
            for c in range(n_chunks):
                pltpu.async_copy(
                    emb_hbm.at[idx_v.at[b].at[c]],
                    rows_v.at[b].at[pl.ds(c * idx_chunk, idx_chunk)],
                    gsems[b],
                )

        def gather_wait(b):
            for c in range(n_chunks):
                pltpu.make_async_copy(
                    emb_hbm.at[idx_v.at[b].at[c]],
                    rows_v.at[b].at[pl.ds(c * idx_chunk, idx_chunk)],
                    gsems[b],
                ).wait()

        def write_start(i, b):
            batch = batch0 + i
            pltpu.async_copy(
                rows_v.at[b], out_hbm.at[batch, :, pl.ds(0, D)], wsems[b])

        def write_wait(b):
            pltpu.make_async_copy(
                rows_v.at[b], out_hbm.at[batch0, :, pl.ds(0, D)],
                wsems[b]).wait()

        gather_start(0, 0)

        def body(h, carry):
            for b in range(nbuf):
                i = h * nbuf + b
                j = i + 1
                nb = (b + 1) % nbuf

                @pl.when(j < bpw)
                def _():
                    @pl.when(j >= nbuf)
                    def _():
                        write_wait(nb)

                    gather_start(j, nb)

                gather_wait(b)
                sig = [sig_v[i, pl.ds(k * LANE, LANE)]
                       for k in range(D // LANE)]

                def row_body(r, c2):
                    for k in range(D // LANE):
                        rows_v[b, r, pl.ds(k * LANE, LANE)] += sig[k]
                    return c2

                lax.fori_loop(0, L, row_body, 0, unroll=4)
                write_start(i, b)
            return carry

        lax.fori_loop(0, bpw // nbuf, body, 0)
        for b in range(nbuf):
            write_wait(b)

    return sc_k


def kernel(x, y, embedding, W, b):
    B, L = x.shape
    V, D = embedding.shape
    NW = NC * NS
    bpw = B // NW
    idx_chunk = 100
    x2d = (x.reshape(B * L // idx_chunk, idx_chunk).astype(jnp.int32) * 2)
    emb2 = jnp.pad(embedding, ((0, 0), (0, D))).reshape(2 * V, D)
    Wt = W.T.astype(jnp.float32)
    sig = _signal_tc(y.astype(jnp.float32), Wt, b.astype(jnp.float32))
    sc_k = _make_sc_kernel(B, L, D, bpw, idx_chunk, nbuf=4)
    return sc_k(x2d, sig, emb2)[:, :, :D]

# --- scband reference (transcript-rebuilt; emitter-appended) ---
"""Pipeline reference for scband-embedding-layer-4440996184673 (READ-ONLY COPY).

The authoritative reference and input builder live on the scoring server;
editing this copy changes nothing except your own understanding.
"""

import jax, jax.numpy as jnp
import numpy as np
import math

DIM = 64
VOCAB = 1000000
SIGNAL = 2
B = 16384
L = 200

def setup_inputs(seed: int = 0) -> dict:
    key = jax.random.key(seed)
    k1, k2, k3, k4, k5 = jax.random.split(key, 5)
    x = jax.random.randint(k1, (B, L), 0, VOCAB, dtype=jnp.int64 if jax.config.jax_enable_x64 else jnp.int32)
    y = jax.random.normal(k2, (B, SIGNAL), dtype=jnp.float32)
    # embedding: kaiming_uniform with a=sqrt(5) -> bound = sqrt(6/((1+5)*fan_in)) = 1/sqrt(fan_in), fan_in=DIM
    bound_e = 1.0 / math.sqrt(DIM)
    embedding = jax.random.uniform(k3, (VOCAB, DIM), minval=-bound_e, maxval=bound_e, dtype=jnp.float32)
    # linear weight [DIM, SIGNAL] (torch layout), bias [DIM]
    bound_w = 1.0 / math.sqrt(SIGNAL)
    W = jax.random.uniform(k4, (DIM, SIGNAL), minval=-bound_w, maxval=bound_w, dtype=jnp.float32)
    b = jax.random.uniform(k5, (DIM,), minval=-bound_w, maxval=bound_w, dtype=jnp.float32)
    return {"x": x, "y": y, "embedding": embedding, "W": W, "b": b}

def reference(x, y, embedding, W, b):
    vocab_embed = jnp.take(embedding, x, axis=0)            # [B, L, DIM]
    signal_embed = y.astype(jnp.float32) @ W.T + b           # [B, DIM]
    return vocab_embed + signal_embed[:, None, :]            # [B, L, DIM]

if __name__ == "__main__":
    import jax
    _d = setup_inputs()
    print(jax.jit(kernel)(*tuple(_d.values())))

</pallas_src>

<mosaic_0001>
#map = affine_map<(d0, d1) -> (0, 0)>
#map1 = affine_map<(d0, d1) -> (0, 0, 0)>
module attributes {stable_mosaic.version = 14 : i64} {
  func.func @sc_k(%arg0: i32, %arg1: i32, %arg2: memref<32768x100xi32, #tpu.memory_space<hbm>>, %arg3: memref<16384x64xf32, #tpu.memory_space<hbm>>, %arg4: memref<2000000x64xf32, #tpu.memory_space<hbm>>, %arg5: memref<16384x200x128xf32, #tpu.memory_space<hbm>>, %arg6: memref<4x2x100xi32, #tpu.memory_space<vmem>>, %arg7: memref<4x200x64xf32, #tpu.memory_space<vmem>>, %arg8: memref<512x64xf32, #tpu.memory_space<vmem>>, %arg9: memref<!tpu.dma_semaphore, #tpu.memory_space<semaphore_mem>>, %arg10: memref<!tpu.dma_semaphore, #tpu.memory_space<semaphore_mem>>, %arg11: memref<!tpu.dma_semaphore, #tpu.memory_space<semaphore_mem>>, %arg12: memref<!tpu.dma_semaphore, #tpu.memory_space<semaphore_mem>>, %arg13: memref<!tpu.dma_semaphore, #tpu.memory_space<semaphore_mem>>, %arg14: memref<!tpu.dma_semaphore, #tpu.memory_space<semaphore_mem>>, %arg15: memref<!tpu.dma_semaphore, #tpu.memory_space<semaphore_mem>>, %arg16: memref<!tpu.dma_semaphore, #tpu.memory_space<semaphore_mem>>) attributes {dimension_semantics = [#tpu.dimension_semantics<core_parallel>, #tpu.dimension_semantics<subcore_parallel>], iteration_bounds = array<i64: 2, 16>, scalar_prefetch = 0 : i64, scratch_operands = 11 : i64, tpu.core_type = #tpu.core_type<sc_vector_subcore>, window_params = [{transform_indices = #map}, {transform_indices = #map}, {transform_indices = #map}, {transform_indices = #map1}]} {
    %mul3A = arith.constant 2 : i32
    %mul3A_0 = arith.muli %arg1, %mul3A : i32
    %add3A = arith.addi %mul3A_0, %arg0 : i32
    %mul3A_1 = arith.constant 512 : i32
    %mul3A_2 = arith.muli %add3A, %mul3A_1 : i32
    "tpu.region"() ({
      %run_scoped3A_118 = tpu.sem_alloc : memref<!tpu.dma_semaphore, #tpu.memory_space<semaphore_mem>>
      %dma_start3A_119 = arith.constant 0 : i32
      %dma_start3A_120 = tpu.memref_slice %arg3[%mul3A_2, %dma_start3A_119] : memref<16384x64xf32, #tpu.memory_space<hbm>> -> memref<512x64xf32, #tpu.memory_space<hbm>>
      %dma_start3A_121 = arith.constant 0 : i32
      %dma_start3A_122 = tpu.memref_slice %arg3[%mul3A_2, %dma_start3A_121] : memref<16384x64xf32, #tpu.memory_space<hbm>> -> memref<512x64xf32, #tpu.memory_space<hbm>>
      tpu.enqueue_dma source(%dma_start3A_122 : memref<512x64xf32, #tpu.memory_space<hbm>>) target(%arg8 : memref<512x64xf32, #tpu.memory_space<vmem>>) target_semaphore(%run_scoped3A_118 : memref<!tpu.dma_semaphore, #tpu.memory_space<semaphore_mem>>)
      %dma_wait3A_123 = arith.constant 0 : i32
      %dma_wait3A_124 = tpu.memref_slice %arg3[%mul3A_2, %dma_wait3A_123] : memref<16384x64xf32, #tpu.memory_space<hbm>> -> memref<512x64xf32, #tpu.memory_space<hbm>>
      %dma_wait3A_125 = arith.constant 0 : i32
      %dma_wait3A_126 = tpu.memref_slice %arg3[%mul3A_2, %dma_wait3A_125] : memref<16384x64xf32, #tpu.memory_space<hbm>> -> memref<512x64xf32, #tpu.memory_space<hbm>>
      tpu.wait_dma2 semaphore(%run_scoped3A_118 : memref<!tpu.dma_semaphore, #tpu.memory_space<semaphore_mem>>) src(%dma_wait3A_126 : memref<512x64xf32, #tpu.memory_space<hbm>>) dst(%arg8 : memref<512x64xf32, #tpu.memory_space<vmem>>)
      tpu.yield
    }) : () -> ()
    %add3A_3 = arith.constant 0 : i32
    %add3A_4 = arith.addi %mul3A_2, %add3A_3 : i32
    %mul3A_5 = arith.constant 2 : i32
    %mul3A_6 = arith.muli %add3A_4, %mul3A_5 : i32
    %run_scoped3A = arith.constant 0 : i32
    "tpu.region"() ({
      %run_scoped3A_118 = tpu.sem_alloc : memref<!tpu.dma_semaphore, #tpu.memory_space<semaphore_mem>>
      %dma_start3A_119 = arith.constant 0 : i32
      %dma_start3A_120 = arith.constant 0 : i32
      %dma_start3A_121 = tpu.memref_slice %arg6[%run_scoped3A, %dma_start3A_119, %dma_start3A_120] : memref<4x2x100xi32, #tpu.memory_space<vmem>> -> memref<1x2x100xi32, #tpu.memory_space<vmem>>
      %dma_start3A_122 = tpu.memref_squeeze %dma_start3A_121 : memref<1x2x100xi32, #tpu.memory_space<vmem>> -> memref<2x100xi32, #tpu.memory_space<vmem>>
      %dma_start3A_123 = arith.constant 0 : i32
      %dma_start3A_124 = tpu.memref_slice %arg2[%mul3A_6, %dma_start3A_123] : memref<32768x100xi32, #tpu.memory_space<hbm>> -> memref<2x100xi32, #tpu.memory_space<hbm>>
      %dma_start3A_125 = arith.constant 0 : i32
      %dma_start3A_126 = arith.constant 0 : i32
      %dma_start3A_127 = tpu.memref_slice %arg6[%run_scoped3A, %dma_start3A_125, %dma_start3A_126] : memref<4x2x100xi32, #tpu.memory_space<vmem>> -> memref<1x2x100xi32, #tpu.memory_space<vmem>>
      %dma_start3A_128 = tpu.memref_squeeze %dma_start3A_127 : memref<1x2x100xi32, #tpu.memory_space<vmem>> -> memref<2x100xi32, #tpu.memory_space<vmem>>
      %dma_start3A_129 = arith.constant 0 : i32
      %dma_start3A_130 = tpu.memref_slice %arg2[%mul3A_6, %dma_start3A_129] : memref<32768x100xi32, #tpu.memory_space<hbm>> -> memref<2x100xi32, #tpu.memory_space<hbm>>
      tpu.enqueue_dma source(%dma_start3A_130 : memref<2x100xi32, #tpu.memory_space<hbm>>) target(%dma_start3A_128 : memref<2x100xi32, #tpu.memory_space<vmem>>) target_semaphore(%run_scoped3A_118 : memref<!tpu.dma_semaphore, #tpu.memory_space<semaphore_mem>>)
      %dma_wait3A_131 = arith.constant 0 : i32
      %dma_wait3A_132 = arith.constant 0 : i32
      %dma_wait3A_133 = tpu.memref_slice %arg6[%run_scoped3A, %dma_wait3A_131, %dma_wait3A_132] : memref<4x2x100xi32, #tpu.memory_space<vmem>> -> memref<1x2x100xi32, #tpu.memory_space<vmem>>
      %dma_wait3A_134 = tpu.memref_squeeze %dma_wait3A_133 : memref<1x2x100xi32, #tpu.memory_space<vmem>> -> memref<2x100xi32, #tpu.memory_space<vmem>>
      %dma_wait3A_135 = arith.constant 0 : i32
      %dma_wait3A_136 = tpu.memref_slice %arg2[%mul3A_6, %dma_wait3A_135] : memref<32768x100xi32, #tpu.memory_space<hbm>> -> memref<2x100xi32, #tpu.memory_space<hbm>>
      %dma_wait3A_137 = arith.constant 0 : i32
      %dma_wait3A_138 = arith.constant 0 : i32
      %dma_wait3A_139 = tpu.memref_slice %arg6[%run_scoped3A, %dma_wait3A_137, %dma_wait3A_138] : memref<4x2x100xi32, #tpu.memory_space<vmem>> -> memref<1x2x100xi32, #tpu.memory_space<vmem>>
      %dma_wait3A_140 = tpu.memref_squeeze %dma_wait3A_139 : memref<1x2x100xi32, #tpu.memory_space<vmem>> -> memref<2x100xi32, #tpu.memory_space<vmem>>
      %dma_wait3A_141 = arith.constant 0 : i32
      %dma_wait3A_142 = tpu.memref_slice %arg2[%mul3A_6, %dma_wait3A_141] : memref<32768x100xi32, #tpu.memory_space<hbm>> -> memref<2x100xi32, #tpu.memory_space<hbm>>
      tpu.wait_dma2 semaphore(%run_scoped3A_118 : memref<!tpu.dma_semaphore, #tpu.memory_space<semaphore_mem>>) src(%dma_wait3A_142 : memref<2x100xi32, #tpu.memory_space<hbm>>) dst(%dma_wait3A_140 : memref<2x100xi32, #tpu.memory_space<vmem>>)
      tpu.yield
    }) : () -> ()
    %dma_start3A = arith.constant 0 : i32
    %dma_start3A_7 = arith.constant 0 : i32
    %dma_start3A_8 = arith.constant 0 : i32
    %dma_start3A_9 = arith.constant 0 : i32
    %dma_start3A_10 = arith.constant 0 : i32
    %dma_start3A_11 = tpu.memref_slice %arg7[%dma_start3A_8, %dma_start3A_9, %dma_start3A_10] : memref<4x200x64xf32, #tpu.memory_space<vmem>> -> memref<1x200x64xf32, #tpu.memory_space<vmem>>
    %dma_start3A_12 = tpu.memref_squeeze %dma_start3A_11 : memref<1x200x64xf32, #tpu.memory_space<vmem>> -> memref<200x64xf32, #tpu.memory_space<vmem>>
    %dma_start3A_13 = arith.constant 0 : i32
    %dma_start3A_14 = arith.constant 0 : i32
    %dma_start3A_15 = tpu.memref_slice %dma_start3A_12[%dma_start3A_13, %dma_start3A_14] : memref<200x64xf32, #tpu.memory_space<vmem>> -> memref<100x64xf32, #tpu.memory_space<vmem>>
    %dma_start3A_16 = arith.constant 0 : i32
    %dma_start3A_17 = arith.constant 0 : i32
    %dma_start3A_18 = tpu.memref_slice %arg6[%dma_start3A, %dma_start3A_16, %dma_start3A_17] : memref<4x2x100xi32, #tpu.memory_space<vmem>> -> memref<1x2x100xi32, #tpu.memory_space<vmem>>
    %dma_start3A_19 = tpu.memref_squeeze %dma_start3A_18 : memref<1x2x100xi32, #tpu.memory_space<vmem>> -> memref<2x100xi32, #tpu.memory_space<vmem>>
    %dma_start3A_20 = arith.constant 0 : i32
    %dma_start3A_21 = tpu.memref_slice %dma_start3A_19[%dma_start3A_7, %dma_start3A_20] : memref<2x100xi32, #tpu.memory_space<vmem>> -> memref<1x100xi32, #tpu.memory_space<vmem>>
    %dma_start3A_22 = tpu.memref_squeeze %dma_start3A_21 : memref<1x100xi32, #tpu.memory_space<vmem>> -> memref<100xi32, #tpu.memory_space<vmem>>
    %dma_start3A_23 = arith.constant 0 : i32
    %dma_start3A_24 = arith.constant 0 : i32
    %dma_start3A_25 = tpu.memref_slice %arg4[%dma_start3A_23, %dma_start3A_24] : memref<2000000x64xf32, #tpu.memory_space<hbm>> -> memref<2000000x64xf32, #tpu.memory_space<hbm>>
    tpu.enqueue_indirect_dma source(%dma_start3A_25 : memref<2000000x64xf32, #tpu.memory_space<hbm>>) target(%dma_start3A_15 : memref<100x64xf32, #tpu.memory_space<vmem>>) offsets(%dma_start3A_22 : memref<100xi32, #tpu.memory_space<vmem>>) semaphore(%arg9 : memref<!tpu.dma_semaphore, #tpu.memory_space<semaphore_mem>>)
    %dma_start3A_26 = arith.constant 0 : i32
    %dma_start3A_27 = arith.constant 1 : i32
    %dma_start3A_28 = arith.constant 0 : i32
    %dma_start3A_29 = arith.constant 0 : i32
    %dma_start3A_30 = arith.constant 0 : i32
    %dma_start3A_31 = tpu.memref_slice %arg7[%dma_start3A_28, %dma_start3A_29, %dma_start3A_30] : memref<4x200x64xf32, #tpu.memory_space<vmem>> -> memref<1x200x64xf32, #tpu.memory_space<vmem>>
    %dma_start3A_32 = tpu.memref_squeeze %dma_start3A_31 : memref<1x200x64xf32, #tpu.memory_space<vmem>> -> memref<200x64xf32, #tpu.memory_space<vmem>>
    %dma_start3A_33 = arith.constant 100 : i32
    %dma_start3A_34 = arith.constant 0 : i32
    %dma_start3A_35 = tpu.memref_slice %dma_start3A_32[%dma_start3A_33, %dma_start3A_34] : memref<200x64xf32, #tpu.memory_space<vmem>> -> memref<100x64xf32, #tpu.memory_space<vmem>>
    %dma_start3A_36 = arith.constant 0 : i32
    %dma_start3A_37 = arith.constant 0 : i32
    %dma_start3A_38 = tpu.memref_slice %arg6[%dma_start3A_26, %dma_start3A_36, %dma_start3A_37] : memref<4x2x100xi32, #tpu.memory_space<vmem>> -> memref<1x2x100xi32, #tpu.memory_space<vmem>>
    %dma_start3A_39 = tpu.memref_squeeze %dma_start3A_38 : memref<1x2x100xi32, #tpu.memory_space<vmem>> -> memref<2x100xi32, #tpu.memory_space<vmem>>
    %dma_start3A_40 = arith.constant 0 : i32
    %dma_start3A_41 = tpu.memref_slice %dma_start3A_39[%dma_start3A_27, %dma_start3A_40] : memref<2x100xi32, #tpu.memory_space<vmem>> -> memref<1x100xi32, #tpu.memory_space<vmem>>
    %dma_start3A_42 = tpu.memref_squeeze %dma_start3A_41 : memref<1x100xi32, #tpu.memory_space<vmem>> -> memref<100xi32, #tpu.memory_space<vmem>>
    %dma_start3A_43 = arith.constant 0 : i32
    %dma_start3A_44 = arith.constant 0 : i32
    %dma_start3A_45 = tpu.memref_slice %arg4[%dma_start3A_43, %dma_start3A_44] : memref<2000000x64xf32, #tpu.memory_space<hbm>> -> memref<2000000x64xf32, #tpu.memory_space<hbm>>
    tpu.enqueue_indirect_dma source(%dma_start3A_45 : memref<2000000x64xf32, #tpu.memory_space<hbm>>) target(%dma_start3A_35 : memref<100x64xf32, #tpu.memory_space<vmem>>) offsets(%dma_start3A_42 : memref<100xi32, #tpu.memory_space<vmem>>) semaphore(%arg9 : memref<!tpu.dma_semaphore, #tpu.memory_space<semaphore_mem>>)
    %scan3A = arith.constant 0 : i32
    %scan3A_46 = arith.constant 0 : i32
    %scan3A_47 = arith.constant 128 : i32
    %scan3A_48 = arith.addi %scan3A_46, %scan3A_47 : i32
    %scan3A_49 = arith.constant 1 : i32
    scf.for %scan3A_118 = %scan3A_46 to %scan3A_48 step %scan3A_49  : i32 {
      %mul3A_119 = arith.constant 4 : i32
      %mul3A_120 = arith.muli %scan3A_118, %mul3A_119 : i32
      %add3A_121 = arith.constant 0 : i32
      %add3A_122 = arith.addi %mul3A_120, %add3A_121 : i32
      %add3A_123 = arith.constant 1 : i32
      %add3A_124 = arith.addi %add3A_122, %add3A_123 : i32
      %lt3A = arith.constant 512 : i32
      %lt3A_125 = arith.cmpi slt, %add3A_124, %lt3A : i32
      %convert_element_type3A = arith.extui %lt3A_125 : i1 to i32
      %cond3A = arith.constant 0 : i32
      %cond3A_126 = arith.cmpi ne, %convert_element_type3A, %cond3A : i32
      scf.if %cond3A_126 {
        %ge3A = arith.constant 4 : i32
        %ge3A_479 = arith.cmpi sge, %add3A_124, %ge3A : i32
        %convert_element_type3A_480 = arith.extui %ge3A_479 : i1 to i32
        %cond3A_481 = arith.constant 0 : i32
        %cond3A_482 = arith.cmpi ne, %convert_element_type3A_480, %cond3A_481 : i32
        scf.if %cond3A_482 {
          %dma_wait3A_527 = arith.constant 1 : i32
          %dma_wait3A_528 = arith.constant 0 : i32
          %dma_wait3A_529 = arith.constant 0 : i32
          %dma_wait3A_530 = tpu.memref_slice %arg7[%dma_wait3A_527, %dma_wait3A_528, %dma_wait3A_529] : memref<4x200x64xf32, #tpu.memory_space<vmem>> -> memref<1x200x64xf32, #tpu.memory_space<vmem>>
          %dma_wait3A_531 = tpu.memref_squeeze %dma_wait3A_530 : memref<1x200x64xf32, #tpu.memory_space<vmem>> -> memref<200x64xf32, #tpu.memory_space<vmem>>
          %dma_wait3A_532 = arith.constant 0 : i32
          %dma_wait3A_533 = arith.constant 0 : i32
          %dma_wait3A_534 = tpu.memref_slice %arg5[%mul3A_2, %dma_wait3A_532, %dma_wait3A_533] : memref<16384x200x128xf32, #tpu.memory_space<hbm>> -> memref<1x200x64xf32, #tpu.memory_space<hbm>>
          %dma_wait3A_535 = tpu.memref_squeeze %dma_wait3A_534 : memref<1x200x64xf32, #tpu.memory_space<hbm>> -> memref<200x64xf32, #tpu.memory_space<hbm>>
          %dma_wait3A_536 = arith.constant 0 : i32
          %dma_wait3A_537 = arith.constant 0 : i32
          %dma_wait3A_538 = tpu.memref_slice %arg5[%mul3A_2, %dma_wait3A_536, %dma_wait3A_537] : memref<16384x200x128xf32, #tpu.memory_space<hbm>> -> memref<1x200x64xf32, #tpu.memory_space<hbm>>
          %dma_wait3A_539 = tpu.memref_squeeze %dma_wait3A_538 : memref<1x200x64xf32, #tpu.memory_space<hbm>> -> memref<200x64xf32, #tpu.memory_space<hbm>>
          %dma_wait3A_540 = arith.constant 0 : i32
          %dma_wait3A_541 = arith.constant 0 : i32
          %dma_wait3A_542 = tpu.memref_slice %arg7[%dma_wait3A_527, %dma_wait3A_540, %dma_wait3A_541] : memref<4x200x64xf32, #tpu.memory_space<vmem>> -> memref<1x200x64xf32, #tpu.memory_space<vmem>>
          %dma_wait3A_543 = tpu.memref_squeeze %dma_wait3A_542 : memref<1x200x64xf32, #tpu.memory_space<vmem>> -> memref<200x64xf32, #tpu.memory_space<vmem>>
          tpu.wait_dma2 semaphore(%arg14 : memref<!tpu.dma_semaphore, #tpu.memory_space<semaphore_mem>>) src(%dma_wait3A_543 : memref<200x64xf32, #tpu.memory_space<vmem>>) dst(%dma_wait3A_539 : memref<200x64xf32, #tpu.memory_space<hbm>>)
        } else {
        }
        %add3A_483 = arith.addi %mul3A_2, %add3A_124 : i32
        %mul3A_484 = arith.constant 2 : i32
        %mul3A_485 = arith.muli %add3A_483, %mul3A_484 : i32
        %run_scoped3A_486 = arith.constant 1 : i32
        "tpu.region"() ({
          %run_scoped3A_527 = tpu.sem_alloc : memref<!tpu.dma_semaphore, #tpu.memory_space<semaphore_mem>>
          %dma_start3A_528 = arith.constant 0 : i32
          %dma_start3A_529 = arith.constant 0 : i32
          %dma_start3A_530 = tpu.memref_slice %arg6[%run_scoped3A_486, %dma_start3A_528, %dma_start3A_529] : memref<4x2x100xi32, #tpu.memory_space<vmem>> -> memref<1x2x100xi32, #tpu.memory_space<vmem>>
          %dma_start3A_531 = tpu.memref_squeeze %dma_start3A_530 : memref<1x2x100xi32, #tpu.memory_space<vmem>> -> memref<2x100xi32, #tpu.memory_space<vmem>>
          %dma_start3A_532 = arith.constant 0 : i32
          %dma_start3A_533 = tpu.memref_slice %arg2[%mul3A_485, %dma_start3A_532] : memref<32768x100xi32, #tpu.memory_space<hbm>> -> memref<2x100xi32, #tpu.memory_space<hbm>>
          %dma_start3A_534 = arith.constant 0 : i32
          %dma_start3A_535 = arith.constant 0 : i32
          %dma_start3A_536 = tpu.memref_slice %arg6[%run_scoped3A_486, %dma_start3A_534, %dma_start3A_535] : memref<4x2x100xi32, #tpu.memory_space<vmem>> -> memref<1x2x100xi32, #tpu.memory_space<vmem>>
          %dma_start3A_537 = tpu.memref_squeeze %dma_start3A_536 : memref<1x2x100xi32, #tpu.memory_space<vmem>> -> memref<2x100xi32, #tpu.memory_space<vmem>>
          %dma_start3A_538 = arith.constant 0 : i32
          %dma_start3A_539 = tpu.memref_slice %arg2[%mul3A_485, %dma_start3A_538] : memref<32768x100xi32, #tpu.memory_space<hbm>> -> memref<2x100xi32, #tpu.memory_space<hbm>>
          tpu.enqueue_dma source(%dma_start3A_539 : memref<2x100xi32, #tpu.memory_space<hbm>>) target(%dma_start3A_537 : memref<2x100xi32, #tpu.memory_space<vmem>>) target_semaphore(%run_scoped3A_527 : memref<!tpu.dma_semaphore, #tpu.memory_space<semaphore_mem>>)
          %dma_wait3A_540 = arith.constant 0 : i32
          %dma_wait3A_541 = arith.constant 0 : i32
          %dma_wait3A_542 = tpu.memref_slice %arg6[%run_scoped3A_486, %dma_wait3A_540, %dma_wait3A_541] : memref<4x2x100xi32, #tpu.memory_space<vmem>> -> memref<1x2x100xi32, #tpu.memory_space<vmem>>
          %dma_wait3A_543 = tpu.memref_squeeze %dma_wait3A_542 : memref<1x2x100xi32, #tpu.memory_space<vmem>> -> memref<2x100xi32, #tpu.memory_space<vmem>>
          %dma_wait3A_544 = arith.constant 0 : i32
          %dma_wait3A_545 = tpu.memref_slice %arg2[%mul3A_485, %dma_wait3A_544] : memref<32768x100xi32, #tpu.memory_space<hbm>> -> memref<2x100xi32, #tpu.memory_space<hbm>>
          %dma_wait3A_546 = arith.constant 0 : i32
          %dma_wait3A_547 = arith.constant 0 : i32
          %dma_wait3A_548 = tpu.memref_slice %arg6[%run_scoped3A_486, %dma_wait3A_546, %dma_wait3A_547] : memref<4x2x100xi32, #tpu.memory_space<vmem>> -> memref<1x2x100xi32, #tpu.memory_space<vmem>>
          %dma_wait3A_549 = tpu.memref_squeeze %dma_wait3A_548 : memref<1x2x100xi32, #tpu.memory_space<vmem>> -> memref<2x100xi32, #tpu.memory_space<vmem>>
          %dma_wait3A_550 = arith.constant 0 : i32
          %dma_wait3A_551 = tpu.memref_slice %arg2[%mul3A_485, %dma_wait3A_550] : memref<32768x100xi32, #tpu.memory_space<hbm>> -> memref<2x100xi32, #tpu.memory_space<hbm>>
          tpu.wait_dma2 semaphore(%run_scoped3A_527 : memref<!tpu.dma_semaphore, #tpu.memory_space<semaphore_mem>>) src(%dma_wait3A_551 : memref<2x100xi32, #tpu.memory_space<hbm>>) dst(%dma_wait3A_549 : memref<2x100xi32, #tpu.memory_space<vmem>>)
          tpu.yield
        }) : () -> ()
        %dma_start3A_487 = arith.constant 1 : i32
        %dma_start3A_488 = arith.constant 0 : i32
        %dma_start3A_489 = arith.constant 1 : i32
        %dma_start3A_490 = arith.constant 0 : i32
        %dma_start3A_491 = arith.constant 0 : i32
        %dma_start3A_492 = tpu.memref_slice %arg7[%dma_start3A_489, %dma_start3A_490, %dma_start3A_491] : memref<4x200x64xf32, #tpu.memory_space<vmem>> -> memref<1x200x64xf32, #tpu.memory_space<vmem>>
        %dma_start3A_493 = tpu.memref_squeeze %dma_start3A_492 : memref<1x200x64xf32, #tpu.memory_space<vmem>> -> memref<200x64xf32, #tpu.memory_space<vmem>>
        %dma_start3A_494 = arith.constant 0 : i32
        %dma_start3A_495 = arith.constant 0 : i32
        %dma_start3A_496 = tpu.memref_slice %dma_start3A_493[%dma_start3A_494, %dma_start3A_495] : memref<200x64xf32, #tpu.memory_space<vmem>> -> memref<100x64xf32, #tpu.memory_space<vmem>>
        %dma_start3A_497 = arith.constant 0 : i32
        %dma_start3A_498 = arith.constant 0 : i32
        %dma_start3A_499 = tpu.memref_slice %arg6[%dma_start3A_487, %dma_start3A_497, %dma_start3A_498] : memref<4x2x100xi32, #tpu.memory_space<vmem>> -> memref<1x2x100xi32, #tpu.memory_space<vmem>>
        %dma_start3A_500 = tpu.memref_squeeze %dma_start3A_499 : memref<1x2x100xi32, #tpu.memory_space<vmem>> -> memref<2x100xi32, #tpu.memory_space<vmem>>
        %dma_start3A_501 = arith.constant 0 : i32
        %dma_start3A_502 = tpu.memref_slice %dma_start3A_500[%dma_start3A_488, %dma_start3A_501] : memref<2x100xi32, #tpu.memory_space<vmem>> -> memref<1x100xi32, #tpu.memory_space<vmem>>
        %dma_start3A_503 = tpu.memref_squeeze %dma_start3A_502 : memref<1x100xi32, #tpu.memory_space<vmem>> -> memref<100xi32, #tpu.memory_space<vmem>>
        %dma_start3A_504 = arith.constant 0 : i32
        %dma_start3A_505 = arith.constant 0 : i32
        %dma_start3A_506 = tpu.memref_slice %arg4[%dma_start3A_504, %dma_start3A_505] : memref<2000000x64xf32, #tpu.memory_space<hbm>> -> memref<2000000x64xf32, #tpu.memory_space<hbm>>
        tpu.enqueue_indirect_dma source(%dma_start3A_506 : memref<2000000x64xf32, #tpu.memory_space<hbm>>) target(%dma_start3A_496 : memref<100x64xf32, #tpu.memory_space<vmem>>) offsets(%dma_start3A_503 : memref<100xi32, #tpu.memory_space<vmem>>) semaphore(%arg10 : memref<!tpu.dma_semaphore, #tpu.memory_space<semaphore_mem>>)
        %dma_start3A_507 = arith.constant 1 : i32
        %dma_start3A_508 = arith.constant 1 : i32
        %dma_start3A_509 = arith.constant 1 : i32
        %dma_start3A_510 = arith.constant 0 : i32
        %dma_start3A_511 = arith.constant 0 : i32
        %dma_start3A_512 = tpu.memref_slice %arg7[%dma_start3A_509, %dma_start3A_510, %dma_start3A_511] : memref<4x200x64xf32, #tpu.memory_space<vmem>> -> memref<1x200x64xf32, #tpu.memory_space<vmem>>
        %dma_start3A_513 = tpu.memref_squeeze %dma_start3A_512 : memref<1x200x64xf32, #tpu.memory_space<vmem>> -> memref<200x64xf32, #tpu.memory_space<vmem>>
        %dma_start3A_514 = arith.constant 100 : i32
        %dma_start3A_515 = arith.constant 0 : i32
        %dma_start3A_516 = tpu.memref_slice %dma_start3A_513[%dma_start3A_514, %dma_start3A_515] : memref<200x64xf32, #tpu.memory_space<vmem>> -> memref<100x64xf32, #tpu.memory_space<vmem>>
        %dma_start3A_517 = arith.constant 0 : i32
        %dma_start3A_518 = arith.constant 0 : i32
        %dma_start3A_519 = tpu.memref_slice %arg6[%dma_start3A_507, %dma_start3A_517, %dma_start3A_518] : memref<4x2x100xi32, #tpu.memory_space<vmem>> -> memref<1x2x100xi32, #tpu.memory_space<vmem>>
        %dma_start3A_520 = tpu.memref_squeeze %dma_start3A_519 : memref<1x2x100xi32, #tpu.memory_space<vmem>> -> memref<2x100xi32, #tpu.memory_space<vmem>>
        %dma_start3A_521 = arith.constant 0 : i32
        %dma_start3A_522 = tpu.memref_slice %dma_start3A_520[%dma_start3A_508, %dma_start3A_521] : memref<2x100xi32, #tpu.memory_space<vmem>> -> memref<1x100xi32, #tpu.memory_space<vmem>>
        %dma_start3A_523 = tpu.memref_squeeze %dma_start3A_522 : memref<1x100xi32, #tpu.memory_space<vmem>> -> memref<100xi32, #tpu.memory_space<vmem>>
        %dma_start3A_524 = arith.constant 0 : i32
        %dma_start3A_525 = arith.constant 0 : i32
        %dma_start3A_526 = tpu.memref_slice %arg4[%dma_start3A_524, %dma_start3A_525] : memref<2000000x64xf32, #tpu.memory_space<hbm>> -> memref<2000000x64xf32, #tpu.memory_space<hbm>>
        tpu.enqueue_indirect_dma source(%dma_start3A_526 : memref<2000000x64xf32, #tpu.memory_space<hbm>>) target(%dma_start3A_516 : memref<100x64xf32, #tpu.memory_space<vmem>>) offsets(%dma_start3A_523 : memref<100xi32, #tpu.memory_space<vmem>>) semaphore(%arg10 : memref<!tpu.dma_semaphore, #tpu.memory_space<semaphore_mem>>)
      } else {
      }
      %dma_wait3A_127 = arith.constant 0 : i32
      %dma_wait3A_128 = arith.constant 0 : i32
      %dma_wait3A_129 = arith.constant 0 : i32
      %dma_wait3A_130 = arith.constant 0 : i32
      %dma_wait3A_131 = arith.constant 0 : i32
      %dma_wait3A_132 = tpu.memref_slice %arg7[%dma_wait3A_129, %dma_wait3A_130, %dma_wait3A_131] : memref<4x200x64xf32, #tpu.memory_space<vmem>> -> memref<1x200x64xf32, #tpu.memory_space<vmem>>
      %dma_wait3A_133 = tpu.memref_squeeze %dma_wait3A_132 : memref<1x200x64xf32, #tpu.memory_space<vmem>> -> memref<200x64xf32, #tpu.memory_space<vmem>>
      %dma_wait3A_134 = arith.constant 0 : i32
      %dma_wait3A_135 = arith.constant 0 : i32
      %dma_wait3A_136 = tpu.memref_slice %dma_wait3A_133[%dma_wait3A_134, %dma_wait3A_135] : memref<200x64xf32, #tpu.memory_space<vmem>> -> memref<100x64xf32, #tpu.memory_space<vmem>>
      %dma_wait3A_137 = arith.constant 0 : i32
      %dma_wait3A_138 = arith.constant 0 : i32
      %dma_wait3A_139 = tpu.memref_slice %arg6[%dma_wait3A_127, %dma_wait3A_137, %dma_wait3A_138] : memref<4x2x100xi32, #tpu.memory_space<vmem>> -> memref<1x2x100xi32, #tpu.memory_space<vmem>>
      %dma_wait3A_140 = tpu.memref_squeeze %dma_wait3A_139 : memref<1x2x100xi32, #tpu.memory_space<vmem>> -> memref<2x100xi32, #tpu.memory_space<vmem>>
      %dma_wait3A_141 = arith.constant 0 : i32
      %dma_wait3A_142 = tpu.memref_slice %dma_wait3A_140[%dma_wait3A_128, %dma_wait3A_141] : memref<2x100xi32, #tpu.memory_space<vmem>> -> memref<1x100xi32, #tpu.memory_space<vmem>>
      %dma_wait3A_143 = tpu.memref_squeeze %dma_wait3A_142 : memref<1x100xi32, #tpu.memory_space<vmem>> -> memref<100xi32, #tpu.memory_space<vmem>>
      %dma_wait3A_144 = arith.constant 0 : i32
      %dma_wait3A_145 = arith.constant 0 : i32
      %dma_wait3A_146 = tpu.memref_slice %arg4[%dma_wait3A_144, %dma_wait3A_145] : memref<2000000x64xf32, #tpu.memory_space<hbm>> -> memref<2000000x64xf32, #tpu.memory_space<hbm>>
      tpu.wait_indirect_dma semaphore(%arg9 : memref<!tpu.dma_semaphore, #tpu.memory_space<semaphore_mem>>) src(%dma_wait3A_146 : memref<2000000x64xf32, #tpu.memory_space<hbm>>) dst(%dma_wait3A_136 : memref<100x64xf32, #tpu.memory_space<vmem>>)
      %dma_wait3A_147 = arith.constant 0 : i32
      %dma_wait3A_148 = arith.constant 1 : i32
      %dma_wait3A_149 = arith.constant 0 : i32
      %dma_wait3A_150 = arith.constant 0 : i32
      %dma_wait3A_151 = arith.constant 0 : i32
      %dma_wait3A_152 = tpu.memref_slice %arg7[%dma_wait3A_149, %dma_wait3A_150, %dma_wait3A_151] : memref<4x200x64xf32, #tpu.memory_space<vmem>> -> memref<1x200x64xf32, #tpu.memory_space<vmem>>
      %dma_wait3A_153 = tpu.memref_squeeze %dma_wait3A_152 : memref<1x200x64xf32, #tpu.memory_space<vmem>> -> memref<200x64xf32, #tpu.memory_space<vmem>>
      %dma_wait3A_154 = arith.constant 100 : i32
      %dma_wait3A_155 = arith.constant 0 : i32
      %dma_wait3A_156 = tpu.memref_slice %dma_wait3A_153[%dma_wait3A_154, %dma_wait3A_155] : memref<200x64xf32, #tpu.memory_space<vmem>> -> memref<100x64xf32, #tpu.memory_space<vmem>>
      %dma_wait3A_157 = arith.constant 0 : i32
      %dma_wait3A_158 = arith.constant 0 : i32
      %dma_wait3A_159 = tpu.memref_slice %arg6[%dma_wait3A_147, %dma_wait3A_157, %dma_wait3A_158] : memref<4x2x100xi32, #tpu.memory_space<vmem>> -> memref<1x2x100xi32, #tpu.memory_space<vmem>>
      %dma_wait3A_160 = tpu.memref_squeeze %dma_wait3A_159 : memref<1x2x100xi32, #tpu.memory_space<vmem>> -> memref<2x100xi32, #tpu.memory_space<vmem>>
      %dma_wait3A_161 = arith.constant 0 : i32
      %dma_wait3A_162 = tpu.memref_slice %dma_wait3A_160[%dma_wait3A_148, %dma_wait3A_161] : memref<2x100xi32, #tpu.memory_space<vmem>> -> memref<1x100xi32, #tpu.memory_space<vmem>>
      %dma_wait3A_163 = tpu.memref_squeeze %dma_wait3A_162 : memref<1x100xi32, #tpu.memory_space<vmem>> -> memref<100xi32, #tpu.memory_space<vmem>>
      %dma_wait3A_164 = arith.constant 0 : i32
      %dma_wait3A_165 = arith.constant 0 : i32
      %dma_wait3A_166 = tpu.memref_slice %arg4[%dma_wait3A_164, %dma_wait3A_165] : memref<2000000x64xf32, #tpu.memory_space<hbm>> -> memref<2000000x64xf32, #tpu.memory_space<hbm>>
      tpu.wait_indirect_dma semaphore(%arg9 : memref<!tpu.dma_semaphore, #tpu.memory_space<semaphore_mem>>) src(%dma_wait3A_166 : memref<2000000x64xf32, #tpu.memory_space<hbm>>) dst(%dma_wait3A_156 : memref<100x64xf32, #tpu.memory_space<vmem>>)
      %get3A = arith.index_cast %add3A_122 : i32 to index
      %get3A_167 = arith.constant 0 : index
      %get3A_168 = tpu.vector_load %arg8[%get3A, %get3A_167] {strides = array<i32>} : memref<512x64xf32, #tpu.memory_space<vmem>>, vector<1x16xf32>,
      %get3A_169 = vector.shape_cast %get3A_168 : vector<1x16xf32> to vector<16xf32>
      %get3A_170 = arith.index_cast %add3A_122 : i32 to index
      %get3A_171 = arith.constant 16 : index
      %get3A_172 = tpu.vector_load %arg8[%get3A_170, %get3A_171] {strides = array<i32>} : memref<512x64xf32, #tpu.memory_space<vmem>>, vector<1x16xf32>,
      %get3A_173 = vector.shape_cast %get3A_172 : vector<1x16xf32> to vector<16xf32>
      %get3A_174 = arith.index_cast %add3A_122 : i32 to index
      %get3A_175 = arith.constant 32 : index
      %get3A_176 = tpu.vector_load %arg8[%get3A_174, %get3A_175] {strides = array<i32>} : memref<512x64xf32, #tpu.memory_space<vmem>>, vector<1x16xf32>,
      %get3A_177 = vector.shape_cast %get3A_176 : vector<1x16xf32> to vector<16xf32>
      %get3A_178 = arith.index_cast %add3A_122 : i32 to index
      %get3A_179 = arith.constant 48 : index
      %get3A_180 = tpu.vector_load %arg8[%get3A_178, %get3A_179] {strides = array<i32>} : memref<512x64xf32, #tpu.memory_space<vmem>>, vector<1x16xf32>,
      %get3A_181 = vector.shape_cast %get3A_180 : vector<1x16xf32> to vector<16xf32>
      %scan3A_182 = arith.constant 0 : i32
      %scan3A_183 = arith.constant 0 : i32
      %scan3A_184 = arith.constant 200 : i32
      %scan3A_185 = arith.addi %scan3A_183, %scan3A_184 : i32
      %scan3A_186 = arith.constant 4 : i32
      scf.for %scan3A_479 = %scan3A_183 to %scan3A_185 step %scan3A_186  : i32 {
        %get3A_480 = arith.constant 0 : i32
        %get3A_481 = arith.index_cast %get3A_480 : i32 to index
        %get3A_482 = arith.index_cast %scan3A_479 : i32 to index
        %get3A_483 = arith.constant 0 : index
        %get3A_484 = tpu.vector_load %arg7[%get3A_481, %get3A_482, %get3A_483] {strides = array<i32>} : memref<4x200x64xf32, #tpu.memory_space<vmem>>, vector<1x1x16xf32>,
        %get3A_485 = vector.shape_cast %get3A_484 : vector<1x1x16xf32> to vector<16xf32>
        %add3A_486 = arith.addf %get3A_485, %get3A_169 : vector<16xf32>
        %swap3A = arith.constant 0 : i32
        %swap3A_487 = arith.index_cast %swap3A : i32 to index
        %swap3A_488 = arith.index_cast %scan3A_479 : i32 to index
        %swap3A_489 = arith.constant 0 : index
        %swap3A_490 = tpu.vector_load %arg7[%swap3A_487, %swap3A_488, %swap3A_489] {strides = array<i32>} : memref<4x200x64xf32, #tpu.memory_space<vmem>>, vector<1x1x16xf32>,
        %swap3A_491 = vector.shape_cast %swap3A_490 : vector<1x1x16xf32> to vector<16xf32>
        %swap3A_492 = vector.shape_cast %add3A_486 : vector<16xf32> to vector<1x1x16xf32>
        tpu.vector_store %arg7[%swap3A_487, %swap3A_488, %swap3A_489], %swap3A_492 {strides = array<i32>} : memref<4x200x64xf32, #tpu.memory_space<vmem>>, vector<1x1x16xf32>,
        %get3A_493 = arith.constant 0 : i32
        %get3A_494 = arith.index_cast %get3A_493 : i32 to index
        %get3A_495 = arith.index_cast %scan3A_479 : i32 to index
        %get3A_496 = arith.constant 16 : index
        %get3A_497 = tpu.vector_load %arg7[%get3A_494, %get3A_495, %get3A_496] {strides = array<i32>} : memref<4x200x64xf32, #tpu.memory_space<vmem>>, vector<1x1x16xf32>,
        %get3A_498 = vector.shape_cast %get3A_497 : vector<1x1x16xf32> to vector<16xf32>
        %add3A_499 = arith.addf %get3A_498, %get3A_173 : vector<16xf32>
        %swap3A_500 = arith.constant 0 : i32
        %swap3A_501 = arith.index_cast %swap3A_500 : i32 to index
        %swap3A_502 = arith.index_cast %scan3A_479 : i32 to index
        %swap3A_503 = arith.constant 16 : index
        %swap3A_504 = tpu.vector_load %arg7[%swap3A_501, %swap3A_502, %swap3A_503] {strides = array<i32>} : memref<4x200x64xf32, #tpu.memory_space<vmem>>, vector<1x1x16xf32>,
        %swap3A_505 = vector.shape_cast %swap3A_504 : vector<1x1x16xf32> to vector<16xf32>
        %swap3A_506 = vector.shape_cast %add3A_499 : vector<16xf32> to vector<1x1x16xf32>
        tpu.vector_store %arg7[%swap3A_501, %swap3A_502, %swap3A_503], %swap3A_506 {strides = array<i32>} : memref<4x200x64xf32, #tpu.memory_space<vmem>>, vector<1x1x16xf32>,
        %get3A_507 = arith.constant 0 : i32
        %get3A_508 = arith.index_cast %get3A_507 : i32 to index
        %get3A_509 = arith.index_cast %scan3A_479 : i32 to index
        %get3A_510 = arith.constant 32 : index
        %get3A_511 = tpu.vector_load %arg7[%get3A_508, %get3A_509, %get3A_510] {strides = array<i32>} : memref<4x200x64xf32, #tpu.memory_space<vmem>>, vector<1x1x16xf32>,
        %get3A_512 = vector.shape_cast %get3A_511 : vector<1x1x16xf32> to vector<16xf32>
        %add3A_513 = arith.addf %get3A_512, %get3A_177 : vector<16xf32>
        %swap3A_514 = arith.constant 0 : i32
        %swap3A_515 = arith.index_cast %swap3A_514 : i32 to index
        %swap3A_516 = arith.index_cast %scan3A_479 : i32 to index
        %swap3A_517 = arith.constant 32 : index
        %swap3A_518 = tpu.vector_load %arg7[%swap3A_515, %swap3A_516, %swap3A_517] {strides = array<i32>} : memref<4x200x64xf32, #tpu.memory_space<vmem>>, vector<1x1x16xf32>,
        %swap3A_519 = vector.shape_cast %swap3A_518 : vector<1x1x16xf32> to vector<16xf32>
        %swap3A_520 = vector.shape_cast %add3A_513 : vector<16xf32> to vector<1x1x16xf32>
        tpu.vector_store %arg7[%swap3A_515, %swap3A_516, %swap3A_517], %swap3A_520 {strides = array<i32>} : memref<4x200x64xf32, #tpu.memory_space<vmem>>, vector<1x1x16xf32>,
        %get3A_521 = arith.constant 0 : i32
        %get3A_522 = arith.index_cast %get3A_521 : i32 to index
        %get3A_523 = arith.index_cast %scan3A_479 : i32 to index
        %get3A_524 = arith.constant 48 : index
        %get3A_525 = tpu.vector_load %arg7[%get3A_522, %get3A_523, %get3A_524] {strides = array<i32>} : memref<4x200x64xf32, #tpu.memory_space<vmem>>, vector<1x1x16xf32>,
        %get3A_526 = vector.shape_cast %get3A_525 : vector<1x1x16xf32> to vector<16xf32>
        %add3A_527 = arith.addf %get3A_526, %get3A_181 : vector<16xf32>
        %swap3A_528 = arith.constant 0 : i32
        %swap3A_529 = arith.index_cast %swap3A_528 : i32 to index
        %swap3A_530 = arith.index_cast %scan3A_479 : i32 to index
        %swap3A_531 = arith.constant 48 : index
        %swap3A_532 = tpu.vector_load %arg7[%swap3A_529, %swap3A_530, %swap3A_531] {strides = array<i32>} : memref<4x200x64xf32, #tpu.memory_space<vmem>>, vector<1x1x16xf32>,
        %swap3A_533 = vector.shape_cast %swap3A_532 : vector<1x1x16xf32> to vector<16xf32>
        %swap3A_534 = vector.shape_cast %add3A_527 : vector<16xf32> to vector<1x1x16xf32>
        tpu.vector_store %arg7[%swap3A_529, %swap3A_530, %swap3A_531], %swap3A_534 {strides = array<i32>} : memref<4x200x64xf32, #tpu.memory_space<vmem>>, vector<1x1x16xf32>,
        %scan3A_535 = arith.constant 1 : i32
        %scan3A_536 = arith.addi %scan3A_479, %scan3A_535 : i32
        %get3A_537 = arith.constant 0 : i32
        %get3A_538 = arith.index_cast %get3A_537 : i32 to index
        %get3A_539 = arith.index_cast %scan3A_536 : i32 to index
        %get3A_540 = arith.constant 0 : index
        %get3A_541 = tpu.vector_load %arg7[%get3A_538, %get3A_539, %get3A_540] {strides = array<i32>} : memref<4x200x64xf32, #tpu.memory_space<vmem>>, vector<1x1x16xf32>,
        %get3A_542 = vector.shape_cast %get3A_541 : vector<1x1x16xf32> to vector<16xf32>
        %add3A_543 = arith.addf %get3A_542, %get3A_169 : vector<16xf32>
        %swap3A_544 = arith.constant 0 : i32
        %swap3A_545 = arith.index_cast %swap3A_544 : i32 to index
        %swap3A_546 = arith.index_cast %scan3A_536 : i32 to index
        %swap3A_547 = arith.constant 0 : index
        %swap3A_548 = tpu.vector_load %arg7[%swap3A_545, %swap3A_546, %swap3A_547] {strides = array<i32>} : memref<4x200x64xf32, #tpu.memory_space<vmem>>, vector<1x1x16xf32>,
        %swap3A_549 = vector.shape_cast %swap3A_548 : vector<1x1x16xf32> to vector<16xf32>
        %swap3A_550 = vector.shape_cast %add3A_543 : vector<16xf32> to vector<1x1x16xf32>
        tpu.vector_store %arg7[%swap3A_545, %swap3A_546, %swap3A_547], %swap3A_550 {strides = array<i32>} : memref<4x200x64xf32, #tpu.memory_space<vmem>>, vector<1x1x16xf32>,
        %get3A_551 = arith.constant 0 : i32
        %get3A_552 = arith.index_cast %get3A_551 : i32 to index
        %get3A_553 = arith.index_cast %scan3A_536 : i32 to index
        %get3A_554 = arith.constant 16 : index
        %get3A_555 = tpu.vector_load %arg7[%get3A_552, %get3A_553, %get3A_554] {strides = array<i32>} : memref<4x200x64xf32, #tpu.memory_space<vmem>>, vector<1x1x16xf32>,
        %get3A_556 = vector.shape_cast %get3A_555 : vector<1x1x16xf32> to vector<16xf32>
        %add3A_557 = arith.addf %get3A_556, %get3A_173 : vector<16xf32>
        %swap3A_558 = arith.constant 0 : i32
        %swap3A_559 = arith.index_cast %swap3A_558 : i32 to index
        %swap3A_560 = arith.index_cast %scan3A_536 : i32 to index
        %swap3A_561 = arith.constant 16 : index
        %swap3A_562 = tpu.vector_load %arg7[%swap3A_559, %swap3A_560, %swap3A_561] {strides = array<i32>} : memref<4x200x64xf32, #tpu.memory_space<vmem>>, vector<1x1x16xf32>,
        %swap3A_563 = vector.shape_cast %swap3A_562 : vector<1x1x16xf32> to vector<16xf32>
        %swap3A_564 = vector.shape_cast %add3A_557 : vector<16xf32> to vector<1x1x16xf32>
        tpu.vector_store %arg7[%swap3A_559, %swap3A_560, %swap3A_561], %swap3A_564 {strides = array<i32>} : memref<4x200x64xf32, #tpu.memory_space<vmem>>, vector<1x1x16xf32>,
        %get3A_565 = arith.constant 0 : i32
        %get3A_566 = arith.index_cast %get3A_565 : i32 to index
        %get3A_567 = arith.index_cast %scan3A_536 : i32 to index
        %get3A_568 = arith.constant 32 : index
        %get3A_569 = tpu.vector_load %arg7[%get3A_566, %get3A_567, %get3A_568] {strides = array<i32>} : memref<4x200x64xf32, #tpu.memory_space<vmem>>, vector<1x1x16xf32>,
        %get3A_570 = vector.shape_cast %get3A_569 : vector<1x1x16xf32> to vector<16xf32>
        %add3A_571 = arith.addf %get3A_570, %get3A_177 : vector<16xf32>
        %swap3A_572 = arith.constant 0 : i32
        %swap3A_573 = arith.index_cast %swap3A_572 : i32 to index
        %swap3A_574 = arith.index_cast %scan3A_536 : i32 to index
        %swap3A_575 = arith.constant 32 : index
        %swap3A_576 = tpu.vector_load %arg7[%swap3A_573, %swap3A_574, %swap3A_575] {strides = array<i32>} : memref<4x200x64xf32, #tpu.memory_space<vmem>>, vector<1x1x16xf32>,
        %swap3A_577 = vector.shape_cast %swap3A_576 : vector<1x1x16xf32> to vector<16xf32>
        %swap3A_578 = vector.shape_cast %add3A_571 : vector<16xf32> to vector<1x1x16xf32>
        tpu.vector_store %arg7[%swap3A_573, %swap3A_574, %swap3A_575], %swap3A_578 {strides = array<i32>} : memref<4x200x64xf32, #tpu.memory_space<vmem>>, vector<1x1x16xf32>,
        %get3A_579 = arith.constant 0 : i32
        %get3A_580 = arith.index_cast %get3A_579 : i32 to index
        %get3A_581 = arith.index_cast %scan3A_536 : i32 to index
        %get3A_582 = arith.constant 48 : index
        %get3A_583 = tpu.vector_load %arg7[%get3A_580, %get3A_581, %get3A_582] {strides = array<i32>} : memref<4x200x64xf32, #tpu.memory_space<vmem>>, vector<1x1x16xf32>,
        %get3A_584 = vector.shape_cast %get3A_583 : vector<1x1x16xf32> to vector<16xf32>
        %add3A_585 = arith.addf %get3A_584, %get3A_181 : vector<16xf32>
        %swap3A_586 = arith.constant 0 : i32
        %swap3A_587 = arith.index_cast %swap3A_586 : i32 to index
        %swap3A_588 = arith.index_cast %scan3A_536 : i32 to index
        %swap3A_589 = arith.constant 48 : index
        %swap3A_590 = tpu.vector_load %arg7[%swap3A_587, %swap3A_588, %swap3A_589] {strides = array<i32>} : memref<4x200x64xf32, #tpu.memory_space<vmem>>, vector<1x1x16xf32>,
        %swap3A_591 = vector.shape_cast %swap3A_590 : vector<1x1x16xf32> to vector<16xf32>
        %swap3A_592 = vector.shape_cast %add3A_585 : vector<16xf32> to vector<1x1x16xf32>
        tpu.vector_store %arg7[%swap3A_587, %swap3A_588, %swap3A_589], %swap3A_592 {strides = array<i32>} : memref<4x200x64xf32, #tpu.memory_space<vmem>>, vector<1x1x16xf32>,
        %scan3A_593 = arith.constant 2 : i32
        %scan3A_594 = arith.addi %scan3A_479, %scan3A_593 : i32
        %get3A_595 = arith.constant 0 : i32
        %get3A_596 = arith.index_cast %get3A_595 : i32 to index
        %get3A_597 = arith.index_cast %scan3A_594 : i32 to index
        %get3A_598 = arith.constant 0 : index
        %get3A_599 = tpu.vector_load %arg7[%get3A_596, %get3A_597, %get3A_598] {strides = array<i32>} : memref<4x200x64xf32, #tpu.memory_space<vmem>>, vector<1x1x16xf32>,
        %get3A_600 = vector.shape_cast %get3A_599 : vector<1x1x16xf32> to vector<16xf32>
        %add3A_601 = arith.addf %get3A_600, %get3A_169 : vector<16xf32>
        %swap3A_602 = arith.constant 0 : i32
        %swap3A_603 = arith.index_cast %swap3A_602 : i32 to index
        %swap3A_604 = arith.index_cast %scan3A_594 : i32 to index
        %swap3A_605 = arith.constant 0 : index
        %swap3A_606 = tpu.vector_load %arg7[%swap3A_603, %swap3A_604, %swap3A_605] {strides = array<i32>} : memref<4x200x64xf32, #tpu.memory_space<vmem>>, vector<1x1x16xf32>,
        %swap3A_607 = vector.shape_cast %swap3A_606 : vector<1x1x16xf32> to vector<16xf32>
        %swap3A_608 = vector.shape_cast %add3A_601 : vector<16xf32> to vector<1x1x16xf32>
        tpu.vector_store %arg7[%swap3A_603, %swap3A_604, %swap3A_605], %swap3A_608 {strides = array<i32>} : memref<4x200x64xf32, #tpu.memory_space<vmem>>, vector<1x1x16xf32>,
        %get3A_609 = arith.constant 0 : i32
        %get3A_610 = arith.index_cast %get3A_609 : i32 to index
        %get3A_611 = arith.index_cast %scan3A_594 : i32 to index
        %get3A_612 = arith.constant 16 : index
        %get3A_613 = tpu.vector_load %arg7[%get3A_610, %get3A_611, %get3A_612] {strides = array<i32>} : memref<4x200x64xf32, #tpu.memory_space<vmem>>, vector<1x1x16xf32>,
        %get3A_614 = vector.shape_cast %get3A_613 : vector<1x1x16xf32> to vector<16xf32>
        %add3A_615 = arith.addf %get3A_614, %get3A_173 : vector<16xf32>
        %swap3A_616 = arith.constant 0 : i32
        %swap3A_617 = arith.index_cast %swap3A_616 : i32 to index
        %swap3A_618 = arith.index_cast %scan3A_594 : i32 to index
        %swap3A_619 = arith.constant 16 : index
        %swap3A_620 = tpu.vector_load %arg7[%swap3A_617, %swap3A_618, %swap3A_619] {strides = array<i32>} : memref<4x200x64xf32, #tpu.memory_space<vmem>>, vector<1x1x16xf32>,
        %swap3A_621 = vector.shape_cast %swap3A_620 : vector<1x1x16xf32> to vector<16xf32>
        %swap3A_622 = vector.shape_cast %add3A_615 : vector<16xf32> to vector<1x1x16xf32>
        tpu.vector_store %arg7[%swap3A_617, %swap3A_618, %swap3A_619], %swap3A_622 {strides = array<i32>} : memref<4x200x64xf32, #tpu.memory_space<vmem>>, vector<1x1x16xf32>,
        %get3A_623 = arith.constant 0 : i32
        %get3A_624 = arith.index_cast %get3A_623 : i32 to index
        %get3A_625 = arith.index_cast %scan3A_594 : i32 to index
        %get3A_626 = arith.constant 32 : index
        %get3A_627 = tpu.vector_load %arg7[%get3A_624, %get3A_625, %get3A_626] {strides = array<i32>} : memref<4x200x64xf32, #tpu.memory_space<vmem>>, vector<1x1x16xf32>,
        %get3A_628 = vector.shape_cast %get3A_627 : vector<1x1x16xf32> to vector<16xf32>
        %add3A_629 = arith.addf %get3A_628, %get3A_177 : vector<16xf32>
        %swap3A_630 = arith.constant 0 : i32
        %swap3A_631 = arith.index_cast %swap3A_630 : i32 to index
        %swap3A_632 = arith.index_cast %scan3A_594 : i32 to index
        %swap3A_633 = arith.constant 32 : index
        %swap3A_634 = tpu.vector_load %arg7[%swap3A_631, %swap3A_632, %swap3A_633] {strides = array<i32>} : memref<4x200x64xf32, #tpu.memory_space<vmem>>, vector<1x1x16xf32>,
        %swap3A_635 = vector.shape_cast %swap3A_634 : vector<1x1x16xf32> to vector<16xf32>
        %swap3A_636 = vector.shape_cast %add3A_629 : vector<16xf32> to vector<1x1x16xf32>
        tpu.vector_store %arg7[%swap3A_631, %swap3A_632, %swap3A_633], %swap3A_636 {strides = array<i32>} : memref<4x200x64xf32, #tpu.memory_space<vmem>>, vector<1x1x16xf32>,
        %get3A_637 = arith.constant 0 : i32
        %get3A_638 = arith.index_cast %get3A_637 : i32 to index
        %get3A_639 = arith.index_cast %scan3A_594 : i32 to index
        %get3A_640 = arith.constant 48 : index
        %get3A_641 = tpu.vector_load %arg7[%get3A_638, %get3A_639, %get3A_640] {strides = array<i32>} : memref<4x200x64xf32, #tpu.memory_space<vmem>>, vector<1x1x16xf32>,
        %get3A_642 = vector.shape_cast %get3A_641 : vector<1x1x16xf32> to vector<16xf32>
        %add3A_643 = arith.addf %get3A_642, %get3A_181 : vector<16xf32>
        %swap3A_644 = arith.constant 0 : i32
        %swap3A_645 = arith.index_cast %swap3A_644 : i32 to index
        %swap3A_646 = arith.index_cast %scan3A_594 : i32 to index
        %swap3A_647 = arith.constant 48 : index
        %swap3A_648 = tpu.vector_load %arg7[%swap3A_645, %swap3A_646, %swap3A_647] {strides = array<i32>} : memref<4x200x64xf32, #tpu.memory_space<vmem>>, vector<1x1x16xf32>,
        %swap3A_649 = vector.shape_cast %swap3A_648 : vector<1x1x16xf32> to vector<16xf32>
        %swap3A_650 = vector.shape_cast %add3A_643 : vector<16xf32> to vector<1x1x16xf32>
        tpu.vector_store %arg7[%swap3A_645, %swap3A_646, %swap3A_647], %swap3A_650 {strides = array<i32>} : memref<4x200x64xf32, #tpu.memory_space<vmem>>, vector<1x1x16xf32>,
        %scan3A_651 = arith.constant 3 : i32
        %scan3A_652 = arith.addi %scan3A_479, %scan3A_651 : i32
        %get3A_653 = arith.constant 0 : i32
        %get3A_654 = arith.index_cast %get3A_653 : i32 to index
        %get3A_655 = arith.index_cast %scan3A_652 : i32 to index
        %get3A_656 = arith.constant 0 : index
        %get3A_657 = tpu.vector_load %arg7[%get3A_654, %get3A_655, %get3A_656] {strides = array<i32>} : memref<4x200x64xf32, #tpu.memory_space<vmem>>, vector<1x1x16xf32>,
        %get3A_658 = vector.shape_cast %get3A_657 : vector<1x1x16xf32> to vector<16xf32>
        %add3A_659 = arith.addf %get3A_658, %get3A_169 : vector<16xf32>
        %swap3A_660 = arith.constant 0 : i32
        %swap3A_661 = arith.index_cast %swap3A_660 : i32 to index
        %swap3A_662 = arith.index_cast %scan3A_652 : i32 to index
        %swap3A_663 = arith.constant 0 : index
        %swap3A_664 = tpu.vector_load %arg7[%swap3A_661, %swap3A_662, %swap3A_663] {strides = array<i32>} : memref<4x200x64xf32, #tpu.memory_space<vmem>>, vector<1x1x16xf32>,
        %swap3A_665 = vector.shape_cast %swap3A_664 : vector<1x1x16xf32> to vector<16xf32>
        %swap3A_666 = vector.shape_cast %add3A_659 : vector<16xf32> to vector<1x1x16xf32>
        tpu.vector_store %arg7[%swap3A_661, %swap3A_662, %swap3A_663], %swap3A_666 {strides = array<i32>} : memref<4x200x64xf32, #tpu.memory_space<vmem>>, vector<1x1x16xf32>,
        %get3A_667 = arith.constant 0 : i32
        %get3A_668 = arith.index_cast %get3A_667 : i32 to index
        %get3A_669 = arith.index_cast %scan3A_652 : i32 to index
        %get3A_670 = arith.constant 16 : index
        %get3A_671 = tpu.vector_load %arg7[%get3A_668, %get3A_669, %get3A_670] {strides = array<i32>} : memref<4x200x64xf32, #tpu.memory_space<vmem>>, vector<1x1x16xf32>,
        %get3A_672 = vector.shape_cast %get3A_671 : vector<1x1x16xf32> to vector<16xf32>
        %add3A_673 = arith.addf %get3A_672, %get3A_173 : vector<16xf32>
        %swap3A_674 = arith.constant 0 : i32
        %swap3A_675 = arith.index_cast %swap3A_674 : i32 to index
        %swap3A_676 = arith.index_cast %scan3A_652 : i32 to index
        %swap3A_677 = arith.constant 16 : index
        %swap3A_678 = tpu.vector_load %arg7[%swap3A_675, %swap3A_676, %swap3A_677] {strides = array<i32>} : memref<4x200x64xf32, #tpu.memory_space<vmem>>, vector<1x1x16xf32>,
        %swap3A_679 = vector.shape_cast %swap3A_678 : vector<1x1x16xf32> to vector<16xf32>
        %swap3A_680 = vector.shape_cast %add3A_673 : vector<16xf32> to vector<1x1x16xf32>
        tpu.vector_store %arg7[%swap3A_675, %swap3A_676, %swap3A_677], %swap3A_680 {strides = array<i32>} : memref<4x200x64xf32, #tpu.memory_space<vmem>>, vector<1x1x16xf32>,
        %get3A_681 = arith.constant 0 : i32
        %get3A_682 = arith.index_cast %get3A_681 : i32 to index
        %get3A_683 = arith.index_cast %scan3A_652 : i32 to index
        %get3A_684 = arith.constant 32 : index
        %get3A_685 = tpu.vector_load %arg7[%get3A_682, %get3A_683, %get3A_684] {strides = array<i32>} : memref<4x200x64xf32, #tpu.memory_space<vmem>>, vector<1x1x16xf32>,
        %get3A_686 = vector.shape_cast %get3A_685 : vector<1x1x16xf32> to vector<16xf32>
        %add3A_687 = arith.addf %get3A_686, %get3A_177 : vector<16xf32>
        %swap3A_688 = arith.constant 0 : i32
        %swap3A_689 = arith.index_cast %swap3A_688 : i32 to index
        %swap3A_690 = arith.index_cast %scan3A_652 : i32 to index
        %swap3A_691 = arith.constant 32 : index
        %swap3A_692 = tpu.vector_load %arg7[%swap3A_689, %swap3A_690, %swap3A_691] {strides = array<i32>} : memref<4x200x64xf32, #tpu.memory_space<vmem>>, vector<1x1x16xf32>,
        %swap3A_693 = vector.shape_cast %swap3A_692 : vector<1x1x16xf32> to vector<16xf32>
        %swap3A_694 = vector.shape_cast %add3A_687 : vector<16xf32> to vector<1x1x16xf32>
        tpu.vector_store %arg7[%swap3A_689, %swap3A_690, %swap3A_691], %swap3A_694 {strides = array<i32>} : memref<4x200x64xf32, #tpu.memory_space<vmem>>, vector<1x1x16xf32>,
        %get3A_695 = arith.constant 0 : i32
        %get3A_696 = arith.index_cast %get3A_695 : i32 to index
        %get3A_697 = arith.index_cast %scan3A_652 : i32 to index
        %get3A_698 = arith.constant 48 : index
        %get3A_699 = tpu.vector_load %arg7[%get3A_696, %get3A_697, %get3A_698] {strides = array<i32>} : memref<4x200x64xf32, #tpu.memory_space<vmem>>, vector<1x1x16xf32>,
        %get3A_700 = vector.shape_cast %get3A_699 : vector<1x1x16xf32> to vector<16xf32>
        %add3A_701 = arith.addf %get3A_700, %get3A_181 : vector<16xf32>
        %swap3A_702 = arith.constant 0 : i32
        %swap3A_703 = arith.index_cast %swap3A_702 : i32 to index
        %swap3A_704 = arith.index_cast %scan3A_652 : i32 to index
        %swap3A_705 = arith.constant 48 : index
        %swap3A_706 = tpu.vector_load %arg7[%swap3A_703, %swap3A_704, %swap3A_705] {strides = array<i32>} : memref<4x200x64xf32, #tpu.memory_space<vmem>>, vector<1x1x16xf32>,
        %swap3A_707 = vector.shape_cast %swap3A_706 : vector<1x1x16xf32> to vector<16xf32>
        %swap3A_708 = vector.shape_cast %add3A_701 : vector<16xf32> to vector<1x1x16xf32>
        tpu.vector_store %arg7[%swap3A_703, %swap3A_704, %swap3A_705], %swap3A_708 {strides = array<i32>} : memref<4x200x64xf32, #tpu.memory_space<vmem>>, vector<1x1x16xf32>,
      }
      %scan3A_187 = arith.constant 200 : i32
      %add3A_188 = arith.addi %mul3A_2, %add3A_122 : i32
      %dma_start3A_189 = arith.constant 0 : i32
      %dma_start3A_190 = arith.constant 0 : i32
      %dma_start3A_191 = arith.constant 0 : i32
      %dma_start3A_192 = tpu.memref_slice %arg7[%dma_start3A_189, %dma_start3A_190, %dma_start3A_191] : memref<4x200x64xf32, #tpu.memory_space<vmem>> -> memref<1x200x64xf32, #tpu.memory_space<vmem>>
      %dma_start3A_193 = tpu.memref_squeeze %dma_start3A_192 : memref<1x200x64xf32, #tpu.memory_space<vmem>> -> memref<200x64xf32, #tpu.memory_space<vmem>>
      %dma_start3A_194 = arith.constant 0 : i32
      %dma_start3A_195 = arith.constant 0 : i32
      %dma_start3A_196 = tpu.memref_slice %arg5[%add3A_188, %dma_start3A_194, %dma_start3A_195] : memref<16384x200x128xf32, #tpu.memory_space<hbm>> -> memref<1x200x64xf32, #tpu.memory_space<hbm>>
      %dma_start3A_197 = tpu.memref_squeeze %dma_start3A_196 : memref<1x200x64xf32, #tpu.memory_space<hbm>> -> memref<200x64xf32, #tpu.memory_space<hbm>>
      %dma_start3A_198 = arith.constant 0 : i32
      %dma_start3A_199 = arith.constant 0 : i32
      %dma_start3A_200 = tpu.memref_slice %arg5[%add3A_188, %dma_start3A_198, %dma_start3A_199] : memref<16384x200x128xf32, #tpu.memory_space<hbm>> -> memref<1x200x64xf32, #tpu.memory_space<hbm>>
      %dma_start3A_201 = tpu.memref_squeeze %dma_start3A_200 : memref<1x200x64xf32, #tpu.memory_space<hbm>> -> memref<200x64xf32, #tpu.memory_space<hbm>>
      %dma_start3A_202 = arith.constant 0 : i32
      %dma_start3A_203 = arith.constant 0 : i32
      %dma_start3A_204 = tpu.memref_slice %arg7[%dma_start3A_189, %dma_start3A_202, %dma_start3A_203] : memref<4x200x64xf32, #tpu.memory_space<vmem>> -> memref<1x200x64xf32, #tpu.memory_space<vmem>>
      %dma_start3A_205 = tpu.memref_squeeze %dma_start3A_204 : memref<1x200x64xf32, #tpu.memory_space<vmem>> -> memref<200x64xf32, #tpu.memory_space<vmem>>
      tpu.enqueue_dma source(%dma_start3A_205 : memref<200x64xf32, #tpu.memory_space<vmem>>) target(%dma_start3A_201 : memref<200x64xf32, #tpu.memory_space<hbm>>) target_semaphore(%arg13 : memref<!tpu.dma_semaphore, #tpu.memory_space<semaphore_mem>>)
      %mul3A_206 = arith.constant 4 : i32
      %mul3A_207 = arith.muli %scan3A_118, %mul3A_206 : i32
      %add3A_208 = arith.constant 1 : i32
      %add3A_209 = arith.addi %mul3A_207, %add3A_208 : i32
      %add3A_210 = arith.constant 1 : i32
      %add3A_211 = arith.addi %add3A_209, %add3A_210 : i32
      %lt3A_212 = arith.constant 512 : i32
      %lt3A_213 = arith.cmpi slt, %add3A_211, %lt3A_212 : i32
      %convert_element_type3A_214 = arith.extui %lt3A_213 : i1 to i32
      %cond3A_215 = arith.constant 0 : i32
      %cond3A_216 = arith.cmpi ne, %convert_element_type3A_214, %cond3A_215 : i32
      scf.if %cond3A_216 {
        %ge3A = arith.constant 4 : i32
        %ge3A_479 = arith.cmpi sge, %add3A_211, %ge3A : i32
        %convert_element_type3A_480 = arith.extui %ge3A_479 : i1 to i32
        %cond3A_481 = arith.constant 0 : i32
        %cond3A_482 = arith.cmpi ne, %convert_element_type3A_480, %cond3A_481 : i32
        scf.if %cond3A_482 {
          %dma_wait3A_527 = arith.constant 2 : i32
          %dma_wait3A_528 = arith.constant 0 : i32
          %dma_wait3A_529 = arith.constant 0 : i32
          %dma_wait3A_530 = tpu.memref_slice %arg7[%dma_wait3A_527, %dma_wait3A_528, %dma_wait3A_529] : memref<4x200x64xf32, #tpu.memory_space<vmem>> -> memref<1x200x64xf32, #tpu.memory_space<vmem>>
          %dma_wait3A_531 = tpu.memref_squeeze %dma_wait3A_530 : memref<1x200x64xf32, #tpu.memory_space<vmem>> -> memref<200x64xf32, #tpu.memory_space<vmem>>
          %dma_wait3A_532 = arith.constant 0 : i32
          %dma_wait3A_533 = arith.constant 0 : i32
          %dma_wait3A_534 = tpu.memref_slice %arg5[%mul3A_2, %dma_wait3A_532, %dma_wait3A_533] : memref<16384x200x128xf32, #tpu.memory_space<hbm>> -> memref<1x200x64xf32, #tpu.memory_space<hbm>>
          %dma_wait3A_535 = tpu.memref_squeeze %dma_wait3A_534 : memref<1x200x64xf32, #tpu.memory_space<hbm>> -> memref<200x64xf32, #tpu.memory_space<hbm>>
          %dma_wait3A_536 = arith.constant 0 : i32
          %dma_wait3A_537 = arith.constant 0 : i32
          %dma_wait3A_538 = tpu.memref_slice %arg5[%mul3A_2, %dma_wait3A_536, %dma_wait3A_537] : memref<16384x200x128xf32, #tpu.memory_space<hbm>> -> memref<1x200x64xf32, #tpu.memory_space<hbm>>
          %dma_wait3A_539 = tpu.memref_squeeze %dma_wait3A_538 : memref<1x200x64xf32, #tpu.memory_space<hbm>> -> memref<200x64xf32, #tpu.memory_space<hbm>>
          %dma_wait3A_540 = arith.constant 0 : i32
          %dma_wait3A_541 = arith.constant 0 : i32
          %dma_wait3A_542 = tpu.memref_slice %arg7[%dma_wait3A_527, %dma_wait3A_540, %dma_wait3A_541] : memref<4x200x64xf32, #tpu.memory_space<vmem>> -> memref<1x200x64xf32, #tpu.memory_space<vmem>>
          %dma_wait3A_543 = tpu.memref_squeeze %dma_wait3A_542 : memref<1x200x64xf32, #tpu.memory_space<vmem>> -> memref<200x64xf32, #tpu.memory_space<vmem>>
          tpu.wait_dma2 semaphore(%arg15 : memref<!tpu.dma_semaphore, #tpu.memory_space<semaphore_mem>>) src(%dma_wait3A_543 : memref<200x64xf32, #tpu.memory_space<vmem>>) dst(%dma_wait3A_539 : memref<200x64xf32, #tpu.memory_space<hbm>>)
        } else {
        }
        %add3A_483 = arith.addi %mul3A_2, %add3A_211 : i32
        %mul3A_484 = arith.constant 2 : i32
        %mul3A_485 = arith.muli %add3A_483, %mul3A_484 : i32
        %run_scoped3A_486 = arith.constant 2 : i32
        "tpu.region"() ({
          %run_scoped3A_527 = tpu.sem_alloc : memref<!tpu.dma_semaphore, #tpu.memory_space<semaphore_mem>>
          %dma_start3A_528 = arith.constant 0 : i32
          %dma_start3A_529 = arith.constant 0 : i32
          %dma_start3A_530 = tpu.memref_slice %arg6[%run_scoped3A_486, %dma_start3A_528, %dma_start3A_529] : memref<4x2x100xi32, #tpu.memory_space<vmem>> -> memref<1x2x100xi32, #tpu.memory_space<vmem>>
          %dma_start3A_531 = tpu.memref_squeeze %dma_start3A_530 : memref<1x2x100xi32, #tpu.memory_space<vmem>> -> memref<2x100xi32, #tpu.memory_space<vmem>>
          %dma_start3A_532 = arith.constant 0 : i32
          %dma_start3A_533 = tpu.memref_slice %arg2[%mul3A_485, %dma_start3A_532] : memref<32768x100xi32, #tpu.memory_space<hbm>> -> memref<2x100xi32, #tpu.memory_space<hbm>>
          %dma_start3A_534 = arith.constant 0 : i32
          %dma_start3A_535 = arith.constant 0 : i32
          %dma_start3A_536 = tpu.memref_slice %arg6[%run_scoped3A_486, %dma_start3A_534, %dma_start3A_535] : memref<4x2x100xi32, #tpu.memory_space<vmem>> -> memref<1x2x100xi32, #tpu.memory_space<vmem>>
          %dma_start3A_537 = tpu.memref_squeeze %dma_start3A_536 : memref<1x2x100xi32, #tpu.memory_space<vmem>> -> memref<2x100xi32, #tpu.memory_space<vmem>>
          %dma_start3A_538 = arith.constant 0 : i32
          %dma_start3A_539 = tpu.memref_slice %arg2[%mul3A_485, %dma_start3A_538] : memref<32768x100xi32, #tpu.memory_space<hbm>> -> memref<2x100xi32, #tpu.memory_space<hbm>>
          tpu.enqueue_dma source(%dma_start3A_539 : memref<2x100xi32, #tpu.memory_space<hbm>>) target(%dma_start3A_537 : memref<2x100xi32, #tpu.memory_space<vmem>>) target_semaphore(%run_scoped3A_527 : memref<!tpu.dma_semaphore, #tpu.memory_space<semaphore_mem>>)
          %dma_wait3A_540 = arith.constant 0 : i32
          %dma_wait3A_541 = arith.constant 0 : i32
          %dma_wait3A_542 = tpu.memref_slice %arg6[%run_scoped3A_486, %dma_wait3A_540, %dma_wait3A_541] : memref<4x2x100xi32, #tpu.memory_space<vmem>> -> memref<1x2x100xi32, #tpu.memory_space<vmem>>
          %dma_wait3A_543 = tpu.memref_squeeze %dma_wait3A_542 : memref<1x2x100xi32, #tpu.memory_space<vmem>> -> memref<2x100xi32, #tpu.memory_space<vmem>>
          %dma_wait3A_544 = arith.constant 0 : i32
          %dma_wait3A_545 = tpu.memref_slice %arg2[%mul3A_485, %dma_wait3A_544] : memref<32768x100xi32, #tpu.memory_space<hbm>> -> memref<2x100xi32, #tpu.memory_space<hbm>>
          %dma_wait3A_546 = arith.constant 0 : i32
          %dma_wait3A_547 = arith.constant 0 : i32
          %dma_wait3A_548 = tpu.memref_slice %arg6[%run_scoped3A_486, %dma_wait3A_546, %dma_wait3A_547] : memref<4x2x100xi32, #tpu.memory_space<vmem>> -> memref<1x2x100xi32, #tpu.memory_space<vmem>>
          %dma_wait3A_549 = tpu.memref_squeeze %dma_wait3A_548 : memref<1x2x100xi32, #tpu.memory_space<vmem>> -> memref<2x100xi32, #tpu.memory_space<vmem>>
          %dma_wait3A_550 = arith.constant 0 : i32
          %dma_wait3A_551 = tpu.memref_slice %arg2[%mul3A_485, %dma_wait3A_550] : memref<32768x100xi32, #tpu.memory_space<hbm>> -> memref<2x100xi32, #tpu.memory_space<hbm>>
          tpu.wait_dma2 semaphore(%run_scoped3A_527 : memref<!tpu.dma_semaphore, #tpu.memory_space<semaphore_mem>>) src(%dma_wait3A_551 : memref<2x100xi32, #tpu.memory_space<hbm>>) dst(%dma_wait3A_549 : memref<2x100xi32, #tpu.memory_space<vmem>>)
          tpu.yield
        }) : () -> ()
        %dma_start3A_487 = arith.constant 2 : i32
        %dma_start3A_488 = arith.constant 0 : i32
        %dma_start3A_489 = arith.constant 2 : i32
        %dma_start3A_490 = arith.constant 0 : i32
        %dma_start3A_491 = arith.constant 0 : i32
        %dma_start3A_492 = tpu.memref_slice %arg7[%dma_start3A_489, %dma_start3A_490, %dma_start3A_491] : memref<4x200x64xf32, #tpu.memory_space<vmem>> -> memref<1x200x64xf32, #tpu.memory_space<vmem>>
        %dma_start3A_493 = tpu.memref_squeeze %dma_start3A_492 : memref<1x200x64xf32, #tpu.memory_space<vmem>> -> memref<200x64xf32, #tpu.memory_space<vmem>>
        %dma_start3A_494 = arith.constant 0 : i32
        %dma_start3A_495 = arith.constant 0 : i32
        %dma_start3A_496 = tpu.memref_slice %dma_start3A_493[%dma_start3A_494, %dma_start3A_495] : memref<200x64xf32, #tpu.memory_space<vmem>> -> memref<100x64xf32, #tpu.memory_space<vmem>>
        %dma_start3A_497 = arith.constant 0 : i32
        %dma_start3A_498 = arith.constant 0 : i32
        %dma_start3A_499 = tpu.memref_slice %arg6[%dma_start3A_487, %dma_start3A_497, %dma_start3A_498] : memref<4x2x100xi32, #tpu.memory_space<vmem>> -> memref<1x2x100xi32, #tpu.memory_space<vmem>>
        %dma_start3A_500 = tpu.memref_squeeze %dma_start3A_499 : memref<1x2x100xi32, #tpu.memory_space<vmem>> -> memref<2x100xi32, #tpu.memory_space<vmem>>
        %dma_start3A_501 = arith.constant 0 : i32
        %dma_start3A_502 = tpu.memref_slice %dma_start3A_500[%dma_start3A_488, %dma_start3A_501] : memref<2x100xi32, #tpu.memory_space<vmem>> -> memref<1x100xi32, #tpu.memory_space<vmem>>
        %dma_start3A_503 = tpu.memref_squeeze %dma_start3A_502 : memref<1x100xi32, #tpu.memory_space<vmem>> -> memref<100xi32, #tpu.memory_space<vmem>>
        %dma_start3A_504 = arith.constant 0 : i32
        %dma_start3A_505 = arith.constant 0 : i32
        %dma_start3A_506 = tpu.memref_slice %arg4[%dma_start3A_504, %dma_start3A_505] : memref<2000000x64xf32, #tpu.memory_space<hbm>> -> memref<2000000x64xf32, #tpu.memory_space<hbm>>
        tpu.enqueue_indirect_dma source(%dma_start3A_506 : memref<2000000x64xf32, #tpu.memory_space<hbm>>) target(%dma_start3A_496 : memref<100x64xf32, #tpu.memory_space<vmem>>) offsets(%dma_start3A_503 : memref<100xi32, #tpu.memory_space<vmem>>) semaphore(%arg11 : memref<!tpu.dma_semaphore, #tpu.memory_space<semaphore_mem>>)
        %dma_start3A_507 = arith.constant 2 : i32
        %dma_start3A_508 = arith.constant 1 : i32
        %dma_start3A_509 = arith.constant 2 : i32
        %dma_start3A_510 = arith.constant 0 : i32
        %dma_start3A_511 = arith.constant 0 : i32
        %dma_start3A_512 = tpu.memref_slice %arg7[%dma_start3A_509, %dma_start3A_510, %dma_start3A_511] : memref<4x200x64xf32, #tpu.memory_space<vmem>> -> memref<1x200x64xf32, #tpu.memory_space<vmem>>
        %dma_start3A_513 = tpu.memref_squeeze %dma_start3A_512 : memref<1x200x64xf32, #tpu.memory_space<vmem>> -> memref<200x64xf32, #tpu.memory_space<vmem>>
        %dma_start3A_514 = arith.constant 100 : i32
        %dma_start3A_515 = arith.constant 0 : i32
        %dma_start3A_516 = tpu.memref_slice %dma_start3A_513[%dma_start3A_514, %dma_start3A_515] : memref<200x64xf32, #tpu.memory_space<vmem>> -> memref<100x64xf32, #tpu.memory_space<vmem>>
        %dma_start3A_517 = arith.constant 0 : i32
        %dma_start3A_518 = arith.constant 0 : i32
        %dma_start3A_519 = tpu.memref_slice %arg6[%dma_start3A_507, %dma_start3A_517, %dma_start3A_518] : memref<4x2x100xi32, #tpu.memory_space<vmem>> -> memref<1x2x100xi32, #tpu.memory_space<vmem>>
        %dma_start3A_520 = tpu.memref_squeeze %dma_start3A_519 : memref<1x2x100xi32, #tpu.memory_space<vmem>> -> memref<2x100xi32, #tpu.memory_space<vmem>>
        %dma_start3A_521 = arith.constant 0 : i32
        %dma_start3A_522 = tpu.memref_slice %dma_start3A_520[%dma_start3A_508, %dma_start3A_521] : memref<2x100xi32, #tpu.memory_space<vmem>> -> memref<1x100xi32, #tpu.memory_space<vmem>>
        %dma_start3A_523 = tpu.memref_squeeze %dma_start3A_522 : memref<1x100xi32, #tpu.memory_space<vmem>> -> memref<100xi32, #tpu.memory_space<vmem>>
        %dma_start3A_524 = arith.constant 0 : i32
        %dma_start3A_525 = arith.constant 0 : i32
        %dma_start3A_526 = tpu.memref_slice %arg4[%dma_start3A_524, %dma_start3A_525] : memref<2000000x64xf32, #tpu.memory_space<hbm>> -> memref<2000000x64xf32, #tpu.memory_space<hbm>>
        tpu.enqueue_indirect_dma source(%dma_start3A_526 : memref<2000000x64xf32, #tpu.memory_space<hbm>>) target(%dma_start3A_516 : memref<100x64xf32, #tpu.memory_space<vmem>>) offsets(%dma_start3A_523 : memref<100xi32, #tpu.memory_space<vmem>>) semaphore(%arg11 : memref<!tpu.dma_semaphore, #tpu.memory_space<semaphore_mem>>)
      } else {
      }
      %dma_wait3A_217 = arith.constant 1 : i32
      %dma_wait3A_218 = arith.constant 0 : i32
      %dma_wait3A_219 = arith.constant 1 : i32
      %dma_wait3A_220 = arith.constant 0 : i32
      %dma_wait3A_221 = arith.constant 0 : i32
      %dma_wait3A_222 = tpu.memref_slice %arg7[%dma_wait3A_219, %dma_wait3A_220, %dma_wait3A_221] : memref<4x200x64xf32, #tpu.memory_space<vmem>> -> memref<1x200x64xf32, #tpu.memory_space<vmem>>
      %dma_wait3A_223 = tpu.memref_squeeze %dma_wait3A_222 : memref<1x200x64xf32, #tpu.memory_space<vmem>> -> memref<200x64xf32, #tpu.memory_space<vmem>>
      %dma_wait3A_224 = arith.constant 0 : i32
      %dma_wait3A_225 = arith.constant 0 : i32
      %dma_wait3A_226 = tpu.memref_slice %dma_wait3A_223[%dma_wait3A_224, %dma_wait3A_225] : memref<200x64xf32, #tpu.memory_space<vmem>> -> memref<100x64xf32, #tpu.memory_space<vmem>>
      %dma_wait3A_227 = arith.constant 0 : i32
      %dma_wait3A_228 = arith.constant 0 : i32
      %dma_wait3A_229 = tpu.memref_slice %arg6[%dma_wait3A_217, %dma_wait3A_227, %dma_wait3A_228] : memref<4x2x100xi32, #tpu.memory_space<vmem>> -> memref<1x2x100xi32, #tpu.memory_space<vmem>>
      %dma_wait3A_230 = tpu.memref_squeeze %dma_wait3A_229 : memref<1x2x100xi32, #tpu.memory_space<vmem>> -> memref<2x100xi32, #tpu.memory_space<vmem>>
      %dma_wait3A_231 = arith.constant 0 : i32
      %dma_wait3A_232 = tpu.memref_slice %dma_wait3A_230[%dma_wait3A_218, %dma_wait3A_231] : memref<2x100xi32, #tpu.memory_space<vmem>> -> memref<1x100xi32, #tpu.memory_space<vmem>>
      %dma_wait3A_233 = tpu.memref_squeeze %dma_wait3A_232 : memref<1x100xi32, #tpu.memory_space<vmem>> -> memref<100xi32, #tpu.memory_space<vmem>>
      %dma_wait3A_234 = arith.constant 0 : i32
      %dma_wait3A_235 = arith.constant 0 : i32
      %dma_wait3A_236 = tpu.memref_slice %arg4[%dma_wait3A_234, %dma_wait3A_235] : memref<2000000x64xf32, #tpu.memory_space<hbm>> -> memref<2000000x64xf32, #tpu.memory_space<hbm>>
      tpu.wait_indirect_dma semaphore(%arg10 : memref<!tpu.dma_semaphore, #tpu.memory_space<semaphore_mem>>) src(%dma_wait3A_236 : memref<2000000x64xf32, #tpu.memory_space<hbm>>) dst(%dma_wait3A_226 : memref<100x64xf32, #tpu.memory_space<vmem>>)
      %dma_wait3A_237 = arith.constant 1 : i32
      %dma_wait3A_238 = arith.constant 1 : i32
      %dma_wait3A_239 = arith.constant 1 : i32
      %dma_wait3A_240 = arith.constant 0 : i32
      %dma_wait3A_241 = arith.constant 0 : i32
      %dma_wait3A_242 = tpu.memref_slice %arg7[%dma_wait3A_239, %dma_wait3A_240, %dma_wait3A_241] : memref<4x200x64xf32, #tpu.memory_space<vmem>> -> memref<1x200x64xf32, #tpu.memory_space<vmem>>
      %dma_wait3A_243 = tpu.memref_squeeze %dma_wait3A_242 : memref<1x200x64xf32, #tpu.memory_space<vmem>> -> memref<200x64xf32, #tpu.memory_space<vmem>>
      %dma_wait3A_244 = arith.constant 100 : i32
      %dma_wait3A_245 = arith.constant 0 : i32
      %dma_wait3A_246 = tpu.memref_slice %dma_wait3A_243[%dma_wait3A_244, %dma_wait3A_245] : memref<200x64xf32, #tpu.memory_space<vmem>> -> memref<100x64xf32, #tpu.memory_space<vmem>>
      %dma_wait3A_247 = arith.constant 0 : i32
      %dma_wait3A_248 = arith.constant 0 : i32
      %dma_wait3A_249 = tpu.memref_slice %arg6[%dma_wait3A_237, %dma_wait3A_247, %dma_wait3A_248] : memref<4x2x100xi32, #tpu.memory_space<vmem>> -> memref<1x2x100xi32, #tpu.memory_space<vmem>>
      %dma_wait3A_250 = tpu.memref_squeeze %dma_wait3A_249 : memref<1x2x100xi32, #tpu.memory_space<vmem>> -> memref<2x100xi32, #tpu.memory_space<vmem>>
      %dma_wait3A_251 = arith.constant 0 : i32
      %dma_wait3A_252 = tpu.memref_slice %dma_wait3A_250[%dma_wait3A_238, %dma_wait3A_251] : memref<2x100xi32, #tpu.memory_space<vmem>> -> memref<1x100xi32, #tpu.memory_space<vmem>>
      %dma_wait3A_253 = tpu.memref_squeeze %dma_wait3A_252 : memref<1x100xi32, #tpu.memory_space<vmem>> -> memref<100xi32, #tpu.memory_space<vmem>>
      %dma_wait3A_254 = arith.constant 0 : i32
      %dma_wait3A_255 = arith.constant 0 : i32
      %dma_wait3A_256 = tpu.memref_slice %arg4[%dma_wait3A_254, %dma_wait3A_255] : memref<2000000x64xf32, #tpu.memory_space<hbm>> -> memref<2000000x64xf32, #tpu.memory_space<hbm>>
      tpu.wait_indirect_dma semaphore(%arg10 : memref<!tpu.dma_semaphore, #tpu.memory_space<semaphore_mem>>) src(%dma_wait3A_256 : memref<2000000x64xf32, #tpu.memory_space<hbm>>) dst(%dma_wait3A_246 : memref<100x64xf32, #tpu.memory_space<vmem>>)
      %get3A_257 = arith.index_cast %add3A_209 : i32 to index
      %get3A_258 = arith.constant 0 : index
      %get3A_259 = tpu.vector_load %arg8[%get3A_257, %get3A_258] {strides = array<i32>} : memref<512x64xf32, #tpu.memory_space<vmem>>, vector<1x16xf32>,
      %get3A_260 = vector.shape_cast %get3A_259 : vector<1x16xf32> to vector<16xf32>
      %get3A_261 = arith.index_cast %add3A_209 : i32 to index
      %get3A_262 = arith.constant 16 : index
      %get3A_263 = tpu.vector_load %arg8[%get3A_261, %get3A_262] {strides = array<i32>} : memref<512x64xf32, #tpu.memory_space<vmem>>, vector<1x16xf32>,
      %get3A_264 = vector.shape_cast %get3A_263 : vector<1x16xf32> to vector<16xf32>
      %get3A_265 = arith.index_cast %add3A_209 : i32 to index
      %get3A_266 = arith.constant 32 : index
      %get3A_267 = tpu.vector_load %arg8[%get3A_265, %get3A_266] {strides = array<i32>} : memref<512x64xf32, #tpu.memory_space<vmem>>, vector<1x16xf32>,
      %get3A_268 = vector.shape_cast %get3A_267 : vector<1x16xf32> to vector<16xf32>
      %get3A_269 = arith.index_cast %add3A_209 : i32 to index
      %get3A_270 = arith.constant 48 : index
      %get3A_271 = tpu.vector_load %arg8[%get3A_269, %get3A_270] {strides = array<i32>} : memref<512x64xf32, #tpu.memory_space<vmem>>, vector<1x16xf32>,
      %get3A_272 = vector.shape_cast %get3A_271 : vector<1x16xf32> to vector<16xf32>
      %scan3A_273 = arith.constant 0 : i32
      %scan3A_274 = arith.constant 0 : i32
      %scan3A_275 = arith.constant 200 : i32
      %scan3A_276 = arith.addi %scan3A_274, %scan3A_275 : i32
      %scan3A_277 = arith.constant 4 : i32
      scf.for %scan3A_479 = %scan3A_274 to %scan3A_276 step %scan3A_277  : i32 {
        %get3A_480 = arith.constant 1 : i32
        %get3A_481 = arith.index_cast %get3A_480 : i32 to index
        %get3A_482 = arith.index_cast %scan3A_479 : i32 to index
        %get3A_483 = arith.constant 0 : index
        %get3A_484 = tpu.vector_load %arg7[%get3A_481, %get3A_482, %get3A_483] {strides = array<i32>} : memref<4x200x64xf32, #tpu.memory_space<vmem>>, vector<1x1x16xf32>,
        %get3A_485 = vector.shape_cast %get3A_484 : vector<1x1x16xf32> to vector<16xf32>
        %add3A_486 = arith.addf %get3A_485, %get3A_260 : vector<16xf32>
        %swap3A = arith.constant 1 : i32
        %swap3A_487 = arith.index_cast %swap3A : i32 to index
        %swap3A_488 = arith.index_cast %scan3A_479 : i32 to index
        %swap3A_489 = arith.constant 0 : index
        %swap3A_490 = tpu.vector_load %arg7[%swap3A_487, %swap3A_488, %swap3A_489] {strides = array<i32>} : memref<4x200x64xf32, #tpu.memory_space<vmem>>, vector<1x1x16xf32>,
        %swap3A_491 = vector.shape_cast %swap3A_490 : vector<1x1x16xf32> to vector<16xf32>
        %swap3A_492 = vector.shape_cast %add3A_486 : vector<16xf32> to vector<1x1x16xf32>
        tpu.vector_store %arg7[%swap3A_487, %swap3A_488, %swap3A_489], %swap3A_492 {strides = array<i32>} : memref<4x200x64xf32, #tpu.memory_space<vmem>>, vector<1x1x16xf32>,
        %get3A_493 = arith.constant 1 : i32
        %get3A_494 = arith.index_cast %get3A_493 : i32 to index
        %get3A_495 = arith.index_cast %scan3A_479 : i32 to index
        %get3A_496 = arith.constant 16 : index
        %get3A_497 = tpu.vector_load %arg7[%get3A_494, %get3A_495, %get3A_496] {strides = array<i32>} : memref<4x200x64xf32, #tpu.memory_space<vmem>>, vector<1x1x16xf32>,
        %get3A_498 = vector.shape_cast %get3A_497 : vector<1x1x16xf32> to vector<16xf32>
        %add3A_499 = arith.addf %get3A_498, %get3A_264 : vector<16xf32>
        %swap3A_500 = arith.constant 1 : i32
        %swap3A_501 = arith.index_cast %swap3A_500 : i32 to index
        %swap3A_502 = arith.index_cast %scan3A_479 : i32 to index
        %swap3A_503 = arith.constant 16 : index
        %swap3A_504 = tpu.vector_load %arg7[%swap3A_501, %swap3A_502, %swap3A_503] {strides = array<i32>} : memref<4x200x64xf32, #tpu.memory_space<vmem>>, vector<1x1x16xf32>,
        %swap3A_505 = vector.shape_cast %swap3A_504 : vector<1x1x16xf32> to vector<16xf32>
        %swap3A_506 = vector.shape_cast %add3A_499 : vector<16xf32> to vector<1x1x16xf32>
        tpu.vector_store %arg7[%swap3A_501, %swap3A_502, %swap3A_503], %swap3A_506 {strides = array<i32>} : memref<4x200x64xf32, #tpu.memory_space<vmem>>, vector<1x1x16xf32>,
        %get3A_507 = arith.constant 1 : i32
        %get3A_508 = arith.index_cast %get3A_507 : i32 to index
        %get3A_509 = arith.index_cast %scan3A_479 : i32 to index
        %get3A_510 = arith.constant 32 : index
        %get3A_511 = tpu.vector_load %arg7[%get3A_508, %get3A_509, %get3A_510] {strides = array<i32>} : memref<4x200x64xf32, #tpu.memory_space<vmem>>, vector<1x1x16xf32>,
        %get3A_512 = vector.shape_cast %get3A_511 : vector<1x1x16xf32> to vector<16xf32>
        %add3A_513 = arith.addf %get3A_512, %get3A_268 : vector<16xf32>
        %swap3A_514 = arith.constant 1 : i32
        %swap3A_515 = arith.index_cast %swap3A_514 : i32 to index
        %swap3A_516 = arith.index_cast %scan3A_479 : i32 to index
        %swap3A_517 = arith.constant 32 : index
        %swap3A_518 = tpu.vector_load %arg7[%swap3A_515, %swap3A_516, %swap3A_517] {strides = array<i32>} : memref<4x200x64xf32, #tpu.memory_space<vmem>>, vector<1x1x16xf32>,
        %swap3A_519 = vector.shape_cast %swap3A_518 : vector<1x1x16xf32> to vector<16xf32>
        %swap3A_520 = vector.shape_cast %add3A_513 : vector<16xf32> to vector<1x1x16xf32>
        tpu.vector_store %arg7[%swap3A_515, %swap3A_516, %swap3A_517], %swap3A_520 {strides = array<i32>} : memref<4x200x64xf32, #tpu.memory_space<vmem>>, vector<1x1x16xf32>,
        %get3A_521 = arith.constant 1 : i32
        %get3A_522 = arith.index_cast %get3A_521 : i32 to index
        %get3A_523 = arith.index_cast %scan3A_479 : i32 to index
        %get3A_524 = arith.constant 48 : index
        %get3A_525 = tpu.vector_load %arg7[%get3A_522, %get3A_523, %get3A_524] {strides = array<i32>} : memref<4x200x64xf32, #tpu.memory_space<vmem>>, vector<1x1x16xf32>,
        %get3A_526 = vector.shape_cast %get3A_525 : vector<1x1x16xf32> to vector<16xf32>
        %add3A_527 = arith.addf %get3A_526, %get3A_272 : vector<16xf32>
        %swap3A_528 = arith.constant 1 : i32
        %swap3A_529 = arith.index_cast %swap3A_528 : i32 to index
        %swap3A_530 = arith.index_cast %scan3A_479 : i32 to index
        %swap3A_531 = arith.constant 48 : index
        %swap3A_532 = tpu.vector_load %arg7[%swap3A_529, %swap3A_530, %swap3A_531] {strides = array<i32>} : memref<4x200x64xf32, #tpu.memory_space<vmem>>, vector<1x1x16xf32>,
        %swap3A_533 = vector.shape_cast %swap3A_532 : vector<1x1x16xf32> to vector<16xf32>
        %swap3A_534 = vector.shape_cast %add3A_527 : vector<16xf32> to vector<1x1x16xf32>
        tpu.vector_store %arg7[%swap3A_529, %swap3A_530, %swap3A_531], %swap3A_534 {strides = array<i32>} : memref<4x200x64xf32, #tpu.memory_space<vmem>>, vector<1x1x16xf32>,
        %scan3A_535 = arith.constant 1 : i32
        %scan3A_536 = arith.addi %scan3A_479, %scan3A_535 : i32
        %get3A_537 = arith.constant 1 : i32
        %get3A_538 = arith.index_cast %get3A_537 : i32 to index
        %get3A_539 = arith.index_cast %scan3A_536 : i32 to index
        %get3A_540 = arith.constant 0 : index
        %get3A_541 = tpu.vector_load %arg7[%get3A_538, %get3A_539, %get3A_540] {strides = array<i32>} : memref<4x200x64xf32, #tpu.memory_space<vmem>>, vector<1x1x16xf32>,
        %get3A_542 = vector.shape_cast %get3A_541 : vector<1x1x16xf32> to vector<16xf32>
        %add3A_543 = arith.addf %get3A_542, %get3A_260 : vector<16xf32>
        %swap3A_544 = arith.constant 1 : i32
        %swap3A_545 = arith.index_cast %swap3A_544 : i32 to index
        %swap3A_546 = arith.index_cast %scan3A_536 : i32 to index
        %swap3A_547 = arith.constant 0 : index
        %swap3A_548 = tpu.vector_load %arg7[%swap3A_545, %swap3A_546, %swap3A_547] {strides = array<i32>} : memref<4x200x64xf32, #tpu.memory_space<vmem>>, vector<1x1x16xf32>,
        %swap3A_549 = vector.shape_cast %swap3A_548 : vector<1x1x16xf32> to vector<16xf32>
        %swap3A_550 = vector.shape_cast %add3A_543 : vector<16xf32> to vector<1x1x16xf32>
        tpu.vector_store %arg7[%swap3A_545, %swap3A_546, %swap3A_547], %swap3A_550 {strides = array<i32>} : memref<4x200x64xf32, #tpu.memory_space<vmem>>, vector<1x1x16xf32>,
        %get3A_551 = arith.constant 1 : i32
        %get3A_552 = arith.index_cast %get3A_551 : i32 to index
        %get3A_553 = arith.index_cast %scan3A_536 : i32 to index
        %get3A_554 = arith.constant 16 : index
        %get3A_555 = tpu.vector_load %arg7[%get3A_552, %get3A_553, %get3A_554] {strides = array<i32>} : memref<4x200x64xf32, #tpu.memory_space<vmem>>, vector<1x1x16xf32>,
        %get3A_556 = vector.shape_cast %get3A_555 : vector<1x1x16xf32> to vector<16xf32>
        %add3A_557 = arith.addf %get3A_556, %get3A_264 : vector<16xf32>
        %swap3A_558 = arith.constant 1 : i32
        %swap3A_559 = arith.index_cast %swap3A_558 : i32 to index
        %swap3A_560 = arith.index_cast %scan3A_536 : i32 to index
        %swap3A_561 = arith.constant 16 : index
        %swap3A_562 = tpu.vector_load %arg7[%swap3A_559, %swap3A_560, %swap3A_561] {strides = array<i32>} : memref<4x200x64xf32, #tpu.memory_space<vmem>>, vector<1x1x16xf32>,
        %swap3A_563 = vector.shape_cast %swap3A_562 : vector<1x1x16xf32> to vector<16xf32>
        %swap3A_564 = vector.shape_cast %add3A_557 : vector<16xf32> to vector<1x1x16xf32>
        tpu.vector_store %arg7[%swap3A_559, %swap3A_560, %swap3A_561], %swap3A_564 {strides = array<i32>} : memref<4x200x64xf32, #tpu.memory_space<vmem>>, vector<1x1x16xf32>,
        %get3A_565 = arith.constant 1 : i32
        %get3A_566 = arith.index_cast %get3A_565 : i32 to index
        %get3A_567 = arith.index_cast %scan3A_536 : i32 to index
        %get3A_568 = arith.constant 32 : index
        %get3A_569 = tpu.vector_load %arg7[%get3A_566, %get3A_567, %get3A_568] {strides = array<i32>} : memref<4x200x64xf32, #tpu.memory_space<vmem>>, vector<1x1x16xf32>,
        %get3A_570 = vector.shape_cast %get3A_569 : vector<1x1x16xf32> to vector<16xf32>
        %add3A_571 = arith.addf %get3A_570, %get3A_268 : vector<16xf32>
        %swap3A_572 = arith.constant 1 : i32
        %swap3A_573 = arith.index_cast %swap3A_572 : i32 to index
        %swap3A_574 = arith.index_cast %scan3A_536 : i32 to index
        %swap3A_575 = arith.constant 32 : index
        %swap3A_576 = tpu.vector_load %arg7[%swap3A_573, %swap3A_574, %swap3A_575] {strides = array<i32>} : memref<4x200x64xf32, #tpu.memory_space<vmem>>, vector<1x1x16xf32>,
        %swap3A_577 = vector.shape_cast %swap3A_576 : vector<1x1x16xf32> to vector<16xf32>
        %swap3A_578 = vector.shape_cast %add3A_571 : vector<16xf32> to vector<1x1x16xf32>
        tpu.vector_store %arg7[%swap3A_573, %swap3A_574, %swap3A_575], %swap3A_578 {strides = array<i32>} : memref<4x200x64xf32, #tpu.memory_space<vmem>>, vector<1x1x16xf32>,
        %get3A_579 = arith.constant 1 : i32
        %get3A_580 = arith.index_cast %get3A_579 : i32 to index
        %get3A_581 = arith.index_cast %scan3A_536 : i32 to index
        %get3A_582 = arith.constant 48 : index
        %get3A_583 = tpu.vector_load %arg7[%get3A_580, %get3A_581, %get3A_582] {strides = array<i32>} : memref<4x200x64xf32, #tpu.memory_space<vmem>>, vector<1x1x16xf32>,
        %get3A_584 = vector.shape_cast %get3A_583 : vector<1x1x16xf32> to vector<16xf32>
        %add3A_585 = arith.addf %get3A_584, %get3A_272 : vector<16xf32>
        %swap3A_586 = arith.constant 1 : i32
        %swap3A_587 = arith.index_cast %swap3A_586 : i32 to index
        %swap3A_588 = arith.index_cast %scan3A_536 : i32 to index
        %swap3A_589 = arith.constant 48 : index
        %swap3A_590 = tpu.vector_load %arg7[%swap3A_587, %swap3A_588, %swap3A_589] {strides = array<i32>} : memref<4x200x64xf32, #tpu.memory_space<vmem>>, vector<1x1x16xf32>,
        %swap3A_591 = vector.shape_cast %swap3A_590 : vector<1x1x16xf32> to vector<16xf32>
        %swap3A_592 = vector.shape_cast %add3A_585 : vector<16xf32> to vector<1x1x16xf32>
        tpu.vector_store %arg7[%swap3A_587, %swap3A_588, %swap3A_589], %swap3A_592 {strides = array<i32>} : memref<4x200x64xf32, #tpu.memory_space<vmem>>, vector<1x1x16xf32>,
        %scan3A_593 = arith.constant 2 : i32
        %scan3A_594 = arith.addi %scan3A_479, %scan3A_593 : i32
        %get3A_595 = arith.constant 1 : i32
        %get3A_596 = arith.index_cast %get3A_595 : i32 to index
        %get3A_597 = arith.index_cast %scan3A_594 : i32 to index
        %get3A_598 = arith.constant 0 : index
        %get3A_599 = tpu.vector_load %arg7[%get3A_596, %get3A_597, %get3A_598] {strides = array<i32>} : memref<4x200x64xf32, #tpu.memory_space<vmem>>, vector<1x1x16xf32>,
        %get3A_600 = vector.shape_cast %get3A_599 : vector<1x1x16xf32> to vector<16xf32>
        %add3A_601 = arith.addf %get3A_600, %get3A_260 : vector<16xf32>
        %swap3A_602 = arith.constant 1 : i32
        %swap3A_603 = arith.index_cast %swap3A_602 : i32 to index
        %swap3A_604 = arith.index_cast %scan3A_594 : i32 to index
        %swap3A_605 = arith.constant 0 : index
        %swap3A_606 = tpu.vector_load %arg7[%swap3A_603, %swap3A_604, %swap3A_605] {strides = array<i32>} : memref<4x200x64xf32, #tpu.memory_space<vmem>>, vector<1x1x16xf32>,
        %swap3A_607 = vector.shape_cast %swap3A_606 : vector<1x1x16xf32> to vector<16xf32>
        %swap3A_608 = vector.shape_cast %add3A_601 : vector<16xf32> to vector<1x1x16xf32>
        tpu.vector_store %arg7[%swap3A_603, %swap3A_604, %swap3A_605], %swap3A_608 {strides = array<i32>} : memref<4x200x64xf32, #tpu.memory_space<vmem>>, vector<1x1x16xf32>,
        %get3A_609 = arith.constant 1 : i32
        %get3A_610 = arith.index_cast %get3A_609 : i32 to index
        %get3A_611 = arith.index_cast %scan3A_594 : i32 to index
        %get3A_612 = arith.constant 16 : index
        %get3A_613 = tpu.vector_load %arg7[%get3A_610, %get3A_611, %get3A_612] {strides = array<i32>} : memref<4x200x64xf32, #tpu.memory_space<vmem>>, vector<1x1x16xf32>,
        %get3A_614 = vector.shape_cast %get3A_613 : vector<1x1x16xf32> to vector<16xf32>
        %add3A_615 = arith.addf %get3A_614, %get3A_264 : vector<16xf32>
        %swap3A_616 = arith.constant 1 : i32
        %swap3A_617 = arith.index_cast %swap3A_616 : i32 to index
        %swap3A_618 = arith.index_cast %scan3A_594 : i32 to index
        %swap3A_619 = arith.constant 16 : index
        %swap3A_620 = tpu.vector_load %arg7[%swap3A_617, %swap3A_618, %swap3A_619] {strides = array<i32>} : memref<4x200x64xf32, #tpu.memory_space<vmem>>, vector<1x1x16xf32>,
        %swap3A_621 = vector.shape_cast %swap3A_620 : vector<1x1x16xf32> to vector<16xf32>
        %swap3A_622 = vector.shape_cast %add3A_615 : vector<16xf32> to vector<1x1x16xf32>
        tpu.vector_store %arg7[%swap3A_617, %swap3A_618, %swap3A_619], %swap3A_622 {strides = array<i32>} : memref<4x200x64xf32, #tpu.memory_space<vmem>>, vector<1x1x16xf32>,
        %get3A_623 = arith.constant 1 : i32
        %get3A_624 = arith.index_cast %get3A_623 : i32 to index
        %get3A_625 = arith.index_cast %scan3A_594 : i32 to index
        %get3A_626 = arith.constant 32 : index
        %get3A_627 = tpu.vector_load %arg7[%get3A_624, %get3A_625, %get3A_626] {strides = array<i32>} : memref<4x200x64xf32, #tpu.memory_space<vmem>>, vector<1x1x16xf32>,
        %get3A_628 = vector.shape_cast %get3A_627 : vector<1x1x16xf32> to vector<16xf32>
        %add3A_629 = arith.addf %get3A_628, %get3A_268 : vector<16xf32>
        %swap3A_630 = arith.constant 1 : i32
        %swap3A_631 = arith.index_cast %swap3A_630 : i32 to index
        %swap3A_632 = arith.index_cast %scan3A_594 : i32 to index
        %swap3A_633 = arith.constant 32 : index
        %swap3A_634 = tpu.vector_load %arg7[%swap3A_631, %swap3A_632, %swap3A_633] {strides = array<i32>} : memref<4x200x64xf32, #tpu.memory_space<vmem>>, vector<1x1x16xf32>,
        %swap3A_635 = vector.shape_cast %swap3A_634 : vector<1x1x16xf32> to vector<16xf32>
        %swap3A_636 = vector.shape_cast %add3A_629 : vector<16xf32> to vector<1x1x16xf32>
        tpu.vector_store %arg7[%swap3A_631, %swap3A_632, %swap3A_633], %swap3A_636 {strides = array<i32>} : memref<4x200x64xf32, #tpu.memory_space<vmem>>, vector<1x1x16xf32>,
        %get3A_637 = arith.constant 1 : i32
        %get3A_638 = arith.index_cast %get3A_637 : i32 to index
        %get3A_639 = arith.index_cast %scan3A_594 : i32 to index
        %get3A_640 = arith.constant 48 : index
        %get3A_641 = tpu.vector_load %arg7[%get3A_638, %get3A_639, %get3A_640] {strides = array<i32>} : memref<4x200x64xf32, #tpu.memory_space<vmem>>, vector<1x1x16xf32>,
        %get3A_642 = vector.shape_cast %get3A_641 : vector<1x1x16xf32> to vector<16xf32>
        %add3A_643 = arith.addf %get3A_642, %get3A_272 : vector<16xf32>
        %swap3A_644 = arith.constant 1 : i32
        %swap3A_645 = arith.index_cast %swap3A_644 : i32 to index
        %swap3A_646 = arith.index_cast %scan3A_594 : i32 to index
        %swap3A_647 = arith.constant 48 : index
        %swap3A_648 = tpu.vector_load %arg7[%swap3A_645, %swap3A_646, %swap3A_647] {strides = array<i32>} : memref<4x200x64xf32, #tpu.memory_space<vmem>>, vector<1x1x16xf32>,
        %swap3A_649 = vector.shape_cast %swap3A_648 : vector<1x1x16xf32> to vector<16xf32>
        %swap3A_650 = vector.shape_cast %add3A_643 : vector<16xf32> to vector<1x1x16xf32>
        tpu.vector_store %arg7[%swap3A_645, %swap3A_646, %swap3A_647], %swap3A_650 {strides = array<i32>} : memref<4x200x64xf32, #tpu.memory_space<vmem>>, vector<1x1x16xf32>,
        %scan3A_651 = arith.constant 3 : i32
        %scan3A_652 = arith.addi %scan3A_479, %scan3A_651 : i32
        %get3A_653 = arith.constant 1 : i32
        %get3A_654 = arith.index_cast %get3A_653 : i32 to index
        %get3A_655 = arith.index_cast %scan3A_652 : i32 to index
        %get3A_656 = arith.constant 0 : index
        %get3A_657 = tpu.vector_load %arg7[%get3A_654, %get3A_655, %get3A_656] {strides = array<i32>} : memref<4x200x64xf32, #tpu.memory_space<vmem>>, vector<1x1x16xf32>,
        %get3A_658 = vector.shape_cast %get3A_657 : vector<1x1x16xf32> to vector<16xf32>
        %add3A_659 = arith.addf %get3A_658, %get3A_260 : vector<16xf32>
        %swap3A_660 = arith.constant 1 : i32
        %swap3A_661 = arith.index_cast %swap3A_660 : i32 to index
        %swap3A_662 = arith.index_cast %scan3A_652 : i32 to index
        %swap3A_663 = arith.constant 0 : index
        %swap3A_664 = tpu.vector_load %arg7[%swap3A_661, %swap3A_662, %swap3A_663] {strides = array<i32>} : memref<4x200x64xf32, #tpu.memory_space<vmem>>, vector<1x1x16xf32>,
        %swap3A_665 = vector.shape_cast %swap3A_664 : vector<1x1x16xf32> to vector<16xf32>
        %swap3A_666 = vector.shape_cast %add3A_659 : vector<16xf32> to vector<1x1x16xf32>
        tpu.vector_store %arg7[%swap3A_661, %swap3A_662, %swap3A_663], %swap3A_666 {strides = array<i32>} : memref<4x200x64xf32, #tpu.memory_space<vmem>>, vector<1x1x16xf32>,
        %get3A_667 = arith.constant 1 : i32
        %get3A_668 = arith.index_cast %get3A_667 : i32 to index
        %get3A_669 = arith.index_cast %scan3A_652 : i32 to index
        %get3A_670 = arith.constant 16 : index
        %get3A_671 = tpu.vector_load %arg7[%get3A_668, %get3A_669, %get3A_670] {strides = array<i32>} : memref<4x200x64xf32, #tpu.memory_space<vmem>>, vector<1x1x16xf32>,
        %get3A_672 = vector.shape_cast %get3A_671 : vector<1x1x16xf32> to vector<16xf32>
        %add3A_673 = arith.addf %get3A_672, %get3A_264 : vector<16xf32>
        %swap3A_674 = arith.constant 1 : i32
        %swap3A_675 = arith.index_cast %swap3A_674 : i32 to index
        %swap3A_676 = arith.index_cast %scan3A_652 : i32 to index
        %swap3A_677 = arith.constant 16 : index
        %swap3A_678 = tpu.vector_load %arg7[%swap3A_675, %swap3A_676, %swap3A_677] {strides = array<i32>} : memref<4x200x64xf32, #tpu.memory_space<vmem>>, vector<1x1x16xf32>,
        %swap3A_679 = vector.shape_cast %swap3A_678 : vector<1x1x16xf32> to vector<16xf32>
        %swap3A_680 = vector.shape_cast %add3A_673 : vector<16xf32> to vector<1x1x16xf32>
        tpu.vector_store %arg7[%swap3A_675, %swap3A_676, %swap3A_677], %swap3A_680 {strides = array<i32>} : memref<4x200x64xf32, #tpu.memory_space<vmem>>, vector<1x1x16xf32>,
        %get3A_681 = arith.constant 1 : i32
        %get3A_682 = arith.index_cast %get3A_681 : i32 to index
        %get3A_683 = arith.index_cast %scan3A_652 : i32 to index
        %get3A_684 = arith.constant 32 : index
        %get3A_685 = tpu.vector_load %arg7[%get3A_682, %get3A_683, %get3A_684] {strides = array<i32>} : memref<4x200x64xf32, #tpu.memory_space<vmem>>, vector<1x1x16xf32>,
        %get3A_686 = vector.shape_cast %get3A_685 : vector<1x1x16xf32> to vector<16xf32>
        %add3A_687 = arith.addf %get3A_686, %get3A_268 : vector<16xf32>
        %swap3A_688 = arith.constant 1 : i32
        %swap3A_689 = arith.index_cast %swap3A_688 : i32 to index
        %swap3A_690 = arith.index_cast %scan3A_652 : i32 to index
        %swap3A_691 = arith.constant 32 : index
        %swap3A_692 = tpu.vector_load %arg7[%swap3A_689, %swap3A_690, %swap3A_691] {strides = array<i32>} : memref<4x200x64xf32, #tpu.memory_space<vmem>>, vector<1x1x16xf32>,
        %swap3A_693 = vector.shape_cast %swap3A_692 : vector<1x1x16xf32> to vector<16xf32>
        %swap3A_694 = vector.shape_cast %add3A_687 : vector<16xf32> to vector<1x1x16xf32>
        tpu.vector_store %arg7[%swap3A_689, %swap3A_690, %swap3A_691], %swap3A_694 {strides = array<i32>} : memref<4x200x64xf32, #tpu.memory_space<vmem>>, vector<1x1x16xf32>,
        %get3A_695 = arith.constant 1 : i32
        %get3A_696 = arith.index_cast %get3A_695 : i32 to index
        %get3A_697 = arith.index_cast %scan3A_652 : i32 to index
        %get3A_698 = arith.constant 48 : index
        %get3A_699 = tpu.vector_load %arg7[%get3A_696, %get3A_697, %get3A_698] {strides = array<i32>} : memref<4x200x64xf32, #tpu.memory_space<vmem>>, vector<1x1x16xf32>,
        %get3A_700 = vector.shape_cast %get3A_699 : vector<1x1x16xf32> to vector<16xf32>
        %add3A_701 = arith.addf %get3A_700, %get3A_272 : vector<16xf32>
        %swap3A_702 = arith.constant 1 : i32
        %swap3A_703 = arith.index_cast %swap3A_702 : i32 to index
        %swap3A_704 = arith.index_cast %scan3A_652 : i32 to index
        %swap3A_705 = arith.constant 48 : index
        %swap3A_706 = tpu.vector_load %arg7[%swap3A_703, %swap3A_704, %swap3A_705] {strides = array<i32>} : memref<4x200x64xf32, #tpu.memory_space<vmem>>, vector<1x1x16xf32>,
        %swap3A_707 = vector.shape_cast %swap3A_706 : vector<1x1x16xf32> to vector<16xf32>
        %swap3A_708 = vector.shape_cast %add3A_701 : vector<16xf32> to vector<1x1x16xf32>
        tpu.vector_store %arg7[%swap3A_703, %swap3A_704, %swap3A_705], %swap3A_708 {strides = array<i32>} : memref<4x200x64xf32, #tpu.memory_space<vmem>>, vector<1x1x16xf32>,
      }
      %scan3A_278 = arith.constant 200 : i32
      %add3A_279 = arith.addi %mul3A_2, %add3A_209 : i32
      %dma_start3A_280 = arith.constant 1 : i32
      %dma_start3A_281 = arith.constant 0 : i32
      %dma_start3A_282 = arith.constant 0 : i32
      %dma_start3A_283 = tpu.memref_slice %arg7[%dma_start3A_280, %dma_start3A_281, %dma_start3A_282] : memref<4x200x64xf32, #tpu.memory_space<vmem>> -> memref<1x200x64xf32, #tpu.memory_space<vmem>>
      %dma_start3A_284 = tpu.memref_squeeze %dma_start3A_283 : memref<1x200x64xf32, #tpu.memory_space<vmem>> -> memref<200x64xf32, #tpu.memory_space<vmem>>
      %dma_start3A_285 = arith.constant 0 : i32
      %dma_start3A_286 = arith.constant 0 : i32
      %dma_start3A_287 = tpu.memref_slice %arg5[%add3A_279, %dma_start3A_285, %dma_start3A_286] : memref<16384x200x128xf32, #tpu.memory_space<hbm>> -> memref<1x200x64xf32, #tpu.memory_space<hbm>>
      %dma_start3A_288 = tpu.memref_squeeze %dma_start3A_287 : memref<1x200x64xf32, #tpu.memory_space<hbm>> -> memref<200x64xf32, #tpu.memory_space<hbm>>
      %dma_start3A_289 = arith.constant 0 : i32
      %dma_start3A_290 = arith.constant 0 : i32
      %dma_start3A_291 = tpu.memref_slice %arg5[%add3A_279, %dma_start3A_289, %dma_start3A_290] : memref<16384x200x128xf32, #tpu.memory_space<hbm>> -> memref<1x200x64xf32, #tpu.memory_space<hbm>>
      %dma_start3A_292 = tpu.memref_squeeze %dma_start3A_291 : memref<1x200x64xf32, #tpu.memory_space<hbm>> -> memref<200x64xf32, #tpu.memory_space<hbm>>
      %dma_start3A_293 = arith.constant 0 : i32
      %dma_start3A_294 = arith.constant 0 : i32
      %dma_start3A_295 = tpu.memref_slice %arg7[%dma_start3A_280, %dma_start3A_293, %dma_start3A_294] : memref<4x200x64xf32, #tpu.memory_space<vmem>> -> memref<1x200x64xf32, #tpu.memory_space<vmem>>
      %dma_start3A_296 = tpu.memref_squeeze %dma_start3A_295 : memref<1x200x64xf32, #tpu.memory_space<vmem>> -> memref<200x64xf32, #tpu.memory_space<vmem>>
      tpu.enqueue_dma source(%dma_start3A_296 : memref<200x64xf32, #tpu.memory_space<vmem>>) target(%dma_start3A_292 : memref<200x64xf32, #tpu.memory_space<hbm>>) target_semaphore(%arg14 : memref<!tpu.dma_semaphore, #tpu.memory_space<semaphore_mem>>)
      %mul3A_297 = arith.constant 4 : i32
      %mul3A_298 = arith.muli %scan3A_118, %mul3A_297 : i32
      %add3A_299 = arith.constant 2 : i32
      %add3A_300 = arith.addi %mul3A_298, %add3A_299 : i32
      %add3A_301 = arith.constant 1 : i32
      %add3A_302 = arith.addi %add3A_300, %add3A_301 : i32
      %lt3A_303 = arith.constant 512 : i32
      %lt3A_304 = arith.cmpi slt, %add3A_302, %lt3A_303 : i32
      %convert_element_type3A_305 = arith.extui %lt3A_304 : i1 to i32
      %cond3A_306 = arith.constant 0 : i32
      %cond3A_307 = arith.cmpi ne, %convert_element_type3A_305, %cond3A_306 : i32
      scf.if %cond3A_307 {
        %ge3A = arith.constant 4 : i32
        %ge3A_479 = arith.cmpi sge, %add3A_302, %ge3A : i32
        %convert_element_type3A_480 = arith.extui %ge3A_479 : i1 to i32
        %cond3A_481 = arith.constant 0 : i32
        %cond3A_482 = arith.cmpi ne, %convert_element_type3A_480, %cond3A_481 : i32
        scf.if %cond3A_482 {
          %dma_wait3A_527 = arith.constant 3 : i32
          %dma_wait3A_528 = arith.constant 0 : i32
          %dma_wait3A_529 = arith.constant 0 : i32
          %dma_wait3A_530 = tpu.memref_slice %arg7[%dma_wait3A_527, %dma_wait3A_528, %dma_wait3A_529] : memref<4x200x64xf32, #tpu.memory_space<vmem>> -> memref<1x200x64xf32, #tpu.memory_space<vmem>>
          %dma_wait3A_531 = tpu.memref_squeeze %dma_wait3A_530 : memref<1x200x64xf32, #tpu.memory_space<vmem>> -> memref<200x64xf32, #tpu.memory_space<vmem>>
          %dma_wait3A_532 = arith.constant 0 : i32
          %dma_wait3A_533 = arith.constant 0 : i32
          %dma_wait3A_534 = tpu.memref_slice %arg5[%mul3A_2, %dma_wait3A_532, %dma_wait3A_533] : memref<16384x200x128xf32, #tpu.memory_space<hbm>> -> memref<1x200x64xf32, #tpu.memory_space<hbm>>
          %dma_wait3A_535 = tpu.memref_squeeze %dma_wait3A_534 : memref<1x200x64xf32, #tpu.memory_space<hbm>> -> memref<200x64xf32, #tpu.memory_space<hbm>>
          %dma_wait3A_536 = arith.constant 0 : i32
          %dma_wait3A_537 = arith.constant 0 : i32
          %dma_wait3A_538 = tpu.memref_slice %arg5[%mul3A_2, %dma_wait3A_536, %dma_wait3A_537] : memref<16384x200x128xf32, #tpu.memory_space<hbm>> -> memref<1x200x64xf32, #tpu.memory_space<hbm>>
          %dma_wait3A_539 = tpu.memref_squeeze %dma_wait3A_538 : memref<1x200x64xf32, #tpu.memory_space<hbm>> -> memref<200x64xf32, #tpu.memory_space<hbm>>
          %dma_wait3A_540 = arith.constant 0 : i32
          %dma_wait3A_541 = arith.constant 0 : i32
          %dma_wait3A_542 = tpu.memref_slice %arg7[%dma_wait3A_527, %dma_wait3A_540, %dma_wait3A_541] : memref<4x200x64xf32, #tpu.memory_space<vmem>> -> memref<1x200x64xf32, #tpu.memory_space<vmem>>
          %dma_wait3A_543 = tpu.memref_squeeze %dma_wait3A_542 : memref<1x200x64xf32, #tpu.memory_space<vmem>> -> memref<200x64xf32, #tpu.memory_space<vmem>>
          tpu.wait_dma2 semaphore(%arg16 : memref<!tpu.dma_semaphore, #tpu.memory_space<semaphore_mem>>) src(%dma_wait3A_543 : memref<200x64xf32, #tpu.memory_space<vmem>>) dst(%dma_wait3A_539 : memref<200x64xf32, #tpu.memory_space<hbm>>)
        } else {
        }
        %add3A_483 = arith.addi %mul3A_2, %add3A_302 : i32
        %mul3A_484 = arith.constant 2 : i32
        %mul3A_485 = arith.muli %add3A_483, %mul3A_484 : i32
        %run_scoped3A_486 = arith.constant 3 : i32
        "tpu.region"() ({
          %run_scoped3A_527 = tpu.sem_alloc : memref<!tpu.dma_semaphore, #tpu.memory_space<semaphore_mem>>
          %dma_start3A_528 = arith.constant 0 : i32
          %dma_start3A_529 = arith.constant 0 : i32
          %dma_start3A_530 = tpu.memref_slice %arg6[%run_scoped3A_486, %dma_start3A_528, %dma_start3A_529] : memref<4x2x100xi32, #tpu.memory_space<vmem>> -> memref<1x2x100xi32, #tpu.memory_space<vmem>>
          %dma_start3A_531 = tpu.memref_squeeze %dma_start3A_530 : memref<1x2x100xi32, #tpu.memory_space<vmem>> -> memref<2x100xi32, #tpu.memory_space<vmem>>
          %dma_start3A_532 = arith.constant 0 : i32
          %dma_start3A_533 = tpu.memref_slice %arg2[%mul3A_485, %dma_start3A_532] : memref<32768x100xi32, #tpu.memory_space<hbm>> -> memref<2x100xi32, #tpu.memory_space<hbm>>
          %dma_start3A_534 = arith.constant 0 : i32
          %dma_start3A_535 = arith.constant 0 : i32
          %dma_start3A_536 = tpu.memref_slice %arg6[%run_scoped3A_486, %dma_start3A_534, %dma_start3A_535] : memref<4x2x100xi32, #tpu.memory_space<vmem>> -> memref<1x2x100xi32, #tpu.memory_space<vmem>>
          %dma_start3A_537 = tpu.memref_squeeze %dma_start3A_536 : memref<1x2x100xi32, #tpu.memory_space<vmem>> -> memref<2x100xi32, #tpu.memory_space<vmem>>
          %dma_start3A_538 = arith.constant 0 : i32
          %dma_start3A_539 = tpu.memref_slice %arg2[%mul3A_485, %dma_start3A_538] : memref<32768x100xi32, #tpu.memory_space<hbm>> -> memref<2x100xi32, #tpu.memory_space<hbm>>
          tpu.enqueue_dma source(%dma_start3A_539 : memref<2x100xi32, #tpu.memory_space<hbm>>) target(%dma_start3A_537 : memref<2x100xi32, #tpu.memory_space<vmem>>) target_semaphore(%run_scoped3A_527 : memref<!tpu.dma_semaphore, #tpu.memory_space<semaphore_mem>>)
          %dma_wait3A_540 = arith.constant 0 : i32
          %dma_wait3A_541 = arith.constant 0 : i32
          %dma_wait3A_542 = tpu.memref_slice %arg6[%run_scoped3A_486, %dma_wait3A_540, %dma_wait3A_541] : memref<4x2x100xi32, #tpu.memory_space<vmem>> -> memref<1x2x100xi32, #tpu.memory_space<vmem>>
          %dma_wait3A_543 = tpu.memref_squeeze %dma_wait3A_542 : memref<1x2x100xi32, #tpu.memory_space<vmem>> -> memref<2x100xi32, #tpu.memory_space<vmem>>
          %dma_wait3A_544 = arith.constant 0 : i32
          %dma_wait3A_545 = tpu.memref_slice %arg2[%mul3A_485, %dma_wait3A_544] : memref<32768x100xi32, #tpu.memory_space<hbm>> -> memref<2x100xi32, #tpu.memory_space<hbm>>
          %dma_wait3A_546 = arith.constant 0 : i32
          %dma_wait3A_547 = arith.constant 0 : i32
          %dma_wait3A_548 = tpu.memref_slice %arg6[%run_scoped3A_486, %dma_wait3A_546, %dma_wait3A_547] : memref<4x2x100xi32, #tpu.memory_space<vmem>> -> memref<1x2x100xi32, #tpu.memory_space<vmem>>
          %dma_wait3A_549 = tpu.memref_squeeze %dma_wait3A_548 : memref<1x2x100xi32, #tpu.memory_space<vmem>> -> memref<2x100xi32, #tpu.memory_space<vmem>>
          %dma_wait3A_550 = arith.constant 0 : i32
          %dma_wait3A_551 = tpu.memref_slice %arg2[%mul3A_485, %dma_wait3A_550] : memref<32768x100xi32, #tpu.memory_space<hbm>> -> memref<2x100xi32, #tpu.memory_space<hbm>>
          tpu.wait_dma2 semaphore(%run_scoped3A_527 : memref<!tpu.dma_semaphore, #tpu.memory_space<semaphore_mem>>) src(%dma_wait3A_551 : memref<2x100xi32, #tpu.memory_space<hbm>>) dst(%dma_wait3A_549 : memref<2x100xi32, #tpu.memory_space<vmem>>)
          tpu.yield
        }) : () -> ()
        %dma_start3A_487 = arith.constant 3 : i32
        %dma_start3A_488 = arith.constant 0 : i32
        %dma_start3A_489 = arith.constant 3 : i32
        %dma_start3A_490 = arith.constant 0 : i32
        %dma_start3A_491 = arith.constant 0 : i32
        %dma_start3A_492 = tpu.memref_slice %arg7[%dma_start3A_489, %dma_start3A_490, %dma_start3A_491] : memref<4x200x64xf32, #tpu.memory_space<vmem>> -> memref<1x200x64xf32, #tpu.memory_space<vmem>>
        %dma_start3A_493 = tpu.memref_squeeze %dma_start3A_492 : memref<1x200x64xf32, #tpu.memory_space<vmem>> -> memref<200x64xf32, #tpu.memory_space<vmem>>
        %dma_start3A_494 = arith.constant 0 : i32
        %dma_start3A_495 = arith.constant 0 : i32
        %dma_start3A_496 = tpu.memref_slice %dma_start3A_493[%dma_start3A_494, %dma_start3A_495] : memref<200x64xf32, #tpu.memory_space<vmem>> -> memref<100x64xf32, #tpu.memory_space<vmem>>
        %dma_start3A_497 = arith.constant 0 : i32
        %dma_start3A_498 = arith.constant 0 : i32
        %dma_start3A_499 = tpu.memref_slice %arg6[%dma_start3A_487, %dma_start3A_497, %dma_start3A_498] : memref<4x2x100xi32, #tpu.memory_space<vmem>> -> memref<1x2x100xi32, #tpu.memory_space<vmem>>
        %dma_start3A_500 = tpu.memref_squeeze %dma_start3A_499 : memref<1x2x100xi32, #tpu.memory_space<vmem>> -> memref<2x100xi32, #tpu.memory_space<vmem>>
        %dma_start3A_501 = arith.constant 0 : i32
        %dma_start3A_502 = tpu.memref_slice %dma_start3A_500[%dma_start3A_488, %dma_start3A_501] : memref<2x100xi32, #tpu.memory_space<vmem>> -> memref<1x100xi32, #tpu.memory_space<vmem>>
        %dma_start3A_503 = tpu.memref_squeeze %dma_start3A_502 : memref<1x100xi32, #tpu.memory_space<vmem>> -> memref<100xi32, #tpu.memory_space<vmem>>
        %dma_start3A_504 = arith.constant 0 : i32
        %dma_start3A_505 = arith.constant 0 : i32
        %dma_start3A_506 = tpu.memref_slice %arg4[%dma_start3A_504, %dma_start3A_505] : memref<2000000x64xf32, #tpu.memory_space<hbm>> -> memref<2000000x64xf32, #tpu.memory_space<hbm>>
        tpu.enqueue_indirect_dma source(%dma_start3A_506 : memref<2000000x64xf32, #tpu.memory_space<hbm>>) target(%dma_start3A_496 : memref<100x64xf32, #tpu.memory_space<vmem>>) offsets(%dma_start3A_503 : memref<100xi32, #tpu.memory_space<vmem>>) semaphore(%arg12 : memref<!tpu.dma_semaphore, #tpu.memory_space<semaphore_mem>>)
        %dma_start3A_507 = arith.constant 3 : i32
        %dma_start3A_508 = arith.constant 1 : i32
        %dma_start3A_509 = arith.constant 3 : i32
        %dma_start3A_510 = arith.constant 0 : i32
        %dma_start3A_511 = arith.constant 0 : i32
        %dma_start3A_512 = tpu.memref_slice %arg7[%dma_start3A_509, %dma_start3A_510, %dma_start3A_511] : memref<4x200x64xf32, #tpu.memory_space<vmem>> -> memref<1x200x64xf32, #tpu.memory_space<vmem>>
        %dma_start3A_513 = tpu.memref_squeeze %dma_start3A_512 : memref<1x200x64xf32, #tpu.memory_space<vmem>> -> memref<200x64xf32, #tpu.memory_space<vmem>>
        %dma_start3A_514 = arith.constant 100 : i32
        %dma_start3A_515 = arith.constant 0 : i32
        %dma_start3A_516 = tpu.memref_slice %dma_start3A_513[%dma_start3A_514, %dma_start3A_515] : memref<200x64xf32, #tpu.memory_space<vmem>> -> memref<100x64xf32, #tpu.memory_space<vmem>>
        %dma_start3A_517 = arith.constant 0 : i32
        %dma_start3A_518 = arith.constant 0 : i32
        %dma_start3A_519 = tpu.memref_slice %arg6[%dma_start3A_507, %dma_start3A_517, %dma_start3A_518] : memref<4x2x100xi32, #tpu.memory_space<vmem>> -> memref<1x2x100xi32, #tpu.memory_space<vmem>>
        %dma_start3A_520 = tpu.memref_squeeze %dma_start3A_519 : memref<1x2x100xi32, #tpu.memory_space<vmem>> -> memref<2x100xi32, #tpu.memory_space<vmem>>
        %dma_start3A_521 = arith.constant 0 : i32
        %dma_start3A_522 = tpu.memref_slice %dma_start3A_520[%dma_start3A_508, %dma_start3A_521] : memref<2x100xi32, #tpu.memory_space<vmem>> -> memref<1x100xi32, #tpu.memory_space<vmem>>
        %dma_start3A_523 = tpu.memref_squeeze %dma_start3A_522 : memref<1x100xi32, #tpu.memory_space<vmem>> -> memref<100xi32, #tpu.memory_space<vmem>>
        %dma_start3A_524 = arith.constant 0 : i32
        %dma_start3A_525 = arith.constant 0 : i32
        %dma_start3A_526 = tpu.memref_slice %arg4[%dma_start3A_524, %dma_start3A_525] : memref<2000000x64xf32, #tpu.memory_space<hbm>> -> memref<2000000x64xf32, #tpu.memory_space<hbm>>
        tpu.enqueue_indirect_dma source(%dma_start3A_526 : memref<2000000x64xf32, #tpu.memory_space<hbm>>) target(%dma_start3A_516 : memref<100x64xf32, #tpu.memory_space<vmem>>) offsets(%dma_start3A_523 : memref<100xi32, #tpu.memory_space<vmem>>) semaphore(%arg12 : memref<!tpu.dma_semaphore, #tpu.memory_space<semaphore_mem>>)
      } else {
      }
      %dma_wait3A_308 = arith.constant 2 : i32
      %dma_wait3A_309 = arith.constant 0 : i32
      %dma_wait3A_310 = arith.constant 2 : i32
      %dma_wait3A_311 = arith.constant 0 : i32
      %dma_wait3A_312 = arith.constant 0 : i32
      %dma_wait3A_313 = tpu.memref_slice %arg7[%dma_wait3A_310, %dma_wait3A_311, %dma_wait3A_312] : memref<4x200x64xf32, #tpu.memory_space<vmem>> -> memref<1x200x64xf32, #tpu.memory_space<vmem>>
      %dma_wait3A_314 = tpu.memref_squeeze %dma_wait3A_313 : memref<1x200x64xf32, #tpu.memory_space<vmem>> -> memref<200x64xf32, #tpu.memory_space<vmem>>
      %dma_wait3A_315 = arith.constant 0 : i32
      %dma_wait3A_316 = arith.constant 0 : i32
      %dma_wait3A_317 = tpu.memref_slice %dma_wait3A_314[%dma_wait3A_315, %dma_wait3A_316] : memref<200x64xf32, #tpu.memory_space<vmem>> -> memref<100x64xf32, #tpu.memory_space<vmem>>
      %dma_wait3A_318 = arith.constant 0 : i32
      %dma_wait3A_319 = arith.constant 0 : i32
      %dma_wait3A_320 = tpu.memref_slice %arg6[%dma_wait3A_308, %dma_wait3A_318, %dma_wait3A_319] : memref<4x2x100xi32, #tpu.memory_space<vmem>> -> memref<1x2x100xi32, #tpu.memory_space<vmem>>
      %dma_wait3A_321 = tpu.memref_squeeze %dma_wait3A_320 : memref<1x2x100xi32, #tpu.memory_space<vmem>> -> memref<2x100xi32, #tpu.memory_space<vmem>>
      %dma_wait3A_322 = arith.constant 0 : i32
      %dma_wait3A_323 = tpu.memref_slice %dma_wait3A_321[%dma_wait3A_309, %dma_wait3A_322] : memref<2x100xi32, #tpu.memory_space<vmem>> -> memref<1x100xi32, #tpu.memory_space<vmem>>
      %dma_wait3A_324 = tpu.memref_squeeze %dma_wait3A_323 : memref<1x100xi32, #tpu.memory_space<vmem>> -> memref<100xi32, #tpu.memory_space<vmem>>
      %dma_wait3A_325 = arith.constant 0 : i32
      %dma_wait3A_326 = arith.constant 0 : i32
      %dma_wait3A_327 = tpu.memref_slice %arg4[%dma_wait3A_325, %dma_wait3A_326] : memref<2000000x64xf32, #tpu.memory_space<hbm>> -> memref<2000000x64xf32, #tpu.memory_space<hbm>>
      tpu.wait_indirect_dma semaphore(%arg11 : memref<!tpu.dma_semaphore, #tpu.memory_space<semaphore_mem>>) src(%dma_wait3A_327 : memref<2000000x64xf32, #tpu.memory_space<hbm>>) dst(%dma_wait3A_317 : memref<100x64xf32, #tpu.memory_space<vmem>>)
      %dma_wait3A_328 = arith.constant 2 : i32
      %dma_wait3A_329 = arith.constant 1 : i32
      %dma_wait3A_330 = arith.constant 2 : i32
      %dma_wait3A_331 = arith.constant 0 : i32
      %dma_wait3A_332 = arith.constant 0 : i32
      %dma_wait3A_333 = tpu.memref_slice %arg7[%dma_wait3A_330, %dma_wait3A_331, %dma_wait3A_332] : memref<4x200x64xf32, #tpu.memory_space<vmem>> -> memref<1x200x64xf32, #tpu.memory_space<vmem>>
      %dma_wait3A_334 = tpu.memref_squeeze %dma_wait3A_333 : memref<1x200x64xf32, #tpu.memory_space<vmem>> -> memref<200x64xf32, #tpu.memory_space<vmem>>
      %dma_wait3A_335 = arith.constant 100 : i32
      %dma_wait3A_336 = arith.constant 0 : i32
      %dma_wait3A_337 = tpu.memref_slice %dma_wait3A_334[%dma_wait3A_335, %dma_wait3A_336] : memref<200x64xf32, #tpu.memory_space<vmem>> -> memref<100x64xf32, #tpu.memory_space<vmem>>
      %dma_wait3A_338 = arith.constant 0 : i32
      %dma_wait3A_339 = arith.constant 0 : i32
      %dma_wait3A_340 = tpu.memref_slice %arg6[%dma_wait3A_328, %dma_wait3A_338, %dma_wait3A_339] : memref<4x2x100xi32, #tpu.memory_space<vmem>> -> memref<1x2x100xi32, #tpu.memory_space<vmem>>
      %dma_wait3A_341 = tpu.memref_squeeze %dma_wait3A_340 : memref<1x2x100xi32, #tpu.memory_space<vmem>> -> memref<2x100xi32, #tpu.memory_space<vmem>>
      %dma_wait3A_342 = arith.constant 0 : i32
      %dma_wait3A_343 = tpu.memref_slice %dma_wait3A_341[%dma_wait3A_329, %dma_wait3A_342] : memref<2x100xi32, #tpu.memory_space<vmem>> -> memref<1x100xi32, #tpu.memory_space<vmem>>
      %dma_wait3A_344 = tpu.memref_squeeze %dma_wait3A_343 : memref<1x100xi32, #tpu.memory_space<vmem>> -> memref<100xi32, #tpu.memory_space<vmem>>
      %dma_wait3A_345 = arith.constant 0 : i32
      %dma_wait3A_346 = arith.constant 0 : i32
      %dma_wait3A_347 = tpu.memref_slice %arg4[%dma_wait3A_345, %dma_wait3A_346] : memref<2000000x64xf32, #tpu.memory_space<hbm>> -> memref<2000000x64xf32, #tpu.memory_space<hbm>>
      tpu.wait_indirect_dma semaphore(%arg11 : memref<!tpu.dma_semaphore, #tpu.memory_space<semaphore_mem>>) src(%dma_wait3A_347 : memref<2000000x64xf32, #tpu.memory_space<hbm>>) dst(%dma_wait3A_337 : memref<100x64xf32, #tpu.memory_space<vmem>>)
      %get3A_348 = arith.index_cast %add3A_300 : i32 to index
      %get3A_349 = arith.constant 0 : index
      %get3A_350 = tpu.vector_load %arg8[%get3A_348, %get3A_349] {strides = array<i32>} : memref<512x64xf32, #tpu.memory_space<vmem>>, vector<1x16xf32>,
      %get3A_351 = vector.shape_cast %get3A_350 : vector<1x16xf32> to vector<16xf32>
      %get3A_352 = arith.index_cast %add3A_300 : i32 to index
      %get3A_353 = arith.constant 16 : index
      %get3A_354 = tpu.vector_load %arg8[%get3A_352, %get3A_353] {strides = array<i32>} : memref<512x64xf32, #tpu.memory_space<vmem>>, vector<1x16xf32>,
      %get3A_355 = vector.shape_cast %get3A_354 : vector<1x16xf32> to vector<16xf32>
      %get3A_356 = arith.index_cast %add3A_300 : i32 to index
      %get3A_357 = arith.constant 32 : index
      %get3A_358 = tpu.vector_load %arg8[%get3A_356, %get3A_357] {strides = array<i32>} : memref<512x64xf32, #tpu.memory_space<vmem>>, vector<1x16xf32>,
      %get3A_359 = vector.shape_cast %get3A_358 : vector<1x16xf32> to vector<16xf32>
      %get3A_360 = arith.index_cast %add3A_300 : i32 to index
      %get3A_361 = arith.constant 48 : index
      %get3A_362 = tpu.vector_load %arg8[%get3A_360, %get3A_361] {strides = array<i32>} : memref<512x64xf32, #tpu.memory_space<vmem>>, vector<1x16xf32>,
      %get3A_363 = vector.shape_cast %get3A_362 : vector<1x16xf32> to vector<16xf32>
      %scan3A_364 = arith.constant 0 : i32
      %scan3A_365 = arith.constant 0 : i32
      %scan3A_366 = arith.constant 200 : i32
      %scan3A_367 = arith.addi %scan3A_365, %scan3A_366 : i32
      %scan3A_368 = arith.constant 4 : i32
      scf.for %scan3A_479 = %scan3A_365 to %scan3A_367 step %scan3A_368  : i32 {
        %get3A_480 = arith.constant 2 : i32
        %get3A_481 = arith.index_cast %get3A_480 : i32 to index
        %get3A_482 = arith.index_cast %scan3A_479 : i32 to index
        %get3A_483 = arith.constant 0 : index
        %get3A_484 = tpu.vector_load %arg7[%get3A_481, %get3A_482, %get3A_483] {strides = array<i32>} : memref<4x200x64xf32, #tpu.memory_space<vmem>>, vector<1x1x16xf32>,
        %get3A_485 = vector.shape_cast %get3A_484 : vector<1x1x16xf32> to vector<16xf32>
        %add3A_486 = arith.addf %get3A_485, %get3A_351 : vector<16xf32>
        %swap3A = arith.constant 2 : i32
        %swap3A_487 = arith.index_cast %swap3A : i32 to index
        %swap3A_488 = arith.index_cast %scan3A_479 : i32 to index
        %swap3A_489 = arith.constant 0 : index
        %swap3A_490 = tpu.vector_load %arg7[%swap3A_487, %swap3A_488, %swap3A_489] {strides = array<i32>} : memref<4x200x64xf32, #tpu.memory_space<vmem>>, vector<1x1x16xf32>,
        %swap3A_491 = vector.shape_cast %swap3A_490 : vector<1x1x16xf32> to vector<16xf32>
        %swap3A_492 = vector.shape_cast %add3A_486 : vector<16xf32> to vector<1x1x16xf32>
        tpu.vector_store %arg7[%swap3A_487, %swap3A_488, %swap3A_489], %swap3A_492 {strides = array<i32>} : memref<4x200x64xf32, #tpu.memory_space<vmem>>, vector<1x1x16xf32>,
        %get3A_493 = arith.constant 2 : i32
        %get3A_494 = arith.index_cast %get3A_493 : i32 to index
        %get3A_495 = arith.index_cast %scan3A_479 : i32 to index
        %get3A_496 = arith.constant 16 : index
        %get3A_497 = tpu.vector_load %arg7[%get3A_494, %get3A_495, %get3A_496] {strides = array<i32>} : memref<4x200x64xf32, #tpu.memory_space<vmem>>, vector<1x1x16xf32>,
        %get3A_498 = vector.shape_cast %get3A_497 : vector<1x1x16xf32> to vector<16xf32>
        %add3A_499 = arith.addf %get3A_498, %get3A_355 : vector<16xf32>
        %swap3A_500 = arith.constant 2 : i32
        %swap3A_501 = arith.index_cast %swap3A_500 : i32 to index
        %swap3A_502 = arith.index_cast %scan3A_479 : i32 to index
        %swap3A_503 = arith.constant 16 : index
        %swap3A_504 = tpu.vector_load %arg7[%swap3A_501, %swap3A_502, %swap3A_503] {strides = array<i32>} : memref<4x200x64xf32, #tpu.memory_space<vmem>>, vector<1x1x16xf32>,
        %swap3A_505 = vector.shape_cast %swap3A_504 : vector<1x1x16xf32> to vector<16xf32>
        %swap3A_506 = vector.shape_cast %add3A_499 : vector<16xf32> to vector<1x1x16xf32>
        tpu.vector_store %arg7[%swap3A_501, %swap3A_502, %swap3A_503], %swap3A_506 {strides = array<i32>} : memref<4x200x64xf32, #tpu.memory_space<vmem>>, vector<1x1x16xf32>,
        %get3A_507 = arith.constant 2 : i32
        %get3A_508 = arith.index_cast %get3A_507 : i32 to index
        %get3A_509 = arith.index_cast %scan3A_479 : i32 to index
        %get3A_510 = arith.constant 32 : index
        %get3A_511 = tpu.vector_load %arg7[%get3A_508, %get3A_509, %get3A_510] {strides = array<i32>} : memref<4x200x64xf32, #tpu.memory_space<vmem>>, vector<1x1x16xf32>,
        %get3A_512 = vector.shape_cast %get3A_511 : vector<1x1x16xf32> to vector<16xf32>
        %add3A_513 = arith.addf %get3A_512, %get3A_359 : vector<16xf32>
        %swap3A_514 = arith.constant 2 : i32
        %swap3A_515 = arith.index_cast %swap3A_514 : i32 to index
        %swap3A_516 = arith.index_cast %scan3A_479 : i32 to index
        %swap3A_517 = arith.constant 32 : index
        %swap3A_518 = tpu.vector_load %arg7[%swap3A_515, %swap3A_516, %swap3A_517] {strides = array<i32>} : memref<4x200x64xf32, #tpu.memory_space<vmem>>, vector<1x1x16xf32>,
        %swap3A_519 = vector.shape_cast %swap3A_518 : vector<1x1x16xf32> to vector<16xf32>
        %swap3A_520 = vector.shape_cast %add3A_513 : vector<16xf32> to vector<1x1x16xf32>
        tpu.vector_store %arg7[%swap3A_515, %swap3A_516, %swap3A_517], %swap3A_520 {strides = array<i32>} : memref<4x200x64xf32, #tpu.memory_space<vmem>>, vector<1x1x16xf32>,
        %get3A_521 = arith.constant 2 : i32
        %get3A_522 = arith.index_cast %get3A_521 : i32 to index
        %get3A_523 = arith.index_cast %scan3A_479 : i32 to index
        %get3A_524 = arith.constant 48 : index
        %get3A_525 = tpu.vector_load %arg7[%get3A_522, %get3A_523, %get3A_524] {strides = array<i32>} : memref<4x200x64xf32, #tpu.memory_space<vmem>>, vector<1x1x16xf32>,
        %get3A_526 = vector.shape_cast %get3A_525 : vector<1x1x16xf32> to vector<16xf32>
        %add3A_527 = arith.addf %get3A_526, %get3A_363 : vector<16xf32>
        %swap3A_528 = arith.constant 2 : i32
        %swap3A_529 = arith.index_cast %swap3A_528 : i32 to index
        %swap3A_530 = arith.index_cast %scan3A_479 : i32 to index
        %swap3A_531 = arith.constant 48 : index
        %swap3A_532 = tpu.vector_load %arg7[%swap3A_529, %swap3A_530, %swap3A_531] {strides = array<i32>} : memref<4x200x64xf32, #tpu.memory_space<vmem>>, vector<1x1x16xf32>,
        %swap3A_533 = vector.shape_cast %swap3A_532 : vector<1x1x16xf32> to vector<16xf32>
        %swap3A_534 = vector.shape_cast %add3A_527 : vector<16xf32> to vector<1x1x16xf32>
        tpu.vector_store %arg7[%swap3A_529, %swap3A_530, %swap3A_531], %swap3A_534 {strides = array<i32>} : memref<4x200x64xf32, #tpu.memory_space<vmem>>, vector<1x1x16xf32>,
        %scan3A_535 = arith.constant 1 : i32
        %scan3A_536 = arith.addi %scan3A_479, %scan3A_535 : i32
        %get3A_537 = arith.constant 2 : i32
        %get3A_538 = arith.index_cast %get3A_537 : i32 to index
        %get3A_539 = arith.index_cast %scan3A_536 : i32 to index
        %get3A_540 = arith.constant 0 : index
        %get3A_541 = tpu.vector_load %arg7[%get3A_538, %get3A_539, %get3A_540] {strides = array<i32>} : memref<4x200x64xf32, #tpu.memory_space<vmem>>, vector<1x1x16xf32>,
        %get3A_542 = vector.shape_cast %get3A_541 : vector<1x1x16xf32> to vector<16xf32>
        %add3A_543 = arith.addf %get3A_542, %get3A_351 : vector<16xf32>
        %swap3A_544 = arith.constant 2 : i32
        %swap3A_545 = arith.index_cast %swap3A_544 : i32 to index
        %swap3A_546 = arith.index_cast %scan3A_536 : i32 to index
        %swap3A_547 = arith.constant 0 : index
        %swap3A_548 = tpu.vector_load %arg7[%swap3A_545, %swap3A_546, %swap3A_547] {strides = array<i32>} : memref<4x200x64xf32, #tpu.memory_space<vmem>>, vector<1x1x16xf32>,
        %swap3A_549 = vector.shape_cast %swap3A_548 : vector<1x1x16xf32> to vector<16xf32>
        %swap3A_550 = vector.shape_cast %add3A_543 : vector<16xf32> to vector<1x1x16xf32>
        tpu.vector_store %arg7[%swap3A_545, %swap3A_546, %swap3A_547], %swap3A_550 {strides = array<i32>} : memref<4x200x64xf32, #tpu.memory_space<vmem>>, vector<1x1x16xf32>,
        %get3A_551 = arith.constant 2 : i32
        %get3A_552 = arith.index_cast %get3A_551 : i32 to index
        %get3A_553 = arith.index_cast %scan3A_536 : i32 to index
        %get3A_554 = arith.constant 16 : index
        %get3A_555 = tpu.vector_load %arg7[%get3A_552, %get3A_553, %get3A_554] {strides = array<i32>} : memref<4x200x64xf32, #tpu.memory_space<vmem>>, vector<1x1x16xf32>,
        %get3A_556 = vector.shape_cast %get3A_555 : vector<1x1x16xf32> to vector<16xf32>
        %add3A_557 = arith.addf %get3A_556, %get3A_355 : vector<16xf32>
        %swap3A_558 = arith.constant 2 : i32
        %swap3A_559 = arith.index_cast %swap3A_558 : i32 to index
        %swap3A_560 = arith.index_cast %scan3A_536 : i32 to index
        %swap3A_561 = arith.constant 16 : index
        %swap3A_562 = tpu.vector_load %arg7[%swap3A_559, %swap3A_560, %swap3A_561] {strides = array<i32>} : memref<4x200x64xf32, #tpu.memory_space<vmem>>, vector<1x1x16xf32>,
        %swap3A_563 = vector.shape_cast %swap3A_562 : vector<1x1x16xf32> to vector<16xf32>
        %swap3A_564 = vector.shape_cast %add3A_557 : vector<16xf32> to vector<1x1x16xf32>
        tpu.vector_store %arg7[%swap3A_559, %swap3A_560, %swap3A_561], %swap3A_564 {strides = array<i32>} : memref<4x200x64xf32, #tpu.memory_space<vmem>>, vector<1x1x16xf32>,
        %get3A_565 = arith.constant 2 : i32
        %get3A_566 = arith.index_cast %get3A_565 : i32 to index
        %get3A_567 = arith.index_cast %scan3A_536 : i32 to index
        %get3A_568 = arith.constant 32 : index
        %get3A_569 = tpu.vector_load %arg7[%get3A_566, %get3A_567, %get3A_568] {strides = array<i32>} : memref<4x200x64xf32, #tpu.memory_space<vmem>>, vector<1x1x16xf32>,
        %get3A_570 = vector.shape_cast %get3A_569 : vector<1x1x16xf32> to vector<16xf32>
        %add3A_571 = arith.addf %get3A_570, %get3A_359 : vector<16xf32>
        %swap3A_572 = arith.constant 2 : i32
        %swap3A_573 = arith.index_cast %swap3A_572 : i32 to index
        %swap3A_574 = arith.index_cast %scan3A_536 : i32 to index
        %swap3A_575 = arith.constant 32 : index
        %swap3A_576 = tpu.vector_load %arg7[%swap3A_573, %swap3A_574, %swap3A_575] {strides = array<i32>} : memref<4x200x64xf32, #tpu.memory_space<vmem>>, vector<1x1x16xf32>,
        %swap3A_577 = vector.shape_cast %swap3A_576 : vector<1x1x16xf32> to vector<16xf32>
        %swap3A_578 = vector.shape_cast %add3A_571 : vector<16xf32> to vector<1x1x16xf32>
        tpu.vector_store %arg7[%swap3A_573, %swap3A_574, %swap3A_575], %swap3A_578 {strides = array<i32>} : memref<4x200x64xf32, #tpu.memory_space<vmem>>, vector<1x1x16xf32>,
        %get3A_579 = arith.constant 2 : i32
        %get3A_580 = arith.index_cast %get3A_579 : i32 to index
        %get3A_581 = arith.index_cast %scan3A_536 : i32 to index
        %get3A_582 = arith.constant 48 : index
        %get3A_583 = tpu.vector_load %arg7[%get3A_580, %get3A_581, %get3A_582] {strides = array<i32>} : memref<4x200x64xf32, #tpu.memory_space<vmem>>, vector<1x1x16xf32>,
        %get3A_584 = vector.shape_cast %get3A_583 : vector<1x1x16xf32> to vector<16xf32>
        %add3A_585 = arith.addf %get3A_584, %get3A_363 : vector<16xf32>
        %swap3A_586 = arith.constant 2 : i32
        %swap3A_587 = arith.index_cast %swap3A_586 : i32 to index
        %swap3A_588 = arith.index_cast %scan3A_536 : i32 to index
        %swap3A_589 = arith.constant 48 : index
        %swap3A_590 = tpu.vector_load %arg7[%swap3A_587, %swap3A_588, %swap3A_589] {strides = array<i32>} : memref<4x200x64xf32, #tpu.memory_space<vmem>>, vector<1x1x16xf32>,
        %swap3A_591 = vector.shape_cast %swap3A_590 : vector<1x1x16xf32> to vector<16xf32>
        %swap3A_592 = vector.shape_cast %add3A_585 : vector<16xf32> to vector<1x1x16xf32>
        tpu.vector_store %arg7[%swap3A_587, %swap3A_588, %swap3A_589], %swap3A_592 {strides = array<i32>} : memref<4x200x64xf32, #tpu.memory_space<vmem>>, vector<1x1x16xf32>,
        %scan3A_593 = arith.constant 2 : i32
        %scan3A_594 = arith.addi %scan3A_479, %scan3A_593 : i32
        %get3A_595 = arith.constant 2 : i32
        %get3A_596 = arith.index_cast %get3A_595 : i32 to index
        %get3A_597 = arith.index_cast %scan3A_594 : i32 to index
        %get3A_598 = arith.constant 0 : index
        %get3A_599 = tpu.vector_load %arg7[%get3A_596, %get3A_597, %get3A_598] {strides = array<i32>} : memref<4x200x64xf32, #tpu.memory_space<vmem>>, vector<1x1x16xf32>,
        %get3A_600 = vector.shape_cast %get3A_599 : vector<1x1x16xf32> to vector<16xf32>
        %add3A_601 = arith.addf %get3A_600, %get3A_351 : vector<16xf32>
        %swap3A_602 = arith.constant 2 : i32
        %swap3A_603 = arith.index_cast %swap3A_602 : i32 to index
        %swap3A_604 = arith.index_cast %scan3A_594 : i32 to index
        %swap3A_605 = arith.constant 0 : index
        %swap3A_606 = tpu.vector_load %arg7[%swap3A_603, %swap3A_604, %swap3A_605] {strides = array<i32>} : memref<4x200x64xf32, #tpu.memory_space<vmem>>, vector<1x1x16xf32>,
        %swap3A_607 = vector.shape_cast %swap3A_606 : vector<1x1x16xf32> to vector<16xf32>
        %swap3A_608 = vector.shape_cast %add3A_601 : vector<16xf32> to vector<1x1x16xf32>
        tpu.vector_store %arg7[%swap3A_603, %swap3A_604, %swap3A_605], %swap3A_608 {strides = array<i32>} : memref<4x200x64xf32, #tpu.memory_space<vmem>>, vector<1x1x16xf32>,
        %get3A_609 = arith.constant 2 : i32
        %get3A_610 = arith.index_cast %get3A_609 : i32 to index
        %get3A_611 = arith.index_cast %scan3A_594 : i32 to index
        %get3A_612 = arith.constant 16 : index
        %get3A_613 = tpu.vector_load %arg7[%get3A_610, %get3A_611, %get3A_612] {strides = array<i32>} : memref<4x200x64xf32, #tpu.memory_space<vmem>>, vector<1x1x16xf32>,
        %get3A_614 = vector.shape_cast %get3A_613 : vector<1x1x16xf32> to vector<16xf32>
        %add3A_615 = arith.addf %get3A_614, %get3A_355 : vector<16xf32>
        %swap3A_616 = arith.constant 2 : i32
        %swap3A_617 = arith.index_cast %swap3A_616 : i32 to index
        %swap3A_618 = arith.index_cast %scan3A_594 : i32 to index
        %swap3A_619 = arith.constant 16 : index
        %swap3A_620 = tpu.vector_load %arg7[%swap3A_617, %swap3A_618, %swap3A_619] {strides = array<i32>} : memref<4x200x64xf32, #tpu.memory_space<vmem>>, vector<1x1x16xf32>,
        %swap3A_621 = vector.shape_cast %swap3A_620 : vector<1x1x16xf32> to vector<16xf32>
        %swap3A_622 = vector.shape_cast %add3A_615 : vector<16xf32> to vector<1x1x16xf32>
        tpu.vector_store %arg7[%swap3A_617, %swap3A_618, %swap3A_619], %swap3A_622 {strides = array<i32>} : memref<4x200x64xf32, #tpu.memory_space<vmem>>, vector<1x1x16xf32>,
        %get3A_623 = arith.constant 2 : i32
        %get3A_624 = arith.index_cast %get3A_623 : i32 to index
        %get3A_625 = arith.index_cast %scan3A_594 : i32 to index
        %get3A_626 = arith.constant 32 : index
        %get3A_627 = tpu.vector_load %arg7[%get3A_624, %get3A_625, %get3A_626] {strides = array<i32>} : memref<4x200x64xf32, #tpu.memory_space<vmem>>, vector<1x1x16xf32>,
        %get3A_628 = vector.shape_cast %get3A_627 : vector<1x1x16xf32> to vector<16xf32>
        %add3A_629 = arith.addf %get3A_628, %get3A_359 : vector<16xf32>
        %swap3A_630 = arith.constant 2 : i32
        %swap3A_631 = arith.index_cast %swap3A_630 : i32 to index
        %swap3A_632 = arith.index_cast %scan3A_594 : i32 to index
        %swap3A_633 = arith.constant 32 : index
        %swap3A_634 = tpu.vector_load %arg7[%swap3A_631, %swap3A_632, %swap3A_633] {strides = array<i32>} : memref<4x200x64xf32, #tpu.memory_space<vmem>>, vector<1x1x16xf32>,
        %swap3A_635 = vector.shape_cast %swap3A_634 : vector<1x1x16xf32> to vector<16xf32>
        %swap3A_636 = vector.shape_cast %add3A_629 : vector<16xf32> to vector<1x1x16xf32>
        tpu.vector_store %arg7[%swap3A_631, %swap3A_632, %swap3A_633], %swap3A_636 {strides = array<i32>} : memref<4x200x64xf32, #tpu.memory_space<vmem>>, vector<1x1x16xf32>,
        %get3A_637 = arith.constant 2 : i32
        %get3A_638 = arith.index_cast %get3A_637 : i32 to index
        %get3A_639 = arith.index_cast %scan3A_594 : i32 to index
        %get3A_640 = arith.constant 48 : index
        %get3A_641 = tpu.vector_load %arg7[%get3A_638, %get3A_639, %get3A_640] {strides = array<i32>} : memref<4x200x64xf32, #tpu.memory_space<vmem>>, vector<1x1x16xf32>,
        %get3A_642 = vector.shape_cast %get3A_641 : vector<1x1x16xf32> to vector<16xf32>
        %add3A_643 = arith.addf %get3A_642, %get3A_363 : vector<16xf32>
        %swap3A_644 = arith.constant 2 : i32
        %swap3A_645 = arith.index_cast %swap3A_644 : i32 to index
        %swap3A_646 = arith.index_cast %scan3A_594 : i32 to index
        %swap3A_647 = arith.constant 48 : index
        %swap3A_648 = tpu.vector_load %arg7[%swap3A_645, %swap3A_646, %swap3A_647] {strides = array<i32>} : memref<4x200x64xf32, #tpu.memory_space<vmem>>, vector<1x1x16xf32>,
        %swap3A_649 = vector.shape_cast %swap3A_648 : vector<1x1x16xf32> to vector<16xf32>
        %swap3A_650 = vector.shape_cast %add3A_643 : vector<16xf32> to vector<1x1x16xf32>
        tpu.vector_store %arg7[%swap3A_645, %swap3A_646, %swap3A_647], %swap3A_650 {strides = array<i32>} : memref<4x200x64xf32, #tpu.memory_space<vmem>>, vector<1x1x16xf32>,
        %scan3A_651 = arith.constant 3 : i32
        %scan3A_652 = arith.addi %scan3A_479, %scan3A_651 : i32
        %get3A_653 = arith.constant 2 : i32
        %get3A_654 = arith.index_cast %get3A_653 : i32 to index
        %get3A_655 = arith.index_cast %scan3A_652 : i32 to index
        %get3A_656 = arith.constant 0 : index
        %get3A_657 = tpu.vector_load %arg7[%get3A_654, %get3A_655, %get3A_656] {strides = array<i32>} : memref<4x200x64xf32, #tpu.memory_space<vmem>>, vector<1x1x16xf32>,
        %get3A_658 = vector.shape_cast %get3A_657 : vector<1x1x16xf32> to vector<16xf32>
        %add3A_659 = arith.addf %get3A_658, %get3A_351 : vector<16xf32>
        %swap3A_660 = arith.constant 2 : i32
        %swap3A_661 = arith.index_cast %swap3A_660 : i32 to index
        %swap3A_662 = arith.index_cast %scan3A_652 : i32 to index
        %swap3A_663 = arith.constant 0 : index
        %swap3A_664 = tpu.vector_load %arg7[%swap3A_661, %swap3A_662, %swap3A_663] {strides = array<i32>} : memref<4x200x64xf32, #tpu.memory_space<vmem>>, vector<1x1x16xf32>,
        %swap3A_665 = vector.shape_cast %swap3A_664 : vector<1x1x16xf32> to vector<16xf32>
        %swap3A_666 = vector.shape_cast %add3A_659 : vector<16xf32> to vector<1x1x16xf32>
        tpu.vector_store %arg7[%swap3A_661, %swap3A_662, %swap3A_663], %swap3A_666 {strides = array<i32>} : memref<4x200x64xf32, #tpu.memory_space<vmem>>, vector<1x1x16xf32>,
        %get3A_667 = arith.constant 2 : i32
        %get3A_668 = arith.index_cast %get3A_667 : i32 to index
        %get3A_669 = arith.index_cast %scan3A_652 : i32 to index
        %get3A_670 = arith.constant 16 : index
        %get3A_671 = tpu.vector_load %arg7[%get3A_668, %get3A_669, %get3A_670] {strides = array<i32>} : memref<4x200x64xf32, #tpu.memory_space<vmem>>, vector<1x1x16xf32>,
        %get3A_672 = vector.shape_cast %get3A_671 : vector<1x1x16xf32> to vector<16xf32>
        %add3A_673 = arith.addf %get3A_672, %get3A_355 : vector<16xf32>
        %swap3A_674 = arith.constant 2 : i32
        %swap3A_675 = arith.index_cast %swap3A_674 : i32 to index
        %swap3A_676 = arith.index_cast %scan3A_652 : i32 to index
        %swap3A_677 = arith.constant 16 : index
        %swap3A_678 = tpu.vector_load %arg7[%swap3A_675, %swap3A_676, %swap3A_677] {strides = array<i32>} : memref<4x200x64xf32, #tpu.memory_space<vmem>>, vector<1x1x16xf32>,
        %swap3A_679 = vector.shape_cast %swap3A_678 : vector<1x1x16xf32> to vector<16xf32>
        %swap3A_680 = vector.shape_cast %add3A_673 : vector<16xf32> to vector<1x1x16xf32>
        tpu.vector_store %arg7[%swap3A_675, %swap3A_676, %swap3A_677], %swap3A_680 {strides = array<i32>} : memref<4x200x64xf32, #tpu.memory_space<vmem>>, vector<1x1x16xf32>,
        %get3A_681 = arith.constant 2 : i32
        %get3A_682 = arith.index_cast %get3A_681 : i32 to index
        %get3A_683 = arith.index_cast %scan3A_652 : i32 to index
        %get3A_684 = arith.constant 32 : index
        %get3A_685 = tpu.vector_load %arg7[%get3A_682, %get3A_683, %get3A_684] {strides = array<i32>} : memref<4x200x64xf32, #tpu.memory_space<vmem>>, vector<1x1x16xf32>,
        %get3A_686 = vector.shape_cast %get3A_685 : vector<1x1x16xf32> to vector<16xf32>
        %add3A_687 = arith.addf %get3A_686, %get3A_359 : vector<16xf32>
        %swap3A_688 = arith.constant 2 : i32
        %swap3A_689 = arith.index_cast %swap3A_688 : i32 to index
        %swap3A_690 = arith.index_cast %scan3A_652 : i32 to index
        %swap3A_691 = arith.constant 32 : index
        %swap3A_692 = tpu.vector_load %arg7[%swap3A_689, %swap3A_690, %swap3A_691] {strides = array<i32>} : memref<4x200x64xf32, #tpu.memory_space<vmem>>, vector<1x1x16xf32>,
        %swap3A_693 = vector.shape_cast %swap3A_692 : vector<1x1x16xf32> to vector<16xf32>
        %swap3A_694 = vector.shape_cast %add3A_687 : vector<16xf32> to vector<1x1x16xf32>
        tpu.vector_store %arg7[%swap3A_689, %swap3A_690, %swap3A_691], %swap3A_694 {strides = array<i32>} : memref<4x200x64xf32, #tpu.memory_space<vmem>>, vector<1x1x16xf32>,
        %get3A_695 = arith.constant 2 : i32
        %get3A_696 = arith.index_cast %get3A_695 : i32 to index
        %get3A_697 = arith.index_cast %scan3A_652 : i32 to index
        %get3A_698 = arith.constant 48 : index
        %get3A_699 = tpu.vector_load %arg7[%get3A_696, %get3A_697, %get3A_698] {strides = array<i32>} : memref<4x200x64xf32, #tpu.memory_space<vmem>>, vector<1x1x16xf32>,
        %get3A_700 = vector.shape_cast %get3A_699 : vector<1x1x16xf32> to vector<16xf32>
        %add3A_701 = arith.addf %get3A_700, %get3A_363 : vector<16xf32>
        %swap3A_702 = arith.constant 2 : i32
        %swap3A_703 = arith.index_cast %swap3A_702 : i32 to index
        %swap3A_704 = arith.index_cast %scan3A_652 : i32 to index
        %swap3A_705 = arith.constant 48 : index
        %swap3A_706 = tpu.vector_load %arg7[%swap3A_703, %swap3A_704, %swap3A_705] {strides = array<i32>} : memref<4x200x64xf32, #tpu.memory_space<vmem>>, vector<1x1x16xf32>,
        %swap3A_707 = vector.shape_cast %swap3A_706 : vector<1x1x16xf32> to vector<16xf32>
        %swap3A_708 = vector.shape_cast %add3A_701 : vector<16xf32> to vector<1x1x16xf32>
        tpu.vector_store %arg7[%swap3A_703, %swap3A_704, %swap3A_705], %swap3A_708 {strides = array<i32>} : memref<4x200x64xf32, #tpu.memory_space<vmem>>, vector<1x1x16xf32>,
      }
      %scan3A_369 = arith.constant 200 : i32
      %add3A_370 = arith.addi %mul3A_2, %add3A_300 : i32
      %dma_start3A_371 = arith.constant 2 : i32
      %dma_start3A_372 = arith.constant 0 : i32
      %dma_start3A_373 = arith.constant 0 : i32
      %dma_start3A_374 = tpu.memref_slice %arg7[%dma_start3A_371, %dma_start3A_372, %dma_start3A_373] : memref<4x200x64xf32, #tpu.memory_space<vmem>> -> memref<1x200x64xf32, #tpu.memory_space<vmem>>
      %dma_start3A_375 = tpu.memref_squeeze %dma_start3A_374 : memref<1x200x64xf32, #tpu.memory_space<vmem>> -> memref<200x64xf32, #tpu.memory_space<vmem>>
      %dma_start3A_376 = arith.constant 0 : i32
      %dma_start3A_377 = arith.constant 0 : i32
      %dma_start3A_378 = tpu.memref_slice %arg5[%add3A_370, %dma_start3A_376, %dma_start3A_377] : memref<16384x200x128xf32, #tpu.memory_space<hbm>> -> memref<1x200x64xf32, #tpu.memory_space<hbm>>
      %dma_start3A_379 = tpu.memref_squeeze %dma_start3A_378 : memref<1x200x64xf32, #tpu.memory_space<hbm>> -> memref<200x64xf32, #tpu.memory_space<hbm>>
      %dma_start3A_380 = arith.constant 0 : i32
      %dma_start3A_381 = arith.constant 0 : i32
      %dma_start3A_382 = tpu.memref_slice %arg5[%add3A_370, %dma_start3A_380, %dma_start3A_381] : memref<16384x200x128xf32, #tpu.memory_space<hbm>> -> memref<1x200x64xf32, #tpu.memory_space<hbm>>
      %dma_start3A_383 = tpu.memref_squeeze %dma_start3A_382 : memref<1x200x64xf32, #tpu.memory_space<hbm>> -> memref<200x64xf32, #tpu.memory_space<hbm>>
      %dma_start3A_384 = arith.constant 0 : i32
      %dma_start3A_385 = arith.constant 0 : i32
      %dma_start3A_386 = tpu.memref_slice %arg7[%dma_start3A_371, %dma_start3A_384, %dma_start3A_385] : memref<4x200x64xf32, #tpu.memory_space<vmem>> -> memref<1x200x64xf32, #tpu.memory_space<vmem>>
      %dma_start3A_387 = tpu.memref_squeeze %dma_start3A_386 : memref<1x200x64xf32, #tpu.memory_space<vmem>> -> memref<200x64xf32, #tpu.memory_space<vmem>>
      tpu.enqueue_dma source(%dma_start3A_387 : memref<200x64xf32, #tpu.memory_space<vmem>>) target(%dma_start3A_383 : memref<200x64xf32, #tpu.memory_space<hbm>>) target_semaphore(%arg15 : memref<!tpu.dma_semaphore, #tpu.memory_space<semaphore_mem>>)
      %mul3A_388 = arith.constant 4 : i32
      %mul3A_389 = arith.muli %scan3A_118, %mul3A_388 : i32
      %add3A_390 = arith.constant 3 : i32
      %add3A_391 = arith.addi %mul3A_389, %add3A_390 : i32
      %add3A_392 = arith.constant 1 : i32
      %add3A_393 = arith.addi %add3A_391, %add3A_392 : i32
      %lt3A_394 = arith.constant 512 : i32
      %lt3A_395 = arith.cmpi slt, %add3A_393, %lt3A_394 : i32
      %convert_element_type3A_396 = arith.extui %lt3A_395 : i1 to i32
      %cond3A_397 = arith.constant 0 : i32
      %cond3A_398 = arith.cmpi ne, %convert_element_type3A_396, %cond3A_397 : i32
      scf.if %cond3A_398 {
        %ge3A = arith.constant 4 : i32
        %ge3A_479 = arith.cmpi sge, %add3A_393, %ge3A : i32
        %convert_element_type3A_480 = arith.extui %ge3A_479 : i1 to i32
        %cond3A_481 = arith.constant 0 : i32
        %cond3A_482 = arith.cmpi ne, %convert_element_type3A_480, %cond3A_481 : i32
        scf.if %cond3A_482 {
          %dma_wait3A_527 = arith.constant 0 : i32
          %dma_wait3A_528 = arith.constant 0 : i32
          %dma_wait3A_529 = arith.constant 0 : i32
          %dma_wait3A_530 = tpu.memref_slice %arg7[%dma_wait3A_527, %dma_wait3A_528, %dma_wait3A_529] : memref<4x200x64xf32, #tpu.memory_space<vmem>> -> memref<1x200x64xf32, #tpu.memory_space<vmem>>
          %dma_wait3A_531 = tpu.memref_squeeze %dma_wait3A_530 : memref<1x200x64xf32, #tpu.memory_space<vmem>> -> memref<200x64xf32, #tpu.memory_space<vmem>>
          %dma_wait3A_532 = arith.constant 0 : i32
          %dma_wait3A_533 = arith.constant 0 : i32
          %dma_wait3A_534 = tpu.memref_slice %arg5[%mul3A_2, %dma_wait3A_532, %dma_wait3A_533] : memref<16384x200x128xf32, #tpu.memory_space<hbm>> -> memref<1x200x64xf32, #tpu.memory_space<hbm>>
          %dma_wait3A_535 = tpu.memref_squeeze %dma_wait3A_534 : memref<1x200x64xf32, #tpu.memory_space<hbm>> -> memref<200x64xf32, #tpu.memory_space<hbm>>
          %dma_wait3A_536 = arith.constant 0 : i32
          %dma_wait3A_537 = arith.constant 0 : i32
          %dma_wait3A_538 = tpu.memref_slice %arg5[%mul3A_2, %dma_wait3A_536, %dma_wait3A_537] : memref<16384x200x128xf32, #tpu.memory_space<hbm>> -> memref<1x200x64xf32, #tpu.memory_space<hbm>>
          %dma_wait3A_539 = tpu.memref_squeeze %dma_wait3A_538 : memref<1x200x64xf32, #tpu.memory_space<hbm>> -> memref<200x64xf32, #tpu.memory_space<hbm>>
          %dma_wait3A_540 = arith.constant 0 : i32
          %dma_wait3A_541 = arith.constant 0 : i32
          %dma_wait3A_542 = tpu.memref_slice %arg7[%dma_wait3A_527, %dma_wait3A_540, %dma_wait3A_541] : memref<4x200x64xf32, #tpu.memory_space<vmem>> -> memref<1x200x64xf32, #tpu.memory_space<vmem>>
          %dma_wait3A_543 = tpu.memref_squeeze %dma_wait3A_542 : memref<1x200x64xf32, #tpu.memory_space<vmem>> -> memref<200x64xf32, #tpu.memory_space<vmem>>
          tpu.wait_dma2 semaphore(%arg13 : memref<!tpu.dma_semaphore, #tpu.memory_space<semaphore_mem>>) src(%dma_wait3A_543 : memref<200x64xf32, #tpu.memory_space<vmem>>) dst(%dma_wait3A_539 : memref<200x64xf32, #tpu.memory_space<hbm>>)
        } else {
        }
        %add3A_483 = arith.addi %mul3A_2, %add3A_393 : i32
        %mul3A_484 = arith.constant 2 : i32
        %mul3A_485 = arith.muli %add3A_483, %mul3A_484 : i32
        %run_scoped3A_486 = arith.constant 0 : i32
        "tpu.region"() ({
          %run_scoped3A_527 = tpu.sem_alloc : memref<!tpu.dma_semaphore, #tpu.memory_space<semaphore_mem>>
          %dma_start3A_528 = arith.constant 0 : i32
          %dma_start3A_529 = arith.constant 0 : i32
          %dma_start3A_530 = tpu.memref_slice %arg6[%run_scoped3A_486, %dma_start3A_528, %dma_start3A_529] : memref<4x2x100xi32, #tpu.memory_space<vmem>> -> memref<1x2x100xi32, #tpu.memory_space<vmem>>
          %dma_start3A_531 = tpu.memref_squeeze %dma_start3A_530 : memref<1x2x100xi32, #tpu.memory_space<vmem>> -> memref<2x100xi32, #tpu.memory_space<vmem>>
          %dma_start3A_532 = arith.constant 0 : i32
          %dma_start3A_533 = tpu.memref_slice %arg2[%mul3A_485, %dma_start3A_532] : memref<32768x100xi32, #tpu.memory_space<hbm>> -> memref<2x100xi32, #tpu.memory_space<hbm>>
          %dma_start3A_534 = arith.constant 0 : i32
          %dma_start3A_535 = arith.constant 0 : i32
          %dma_start3A_536 = tpu.memref_slice %arg6[%run_scoped3A_486, %dma_start3A_534, %dma_start3A_535] : memref<4x2x100xi32, #tpu.memory_space<vmem>> -> memref<1x2x100xi32, #tpu.memory_space<vmem>>
          %dma_start3A_537 = tpu.memref_squeeze %dma_start3A_536 : memref<1x2x100xi32, #tpu.memory_space<vmem>> -> memref<2x100xi32, #tpu.memory_space<vmem>>
          %dma_start3A_538 = arith.constant 0 : i32
          %dma_start3A_539 = tpu.memref_slice %arg2[%mul3A_485, %dma_start3A_538] : memref<32768x100xi32, #tpu.memory_space<hbm>> -> memref<2x100xi32, #tpu.memory_space<hbm>>
          tpu.enqueue_dma source(%dma_start3A_539 : memref<2x100xi32, #tpu.memory_space<hbm>>) target(%dma_start3A_537 : memref<2x100xi32, #tpu.memory_space<vmem>>) target_semaphore(%run_scoped3A_527 : memref<!tpu.dma_semaphore, #tpu.memory_space<semaphore_mem>>)
          %dma_wait3A_540 = arith.constant 0 : i32
          %dma_wait3A_541 = arith.constant 0 : i32
          %dma_wait3A_542 = tpu.memref_slice %arg6[%run_scoped3A_486, %dma_wait3A_540, %dma_wait3A_541] : memref<4x2x100xi32, #tpu.memory_space<vmem>> -> memref<1x2x100xi32, #tpu.memory_space<vmem>>
          %dma_wait3A_543 = tpu.memref_squeeze %dma_wait3A_542 : memref<1x2x100xi32, #tpu.memory_space<vmem>> -> memref<2x100xi32, #tpu.memory_space<vmem>>
          %dma_wait3A_544 = arith.constant 0 : i32
          %dma_wait3A_545 = tpu.memref_slice %arg2[%mul3A_485, %dma_wait3A_544] : memref<32768x100xi32, #tpu.memory_space<hbm>> -> memref<2x100xi32, #tpu.memory_space<hbm>>
          %dma_wait3A_546 = arith.constant 0 : i32
          %dma_wait3A_547 = arith.constant 0 : i32
          %dma_wait3A_548 = tpu.memref_slice %arg6[%run_scoped3A_486, %dma_wait3A_546, %dma_wait3A_547] : memref<4x2x100xi32, #tpu.memory_space<vmem>> -> memref<1x2x100xi32, #tpu.memory_space<vmem>>
          %dma_wait3A_549 = tpu.memref_squeeze %dma_wait3A_548 : memref<1x2x100xi32, #tpu.memory_space<vmem>> -> memref<2x100xi32, #tpu.memory_space<vmem>>
          %dma_wait3A_550 = arith.constant 0 : i32
          %dma_wait3A_551 = tpu.memref_slice %arg2[%mul3A_485, %dma_wait3A_550] : memref<32768x100xi32, #tpu.memory_space<hbm>> -> memref<2x100xi32, #tpu.memory_space<hbm>>
          tpu.wait_dma2 semaphore(%run_scoped3A_527 : memref<!tpu.dma_semaphore, #tpu.memory_space<semaphore_mem>>) src(%dma_wait3A_551 : memref<2x100xi32, #tpu.memory_space<hbm>>) dst(%dma_wait3A_549 : memref<2x100xi32, #tpu.memory_space<vmem>>)
          tpu.yield
        }) : () -> ()
        %dma_start3A_487 = arith.constant 0 : i32
        %dma_start3A_488 = arith.constant 0 : i32
        %dma_start3A_489 = arith.constant 0 : i32
        %dma_start3A_490 = arith.constant 0 : i32
        %dma_start3A_491 = arith.constant 0 : i32
        %dma_start3A_492 = tpu.memref_slice %arg7[%dma_start3A_489, %dma_start3A_490, %dma_start3A_491] : memref<4x200x64xf32, #tpu.memory_space<vmem>> -> memref<1x200x64xf32, #tpu.memory_space<vmem>>
        %dma_start3A_493 = tpu.memref_squeeze %dma_start3A_492 : memref<1x200x64xf32, #tpu.memory_space<vmem>> -> memref<200x64xf32, #tpu.memory_space<vmem>>
        %dma_start3A_494 = arith.constant 0 : i32
        %dma_start3A_495 = arith.constant 0 : i32
        %dma_start3A_496 = tpu.memref_slice %dma_start3A_493[%dma_start3A_494, %dma_start3A_495] : memref<200x64xf32, #tpu.memory_space<vmem>> -> memref<100x64xf32, #tpu.memory_space<vmem>>
        %dma_start3A_497 = arith.constant 0 : i32
        %dma_start3A_498 = arith.constant 0 : i32
        %dma_start3A_499 = tpu.memref_slice %arg6[%dma_start3A_487, %dma_start3A_497, %dma_start3A_498] : memref<4x2x100xi32, #tpu.memory_space<vmem>> -> memref<1x2x100xi32, #tpu.memory_space<vmem>>
        %dma_start3A_500 = tpu.memref_squeeze %dma_start3A_499 : memref<1x2x100xi32, #tpu.memory_space<vmem>> -> memref<2x100xi32, #tpu.memory_space<vmem>>
        %dma_start3A_501 = arith.constant 0 : i32
        %dma_start3A_502 = tpu.memref_slice %dma_start3A_500[%dma_start3A_488, %dma_start3A_501] : memref<2x100xi32, #tpu.memory_space<vmem>> -> memref<1x100xi32, #tpu.memory_space<vmem>>
        %dma_start3A_503 = tpu.memref_squeeze %dma_start3A_502 : memref<1x100xi32, #tpu.memory_space<vmem>> -> memref<100xi32, #tpu.memory_space<vmem>>
        %dma_start3A_504 = arith.constant 0 : i32
        %dma_start3A_505 = arith.constant 0 : i32
        %dma_start3A_506 = tpu.memref_slice %arg4[%dma_start3A_504, %dma_start3A_505] : memref<2000000x64xf32, #tpu.memory_space<hbm>> -> memref<2000000x64xf32, #tpu.memory_space<hbm>>
        tpu.enqueue_indirect_dma source(%dma_start3A_506 : memref<2000000x64xf32, #tpu.memory_space<hbm>>) target(%dma_start3A_496 : memref<100x64xf32, #tpu.memory_space<vmem>>) offsets(%dma_start3A_503 : memref<100xi32, #tpu.memory_space<vmem>>) semaphore(%arg9 : memref<!tpu.dma_semaphore, #tpu.memory_space<semaphore_mem>>)
        %dma_start3A_507 = arith.constant 0 : i32
        %dma_start3A_508 = arith.constant 1 : i32
        %dma_start3A_509 = arith.constant 0 : i32
        %dma_start3A_510 = arith.constant 0 : i32
        %dma_start3A_511 = arith.constant 0 : i32
        %dma_start3A_512 = tpu.memref_slice %arg7[%dma_start3A_509, %dma_start3A_510, %dma_start3A_511] : memref<4x200x64xf32, #tpu.memory_space<vmem>> -> memref<1x200x64xf32, #tpu.memory_space<vmem>>
        %dma_start3A_513 = tpu.memref_squeeze %dma_start3A_512 : memref<1x200x64xf32, #tpu.memory_space<vmem>> -> memref<200x64xf32, #tpu.memory_space<vmem>>
        %dma_start3A_514 = arith.constant 100 : i32
        %dma_start3A_515 = arith.constant 0 : i32
        %dma_start3A_516 = tpu.memref_slice %dma_start3A_513[%dma_start3A_514, %dma_start3A_515] : memref<200x64xf32, #tpu.memory_space<vmem>> -> memref<100x64xf32, #tpu.memory_space<vmem>>
        %dma_start3A_517 = arith.constant 0 : i32
        %dma_start3A_518 = arith.constant 0 : i32
        %dma_start3A_519 = tpu.memref_slice %arg6[%dma_start3A_507, %dma_start3A_517, %dma_start3A_518] : memref<4x2x100xi32, #tpu.memory_space<vmem>> -> memref<1x2x100xi32, #tpu.memory_space<vmem>>
        %dma_start3A_520 = tpu.memref_squeeze %dma_start3A_519 : memref<1x2x100xi32, #tpu.memory_space<vmem>> -> memref<2x100xi32, #tpu.memory_space<vmem>>
        %dma_start3A_521 = arith.constant 0 : i32
        %dma_start3A_522 = tpu.memref_slice %dma_start3A_520[%dma_start3A_508, %dma_start3A_521] : memref<2x100xi32, #tpu.memory_space<vmem>> -> memref<1x100xi32, #tpu.memory_space<vmem>>
        %dma_start3A_523 = tpu.memref_squeeze %dma_start3A_522 : memref<1x100xi32, #tpu.memory_space<vmem>> -> memref<100xi32, #tpu.memory_space<vmem>>
        %dma_start3A_524 = arith.constant 0 : i32
        %dma_start3A_525 = arith.constant 0 : i32
        %dma_start3A_526 = tpu.memref_slice %arg4[%dma_start3A_524, %dma_start3A_525] : memref<2000000x64xf32, #tpu.memory_space<hbm>> -> memref<2000000x64xf32, #tpu.memory_space<hbm>>
        tpu.enqueue_indirect_dma source(%dma_start3A_526 : memref<2000000x64xf32, #tpu.memory_space<hbm>>) target(%dma_start3A_516 : memref<100x64xf32, #tpu.memory_space<vmem>>) offsets(%dma_start3A_523 : memref<100xi32, #tpu.memory_space<vmem>>) semaphore(%arg9 : memref<!tpu.dma_semaphore, #tpu.memory_space<semaphore_mem>>)
      } else {
      }
      %dma_wait3A_399 = arith.constant 3 : i32
      %dma_wait3A_400 = arith.constant 0 : i32
      %dma_wait3A_401 = arith.constant 3 : i32
      %dma_wait3A_402 = arith.constant 0 : i32
      %dma_wait3A_403 = arith.constant 0 : i32
      %dma_wait3A_404 = tpu.memref_slice %arg7[%dma_wait3A_401, %dma_wait3A_402, %dma_wait3A_403] : memref<4x200x64xf32, #tpu.memory_space<vmem>> -> memref<1x200x64xf32, #tpu.memory_space<vmem>>
      %dma_wait3A_405 = tpu.memref_squeeze %dma_wait3A_404 : memref<1x200x64xf32, #tpu.memory_space<vmem>> -> memref<200x64xf32, #tpu.memory_space<vmem>>
      %dma_wait3A_406 = arith.constant 0 : i32
      %dma_wait3A_407 = arith.constant 0 : i32
      %dma_wait3A_408 = tpu.memref_slice %dma_wait3A_405[%dma_wait3A_406, %dma_wait3A_407] : memref<200x64xf32, #tpu.memory_space<vmem>> -> memref<100x64xf32, #tpu.memory_space<vmem>>
      %dma_wait3A_409 = arith.constant 0 : i32
      %dma_wait3A_410 = arith.constant 0 : i32
      %dma_wait3A_411 = tpu.memref_slice %arg6[%dma_wait3A_399, %dma_wait3A_409, %dma_wait3A_410] : memref<4x2x100xi32, #tpu.memory_space<vmem>> -> memref<1x2x100xi32, #tpu.memory_space<vmem>>
      %dma_wait3A_412 = tpu.memref_squeeze %dma_wait3A_411 : memref<1x2x100xi32, #tpu.memory_space<vmem>> -> memref<2x100xi32, #tpu.memory_space<vmem>>
      %dma_wait3A_413 = arith.constant 0 : i32
      %dma_wait3A_414 = tpu.memref_slice %dma_wait3A_412[%dma_wait3A_400, %dma_wait3A_413] : memref<2x100xi32, #tpu.memory_space<vmem>> -> memref<1x100xi32, #tpu.memory_space<vmem>>
      %dma_wait3A_415 = tpu.memref_squeeze %dma_wait3A_414 : memref<1x100xi32, #tpu.memory_space<vmem>> -> memref<100xi32, #tpu.memory_space<vmem>>
      %dma_wait3A_416 = arith.constant 0 : i32
      %dma_wait3A_417 = arith.constant 0 : i32
      %dma_wait3A_418 = tpu.memref_slice %arg4[%dma_wait3A_416, %dma_wait3A_417] : memref<2000000x64xf32, #tpu.memory_space<hbm>> -> memref<2000000x64xf32, #tpu.memory_space<hbm>>
      tpu.wait_indirect_dma semaphore(%arg12 : memref<!tpu.dma_semaphore, #tpu.memory_space<semaphore_mem>>) src(%dma_wait3A_418 : memref<2000000x64xf32, #tpu.memory_space<hbm>>) dst(%dma_wait3A_408 : memref<100x64xf32, #tpu.memory_space<vmem>>)
      %dma_wait3A_419 = arith.constant 3 : i32
      %dma_wait3A_420 = arith.constant 1 : i32
      %dma_wait3A_421 = arith.constant 3 : i32
      %dma_wait3A_422 = arith.constant 0 : i32
      %dma_wait3A_423 = arith.constant 0 : i32
      %dma_wait3A_424 = tpu.memref_slice %arg7[%dma_wait3A_421, %dma_wait3A_422, %dma_wait3A_423] : memref<4x200x64xf32, #tpu.memory_space<vmem>> -> memref<1x200x64xf32, #tpu.memory_space<vmem>>
      %dma_wait3A_425 = tpu.memref_squeeze %dma_wait3A_424 : memref<1x200x64xf32, #tpu.memory_space<vmem>> -> memref<200x64xf32, #tpu.memory_space<vmem>>
      %dma_wait3A_426 = arith.constant 100 : i32
      %dma_wait3A_427 = arith.constant 0 : i32
      %dma_wait3A_428 = tpu.memref_slice %dma_wait3A_425[%dma_wait3A_426, %dma_wait3A_427] : memref<200x64xf32, #tpu.memory_space<vmem>> -> memref<100x64xf32, #tpu.memory_space<vmem>>
      %dma_wait3A_429 = arith.constant 0 : i32
      %dma_wait3A_430 = arith.constant 0 : i32
      %dma_wait3A_431 = tpu.memref_slice %arg6[%dma_wait3A_419, %dma_wait3A_429, %dma_wait3A_430] : memref<4x2x100xi32, #tpu.memory_space<vmem>> -> memref<1x2x100xi32, #tpu.memory_space<vmem>>
      %dma_wait3A_432 = tpu.memref_squeeze %dma_wait3A_431 : memref<1x2x100xi32, #tpu.memory_space<vmem>> -> memref<2x100xi32, #tpu.memory_space<vmem>>
      %dma_wait3A_433 = arith.constant 0 : i32
      %dma_wait3A_434 = tpu.memref_slice %dma_wait3A_432[%dma_wait3A_420, %dma_wait3A_433] : memref<2x100xi32, #tpu.memory_space<vmem>> -> memref<1x100xi32, #tpu.memory_space<vmem>>
      %dma_wait3A_435 = tpu.memref_squeeze %dma_wait3A_434 : memref<1x100xi32, #tpu.memory_space<vmem>> -> memref<100xi32, #tpu.memory_space<vmem>>
      %dma_wait3A_436 = arith.constant 0 : i32
      %dma_wait3A_437 = arith.constant 0 : i32
      %dma_wait3A_438 = tpu.memref_slice %arg4[%dma_wait3A_436, %dma_wait3A_437] : memref<2000000x64xf32, #tpu.memory_space<hbm>> -> memref<2000000x64xf32, #tpu.memory_space<hbm>>
      tpu.wait_indirect_dma semaphore(%arg12 : memref<!tpu.dma_semaphore, #tpu.memory_space<semaphore_mem>>) src(%dma_wait3A_438 : memref<2000000x64xf32, #tpu.memory_space<hbm>>) dst(%dma_wait3A_428 : memref<100x64xf32, #tpu.memory_space<vmem>>)
      %get3A_439 = arith.index_cast %add3A_391 : i32 to index
      %get3A_440 = arith.constant 0 : index
      %get3A_441 = tpu.vector_load %arg8[%get3A_439, %get3A_440] {strides = array<i32>} : memref<512x64xf32, #tpu.memory_space<vmem>>, vector<1x16xf32>,
      %get3A_442 = vector.shape_cast %get3A_441 : vector<1x16xf32> to vector<16xf32>
      %get3A_443 = arith.index_cast %add3A_391 : i32 to index
      %get3A_444 = arith.constant 16 : index
      %get3A_445 = tpu.vector_load %arg8[%get3A_443, %get3A_444] {strides = array<i32>} : memref<512x64xf32, #tpu.memory_space<vmem>>, vector<1x16xf32>,
      %get3A_446 = vector.shape_cast %get3A_445 : vector<1x16xf32> to vector<16xf32>
      %get3A_447 = arith.index_cast %add3A_391 : i32 to index
      %get3A_448 = arith.constant 32 : index
      %get3A_449 = tpu.vector_load %arg8[%get3A_447, %get3A_448] {strides = array<i32>} : memref<512x64xf32, #tpu.memory_space<vmem>>, vector<1x16xf32>,
      %get3A_450 = vector.shape_cast %get3A_449 : vector<1x16xf32> to vector<16xf32>
      %get3A_451 = arith.index_cast %add3A_391 : i32 to index
      %get3A_452 = arith.constant 48 : index
      %get3A_453 = tpu.vector_load %arg8[%get3A_451, %get3A_452] {strides = array<i32>} : memref<512x64xf32, #tpu.memory_space<vmem>>, vector<1x16xf32>,
      %get3A_454 = vector.shape_cast %get3A_453 : vector<1x16xf32> to vector<16xf32>
      %scan3A_455 = arith.constant 0 : i32
      %scan3A_456 = arith.constant 0 : i32
      %scan3A_457 = arith.constant 200 : i32
      %scan3A_458 = arith.addi %scan3A_456, %scan3A_457 : i32
      %scan3A_459 = arith.constant 4 : i32
      scf.for %scan3A_479 = %scan3A_456 to %scan3A_458 step %scan3A_459  : i32 {
        %get3A_480 = arith.constant 3 : i32
        %get3A_481 = arith.index_cast %get3A_480 : i32 to index
        %get3A_482 = arith.index_cast %scan3A_479 : i32 to index
        %get3A_483 = arith.constant 0 : index
        %get3A_484 = tpu.vector_load %arg7[%get3A_481, %get3A_482, %get3A_483] {strides = array<i32>} : memref<4x200x64xf32, #tpu.memory_space<vmem>>, vector<1x1x16xf32>,
        %get3A_485 = vector.shape_cast %get3A_484 : vector<1x1x16xf32> to vector<16xf32>
        %add3A_486 = arith.addf %get3A_485, %get3A_442 : vector<16xf32>
        %swap3A = arith.constant 3 : i32
        %swap3A_487 = arith.index_cast %swap3A : i32 to index
        %swap3A_488 = arith.index_cast %scan3A_479 : i32 to index
        %swap3A_489 = arith.constant 0 : index
        %swap3A_490 = tpu.vector_load %arg7[%swap3A_487, %swap3A_488, %swap3A_489] {strides = array<i32>} : memref<4x200x64xf32, #tpu.memory_space<vmem>>, vector<1x1x16xf32>,
        %swap3A_491 = vector.shape_cast %swap3A_490 : vector<1x1x16xf32> to vector<16xf32>
        %swap3A_492 = vector.shape_cast %add3A_486 : vector<16xf32> to vector<1x1x16xf32>
        tpu.vector_store %arg7[%swap3A_487, %swap3A_488, %swap3A_489], %swap3A_492 {strides = array<i32>} : memref<4x200x64xf32, #tpu.memory_space<vmem>>, vector<1x1x16xf32>,
        %get3A_493 = arith.constant 3 : i32
        %get3A_494 = arith.index_cast %get3A_493 : i32 to index
        %get3A_495 = arith.index_cast %scan3A_479 : i32 to index
        %get3A_496 = arith.constant 16 : index
        %get3A_497 = tpu.vector_load %arg7[%get3A_494, %get3A_495, %get3A_496] {strides = array<i32>} : memref<4x200x64xf32, #tpu.memory_space<vmem>>, vector<1x1x16xf32>,
        %get3A_498 = vector.shape_cast %get3A_497 : vector<1x1x16xf32> to vector<16xf32>
        %add3A_499 = arith.addf %get3A_498, %get3A_446 : vector<16xf32>
        %swap3A_500 = arith.constant 3 : i32
        %swap3A_501 = arith.index_cast %swap3A_500 : i32 to index
        %swap3A_502 = arith.index_cast %scan3A_479 : i32 to index
        %swap3A_503 = arith.constant 16 : index
        %swap3A_504 = tpu.vector_load %arg7[%swap3A_501, %swap3A_502, %swap3A_503] {strides = array<i32>} : memref<4x200x64xf32, #tpu.memory_space<vmem>>, vector<1x1x16xf32>,
        %swap3A_505 = vector.shape_cast %swap3A_504 : vector<1x1x16xf32> to vector<16xf32>
        %swap3A_506 = vector.shape_cast %add3A_499 : vector<16xf32> to vector<1x1x16xf32>
        tpu.vector_store %arg7[%swap3A_501, %swap3A_502, %swap3A_503], %swap3A_506 {strides = array<i32>} : memref<4x200x64xf32, #tpu.memory_space<vmem>>, vector<1x1x16xf32>,
        %get3A_507 = arith.constant 3 : i32
        %get3A_508 = arith.index_cast %get3A_507 : i32 to index
        %get3A_509 = arith.index_cast %scan3A_479 : i32 to index
        %get3A_510 = arith.constant 32 : index
        %get3A_511 = tpu.vector_load %arg7[%get3A_508, %get3A_509, %get3A_510] {strides = array<i32>} : memref<4x200x64xf32, #tpu.memory_space<vmem>>, vector<1x1x16xf32>,
        %get3A_512 = vector.shape_cast %get3A_511 : vector<1x1x16xf32> to vector<16xf32>
        %add3A_513 = arith.addf %get3A_512, %get3A_450 : vector<16xf32>
        %swap3A_514 = arith.constant 3 : i32
        %swap3A_515 = arith.index_cast %swap3A_514 : i32 to index
        %swap3A_516 = arith.index_cast %scan3A_479 : i32 to index
        %swap3A_517 = arith.constant 32 : index
        %swap3A_518 = tpu.vector_load %arg7[%swap3A_515, %swap3A_516, %swap3A_517] {strides = array<i32>} : memref<4x200x64xf32, #tpu.memory_space<vmem>>, vector<1x1x16xf32>,
        %swap3A_519 = vector.shape_cast %swap3A_518 : vector<1x1x16xf32> to vector<16xf32>
        %swap3A_520 = vector.shape_cast %add3A_513 : vector<16xf32> to vector<1x1x16xf32>
        tpu.vector_store %arg7[%swap3A_515, %swap3A_516, %swap3A_517], %swap3A_520 {strides = array<i32>} : memref<4x200x64xf32, #tpu.memory_space<vmem>>, vector<1x1x16xf32>,
        %get3A_521 = arith.constant 3 : i32
        %get3A_522 = arith.index_cast %get3A_521 : i32 to index
        %get3A_523 = arith.index_cast %scan3A_479 : i32 to index
        %get3A_524 = arith.constant 48 : index
        %get3A_525 = tpu.vector_load %arg7[%get3A_522, %get3A_523, %get3A_524] {strides = array<i32>} : memref<4x200x64xf32, #tpu.memory_space<vmem>>, vector<1x1x16xf32>,
        %get3A_526 = vector.shape_cast %get3A_525 : vector<1x1x16xf32> to vector<16xf32>
        %add3A_527 = arith.addf %get3A_526, %get3A_454 : vector<16xf32>
        %swap3A_528 = arith.constant 3 : i32
        %swap3A_529 = arith.index_cast %swap3A_528 : i32 to index
        %swap3A_530 = arith.index_cast %scan3A_479 : i32 to index
        %swap3A_531 = arith.constant 48 : index
        %swap3A_532 = tpu.vector_load %arg7[%swap3A_529, %swap3A_530, %swap3A_531] {strides = array<i32>} : memref<4x200x64xf32, #tpu.memory_space<vmem>>, vector<1x1x16xf32>,
        %swap3A_533 = vector.shape_cast %swap3A_532 : vector<1x1x16xf32> to vector<16xf32>
        %swap3A_534 = vector.shape_cast %add3A_527 : vector<16xf32> to vector<1x1x16xf32>
        tpu.vector_store %arg7[%swap3A_529, %swap3A_530, %swap3A_531], %swap3A_534 {strides = array<i32>} : memref<4x200x64xf32, #tpu.memory_space<vmem>>, vector<1x1x16xf32>,
        %scan3A_535 = arith.constant 1 : i32
        %scan3A_536 = arith.addi %scan3A_479, %scan3A_535 : i32
        %get3A_537 = arith.constant 3 : i32
        %get3A_538 = arith.index_cast %get3A_537 : i32 to index
        %get3A_539 = arith.index_cast %scan3A_536 : i32 to index
        %get3A_540 = arith.constant 0 : index
        %get3A_541 = tpu.vector_load %arg7[%get3A_538, %get3A_539, %get3A_540] {strides = array<i32>} : memref<4x200x64xf32, #tpu.memory_space<vmem>>, vector<1x1x16xf32>,
        %get3A_542 = vector.shape_cast %get3A_541 : vector<1x1x16xf32> to vector<16xf32>
        %add3A_543 = arith.addf %get3A_542, %get3A_442 : vector<16xf32>
        %swap3A_544 = arith.constant 3 : i32
        %swap3A_545 = arith.index_cast %swap3A_544 : i32 to index
        %swap3A_546 = arith.index_cast %scan3A_536 : i32 to index
        %swap3A_547 = arith.constant 0 : index
        %swap3A_548 = tpu.vector_load %arg7[%swap3A_545, %swap3A_546, %swap3A_547] {strides = array<i32>} : memref<4x200x64xf32, #tpu.memory_space<vmem>>, vector<1x1x16xf32>,
        %swap3A_549 = vector.shape_cast %swap3A_548 : vector<1x1x16xf32> to vector<16xf32>
        %swap3A_550 = vector.shape_cast %add3A_543 : vector<16xf32> to vector<1x1x16xf32>
        tpu.vector_store %arg7[%swap3A_545, %swap3A_546, %swap3A_547], %swap3A_550 {strides = array<i32>} : memref<4x200x64xf32, #tpu.memory_space<vmem>>, vector<1x1x16xf32>,
        %get3A_551 = arith.constant 3 : i32
        %get3A_552 = arith.index_cast %get3A_551 : i32 to index
        %get3A_553 = arith.index_cast %scan3A_536 : i32 to index
        %get3A_554 = arith.constant 16 : index
        %get3A_555 = tpu.vector_load %arg7[%get3A_552, %get3A_553, %get3A_554] {strides = array<i32>} : memref<4x200x64xf32, #tpu.memory_space<vmem>>, vector<1x1x16xf32>,
        %get3A_556 = vector.shape_cast %get3A_555 : vector<1x1x16xf32> to vector<16xf32>
        %add3A_557 = arith.addf %get3A_556, %get3A_446 : vector<16xf32>
        %swap3A_558 = arith.constant 3 : i32
        %swap3A_559 = arith.index_cast %swap3A_558 : i32 to index
        %swap3A_560 = arith.index_cast %scan3A_536 : i32 to index
        %swap3A_561 = arith.constant 16 : index
        %swap3A_562 = tpu.vector_load %arg7[%swap3A_559, %swap3A_560, %swap3A_561] {strides = array<i32>} : memref<4x200x64xf32, #tpu.memory_space<vmem>>, vector<1x1x16xf32>,
        %swap3A_563 = vector.shape_cast %swap3A_562 : vector<1x1x16xf32> to vector<16xf32>
        %swap3A_564 = vector.shape_cast %add3A_557 : vector<16xf32> to vector<1x1x16xf32>
        tpu.vector_store %arg7[%swap3A_559, %swap3A_560, %swap3A_561], %swap3A_564 {strides = array<i32>} : memref<4x200x64xf32, #tpu.memory_space<vmem>>, vector<1x1x16xf32>,
        %get3A_565 = arith.constant 3 : i32
        %get3A_566 = arith.index_cast %get3A_565 : i32 to index
        %get3A_567 = arith.index_cast %scan3A_536 : i32 to index
        %get3A_568 = arith.constant 32 : index
        %get3A_569 = tpu.vector_load %arg7[%get3A_566, %get3A_567, %get3A_568] {strides = array<i32>} : memref<4x200x64xf32, #tpu.memory_space<vmem>>, vector<1x1x16xf32>,
        %get3A_570 = vector.shape_cast %get3A_569 : vector<1x1x16xf32> to vector<16xf32>
        %add3A_571 = arith.addf %get3A_570, %get3A_450 : vector<16xf32>
        %swap3A_572 = arith.constant 3 : i32
        %swap3A_573 = arith.index_cast %swap3A_572 : i32 to index
        %swap3A_574 = arith.index_cast %scan3A_536 : i32 to index
        %swap3A_575 = arith.constant 32 : index
        %swap3A_576 = tpu.vector_load %arg7[%swap3A_573, %swap3A_574, %swap3A_575] {strides = array<i32>} : memref<4x200x64xf32, #tpu.memory_space<vmem>>, vector<1x1x16xf32>,
        %swap3A_577 = vector.shape_cast %swap3A_576 : vector<1x1x16xf32> to vector<16xf32>
        %swap3A_578 = vector.shape_cast %add3A_571 : vector<16xf32> to vector<1x1x16xf32>
        tpu.vector_store %arg7[%swap3A_573, %swap3A_574, %swap3A_575], %swap3A_578 {strides = array<i32>} : memref<4x200x64xf32, #tpu.memory_space<vmem>>, vector<1x1x16xf32>,
        %get3A_579 = arith.constant 3 : i32
        %get3A_580 = arith.index_cast %get3A_579 : i32 to index
        %get3A_581 = arith.index_cast %scan3A_536 : i32 to index
        %get3A_582 = arith.constant 48 : index
        %get3A_583 = tpu.vector_load %arg7[%get3A_580, %get3A_581, %get3A_582] {strides = array<i32>} : memref<4x200x64xf32, #tpu.memory_space<vmem>>, vector<1x1x16xf32>,
        %get3A_584 = vector.shape_cast %get3A_583 : vector<1x1x16xf32> to vector<16xf32>
        %add3A_585 = arith.addf %get3A_584, %get3A_454 : vector<16xf32>
        %swap3A_586 = arith.constant 3 : i32
        %swap3A_587 = arith.index_cast %swap3A_586 : i32 to index
        %swap3A_588 = arith.index_cast %scan3A_536 : i32 to index
        %swap3A_589 = arith.constant 48 : index
        %swap3A_590 = tpu.vector_load %arg7[%swap3A_587, %swap3A_588, %swap3A_589] {strides = array<i32>} : memref<4x200x64xf32, #tpu.memory_space<vmem>>, vector<1x1x16xf32>,
        %swap3A_591 = vector.shape_cast %swap3A_590 : vector<1x1x16xf32> to vector<16xf32>
        %swap3A_592 = vector.shape_cast %add3A_585 : vector<16xf32> to vector<1x1x16xf32>
        tpu.vector_store %arg7[%swap3A_587, %swap3A_588, %swap3A_589], %swap3A_592 {strides = array<i32>} : memref<4x200x64xf32, #tpu.memory_space<vmem>>, vector<1x1x16xf32>,
        %scan3A_593 = arith.constant 2 : i32
        %scan3A_594 = arith.addi %scan3A_479, %scan3A_593 : i32
        %get3A_595 = arith.constant 3 : i32
        %get3A_596 = arith.index_cast %get3A_595 : i32 to index
        %get3A_597 = arith.index_cast %scan3A_594 : i32 to index
        %get3A_598 = arith.constant 0 : index
        %get3A_599 = tpu.vector_load %arg7[%get3A_596, %get3A_597, %get3A_598] {strides = array<i32>} : memref<4x200x64xf32, #tpu.memory_space<vmem>>, vector<1x1x16xf32>,
        %get3A_600 = vector.shape_cast %get3A_599 : vector<1x1x16xf32> to vector<16xf32>
        %add3A_601 = arith.addf %get3A_600, %get3A_442 : vector<16xf32>
        %swap3A_602 = arith.constant 3 : i32
        %swap3A_603 = arith.index_cast %swap3A_602 : i32 to index
        %swap3A_604 = arith.index_cast %scan3A_594 : i32 to index
        %swap3A_605 = arith.constant 0 : index
        %swap3A_606 = tpu.vector_load %arg7[%swap3A_603, %swap3A_604, %swap3A_605] {strides = array<i32>} : memref<4x200x64xf32, #tpu.memory_space<vmem>>, vector<1x1x16xf32>,
        %swap3A_607 = vector.shape_cast %swap3A_606 : vector<1x1x16xf32> to vector<16xf32>
        %swap3A_608 = vector.shape_cast %add3A_601 : vector<16xf32> to vector<1x1x16xf32>
        tpu.vector_store %arg7[%swap3A_603, %swap3A_604, %swap3A_605], %swap3A_608 {strides = array<i32>} : memref<4x200x64xf32, #tpu.memory_space<vmem>>, vector<1x1x16xf32>,
        %get3A_609 = arith.constant 3 : i32
        %get3A_610 = arith.index_cast %get3A_609 : i32 to index
        %get3A_611 = arith.index_cast %scan3A_594 : i32 to index
        %get3A_612 = arith.constant 16 : index
        %get3A_613 = tpu.vector_load %arg7[%get3A_610, %get3A_611, %get3A_612] {strides = array<i32>} : memref<4x200x64xf32, #tpu.memory_space<vmem>>, vector<1x1x16xf32>,
        %get3A_614 = vector.shape_cast %get3A_613 : vector<1x1x16xf32> to vector<16xf32>
        %add3A_615 = arith.addf %get3A_614, %get3A_446 : vector<16xf32>
        %swap3A_616 = arith.constant 3 : i32
        %swap3A_617 = arith.index_cast %swap3A_616 : i32 to index
        %swap3A_618 = arith.index_cast %scan3A_594 : i32 to index
        %swap3A_619 = arith.constant 16 : index
        %swap3A_620 = tpu.vector_load %arg7[%swap3A_617, %swap3A_618, %swap3A_619] {strides = array<i32>} : memref<4x200x64xf32, #tpu.memory_space<vmem>>, vector<1x1x16xf32>,
        %swap3A_621 = vector.shape_cast %swap3A_620 : vector<1x1x16xf32> to vector<16xf32>
        %swap3A_622 = vector.shape_cast %add3A_615 : vector<16xf32> to vector<1x1x16xf32>
        tpu.vector_store %arg7[%swap3A_617, %swap3A_618, %swap3A_619], %swap3A_622 {strides = array<i32>} : memref<4x200x64xf32, #tpu.memory_space<vmem>>, vector<1x1x16xf32>,
        %get3A_623 = arith.constant 3 : i32
        %get3A_624 = arith.index_cast %get3A_623 : i32 to index
        %get3A_625 = arith.index_cast %scan3A_594 : i32 to index
        %get3A_626 = arith.constant 32 : index
        %get3A_627 = tpu.vector_load %arg7[%get3A_624, %get3A_625, %get3A_626] {strides = array<i32>} : memref<4x200x64xf32, #tpu.memory_space<vmem>>, vector<1x1x16xf32>,
        %get3A_628 = vector.shape_cast %get3A_627 : vector<1x1x16xf32> to vector<16xf32>
        %add3A_629 = arith.addf %get3A_628, %get3A_450 : vector<16xf32>
        %swap3A_630 = arith.constant 3 : i32
        %swap3A_631 = arith.index_cast %swap3A_630 : i32 to index
        %swap3A_632 = arith.index_cast %scan3A_594 : i32 to index
        %swap3A_633 = arith.constant 32 : index
        %swap3A_634 = tpu.vector_load %arg7[%swap3A_631, %swap3A_632, %swap3A_633] {strides = array<i32>} : memref<4x200x64xf32, #tpu.memory_space<vmem>>, vector<1x1x16xf32>,
        %swap3A_635 = vector.shape_cast %swap3A_634 : vector<1x1x16xf32> to vector<16xf32>
        %swap3A_636 = vector.shape_cast %add3A_629 : vector<16xf32> to vector<1x1x16xf32>
        tpu.vector_store %arg7[%swap3A_631, %swap3A_632, %swap3A_633], %swap3A_636 {strides = array<i32>} : memref<4x200x64xf32, #tpu.memory_space<vmem>>, vector<1x1x16xf32>,
        %get3A_637 = arith.constant 3 : i32
        %get3A_638 = arith.index_cast %get3A_637 : i32 to index
        %get3A_639 = arith.index_cast %scan3A_594 : i32 to index
        %get3A_640 = arith.constant 48 : index
        %get3A_641 = tpu.vector_load %arg7[%get3A_638, %get3A_639, %get3A_640] {strides = array<i32>} : memref<4x200x64xf32, #tpu.memory_space<vmem>>, vector<1x1x16xf32>,
        %get3A_642 = vector.shape_cast %get3A_641 : vector<1x1x16xf32> to vector<16xf32>
        %add3A_643 = arith.addf %get3A_642, %get3A_454 : vector<16xf32>
        %swap3A_644 = arith.constant 3 : i32
        %swap3A_645 = arith.index_cast %swap3A_644 : i32 to index
        %swap3A_646 = arith.index_cast %scan3A_594 : i32 to index
        %swap3A_647 = arith.constant 48 : index
        %swap3A_648 = tpu.vector_load %arg7[%swap3A_645, %swap3A_646, %swap3A_647] {strides = array<i32>} : memref<4x200x64xf32, #tpu.memory_space<vmem>>, vector<1x1x16xf32>,
        %swap3A_649 = vector.shape_cast %swap3A_648 : vector<1x1x16xf32> to vector<16xf32>
        %swap3A_650 = vector.shape_cast %add3A_643 : vector<16xf32> to vector<1x1x16xf32>
        tpu.vector_store %arg7[%swap3A_645, %swap3A_646, %swap3A_647], %swap3A_650 {strides = array<i32>} : memref<4x200x64xf32, #tpu.memory_space<vmem>>, vector<1x1x16xf32>,
        %scan3A_651 = arith.constant 3 : i32
        %scan3A_652 = arith.addi %scan3A_479, %scan3A_651 : i32
        %get3A_653 = arith.constant 3 : i32
        %get3A_654 = arith.index_cast %get3A_653 : i32 to index
        %get3A_655 = arith.index_cast %scan3A_652 : i32 to index
        %get3A_656 = arith.constant 0 : index
        %get3A_657 = tpu.vector_load %arg7[%get3A_654, %get3A_655, %get3A_656] {strides = array<i32>} : memref<4x200x64xf32, #tpu.memory_space<vmem>>, vector<1x1x16xf32>,
        %get3A_658 = vector.shape_cast %get3A_657 : vector<1x1x16xf32> to vector<16xf32>
        %add3A_659 = arith.addf %get3A_658, %get3A_442 : vector<16xf32>
        %swap3A_660 = arith.constant 3 : i32
        %swap3A_661 = arith.index_cast %swap3A_660 : i32 to index
        %swap3A_662 = arith.index_cast %scan3A_652 : i32 to index
        %swap3A_663 = arith.constant 0 : index
        %swap3A_664 = tpu.vector_load %arg7[%swap3A_661, %swap3A_662, %swap3A_663] {strides = array<i32>} : memref<4x200x64xf32, #tpu.memory_space<vmem>>, vector<1x1x16xf32>,
        %swap3A_665 = vector.shape_cast %swap3A_664 : vector<1x1x16xf32> to vector<16xf32>
        %swap3A_666 = vector.shape_cast %add3A_659 : vector<16xf32> to vector<1x1x16xf32>
        tpu.vector_store %arg7[%swap3A_661, %swap3A_662, %swap3A_663], %swap3A_666 {strides = array<i32>} : memref<4x200x64xf32, #tpu.memory_space<vmem>>, vector<1x1x16xf32>,
        %get3A_667 = arith.constant 3 : i32
        %get3A_668 = arith.index_cast %get3A_667 : i32 to index
        %get3A_669 = arith.index_cast %scan3A_652 : i32 to index
        %get3A_670 = arith.constant 16 : index
        %get3A_671 = tpu.vector_load %arg7[%get3A_668, %get3A_669, %get3A_670] {strides = array<i32>} : memref<4x200x64xf32, #tpu.memory_space<vmem>>, vector<1x1x16xf32>,
        %get3A_672 = vector.shape_cast %get3A_671 : vector<1x1x16xf32> to vector<16xf32>
        %add3A_673 = arith.addf %get3A_672, %get3A_446 : vector<16xf32>
        %swap3A_674 = arith.constant 3 : i32
        %swap3A_675 = arith.index_cast %swap3A_674 : i32 to index
        %swap3A_676 = arith.index_cast %scan3A_652 : i32 to index
        %swap3A_677 = arith.constant 16 : index
        %swap3A_678 = tpu.vector_load %arg7[%swap3A_675, %swap3A_676, %swap3A_677] {strides = array<i32>} : memref<4x200x64xf32, #tpu.memory_space<vmem>>, vector<1x1x16xf32>,
        %swap3A_679 = vector.shape_cast %swap3A_678 : vector<1x1x16xf32> to vector<16xf32>
        %swap3A_680 = vector.shape_cast %add3A_673 : vector<16xf32> to vector<1x1x16xf32>
        tpu.vector_store %arg7[%swap3A_675, %swap3A_676, %swap3A_677], %swap3A_680 {strides = array<i32>} : memref<4x200x64xf32, #tpu.memory_space<vmem>>, vector<1x1x16xf32>,
        %get3A_681 = arith.constant 3 : i32
        %get3A_682 = arith.index_cast %get3A_681 : i32 to index
        %get3A_683 = arith.index_cast %scan3A_652 : i32 to index
        %get3A_684 = arith.constant 32 : index
        %get3A_685 = tpu.vector_load %arg7[%get3A_682, %get3A_683, %get3A_684] {strides = array<i32>} : memref<4x200x64xf32, #tpu.memory_space<vmem>>, vector<1x1x16xf32>,
        %get3A_686 = vector.shape_cast %get3A_685 : vector<1x1x16xf32> to vector<16xf32>
        %add3A_687 = arith.addf %get3A_686, %get3A_450 : vector<16xf32>
        %swap3A_688 = arith.constant 3 : i32
        %swap3A_689 = arith.index_cast %swap3A_688 : i32 to index
        %swap3A_690 = arith.index_cast %scan3A_652 : i32 to index
        %swap3A_691 = arith.constant 32 : index
        %swap3A_692 = tpu.vector_load %arg7[%swap3A_689, %swap3A_690, %swap3A_691] {strides = array<i32>} : memref<4x200x64xf32, #tpu.memory_space<vmem>>, vector<1x1x16xf32>,
        %swap3A_693 = vector.shape_cast %swap3A_692 : vector<1x1x16xf32> to vector<16xf32>
        %swap3A_694 = vector.shape_cast %add3A_687 : vector<16xf32> to vector<1x1x16xf32>
        tpu.vector_store %arg7[%swap3A_689, %swap3A_690, %swap3A_691], %swap3A_694 {strides = array<i32>} : memref<4x200x64xf32, #tpu.memory_space<vmem>>, vector<1x1x16xf32>,
        %get3A_695 = arith.constant 3 : i32
        %get3A_696 = arith.index_cast %get3A_695 : i32 to index
        %get3A_697 = arith.index_cast %scan3A_652 : i32 to index
        %get3A_698 = arith.constant 48 : index
        %get3A_699 = tpu.vector_load %arg7[%get3A_696, %get3A_697, %get3A_698] {strides = array<i32>} : memref<4x200x64xf32, #tpu.memory_space<vmem>>, vector<1x1x16xf32>,
        %get3A_700 = vector.shape_cast %get3A_699 : vector<1x1x16xf32> to vector<16xf32>
        %add3A_701 = arith.addf %get3A_700, %get3A_454 : vector<16xf32>
        %swap3A_702 = arith.constant 3 : i32
        %swap3A_703 = arith.index_cast %swap3A_702 : i32 to index
        %swap3A_704 = arith.index_cast %scan3A_652 : i32 to index
        %swap3A_705 = arith.constant 48 : index
        %swap3A_706 = tpu.vector_load %arg7[%swap3A_703, %swap3A_704, %swap3A_705] {strides = array<i32>} : memref<4x200x64xf32, #tpu.memory_space<vmem>>, vector<1x1x16xf32>,
        %swap3A_707 = vector.shape_cast %swap3A_706 : vector<1x1x16xf32> to vector<16xf32>
        %swap3A_708 = vector.shape_cast %add3A_701 : vector<16xf32> to vector<1x1x16xf32>
        tpu.vector_store %arg7[%swap3A_703, %swap3A_704, %swap3A_705], %swap3A_708 {strides = array<i32>} : memref<4x200x64xf32, #tpu.memory_space<vmem>>, vector<1x1x16xf32>,
      }
      %scan3A_460 = arith.constant 200 : i32
      %add3A_461 = arith.addi %mul3A_2, %add3A_391 : i32
      %dma_start3A_462 = arith.constant 3 : i32
      %dma_start3A_463 = arith.constant 0 : i32
      %dma_start3A_464 = arith.constant 0 : i32
      %dma_start3A_465 = tpu.memref_slice %arg7[%dma_start3A_462, %dma_start3A_463, %dma_start3A_464] : memref<4x200x64xf32, #tpu.memory_space<vmem>> -> memref<1x200x64xf32, #tpu.memory_space<vmem>>
      %dma_start3A_466 = tpu.memref_squeeze %dma_start3A_465 : memref<1x200x64xf32, #tpu.memory_space<vmem>> -> memref<200x64xf32, #tpu.memory_space<vmem>>
      %dma_start3A_467 = arith.constant 0 : i32
      %dma_start3A_468 = arith.constant 0 : i32
      %dma_start3A_469 = tpu.memref_slice %arg5[%add3A_461, %dma_start3A_467, %dma_start3A_468] : memref<16384x200x128xf32, #tpu.memory_space<hbm>> -> memref<1x200x64xf32, #tpu.memory_space<hbm>>
      %dma_start3A_470 = tpu.memref_squeeze %dma_start3A_469 : memref<1x200x64xf32, #tpu.memory_space<hbm>> -> memref<200x64xf32, #tpu.memory_space<hbm>>
      %dma_start3A_471 = arith.constant 0 : i32
      %dma_start3A_472 = arith.constant 0 : i32
      %dma_start3A_473 = tpu.memref_slice %arg5[%add3A_461, %dma_start3A_471, %dma_start3A_472] : memref<16384x200x128xf32, #tpu.memory_space<hbm>> -> memref<1x200x64xf32, #tpu.memory_space<hbm>>
      %dma_start3A_474 = tpu.memref_squeeze %dma_start3A_473 : memref<1x200x64xf32, #tpu.memory_space<hbm>> -> memref<200x64xf32, #tpu.memory_space<hbm>>
      %dma_start3A_475 = arith.constant 0 : i32
      %dma_start3A_476 = arith.constant 0 : i32
      %dma_start3A_477 = tpu.memref_slice %arg7[%dma_start3A_462, %dma_start3A_475, %dma_start3A_476] : memref<4x200x64xf32, #tpu.memory_space<vmem>> -> memref<1x200x64xf32, #tpu.memory_space<vmem>>
      %dma_start3A_478 = tpu.memref_squeeze %dma_start3A_477 : memref<1x200x64xf32, #tpu.memory_space<vmem>> -> memref<200x64xf32, #tpu.memory_space<vmem>>
      tpu.enqueue_dma source(%dma_start3A_478 : memref<200x64xf32, #tpu.memory_space<vmem>>) target(%dma_start3A_474 : memref<200x64xf32, #tpu.memory_space<hbm>>) target_semaphore(%arg16 : memref<!tpu.dma_semaphore, #tpu.memory_space<semaphore_mem>>)
    }
    %scan3A_50 = arith.constant 128 : i32
    %dma_wait3A = arith.constant 0 : i32
    %dma_wait3A_51 = arith.constant 0 : i32
    %dma_wait3A_52 = arith.constant 0 : i32
    %dma_wait3A_53 = tpu.memref_slice %arg7[%dma_wait3A, %dma_wait3A_51, %dma_wait3A_52] : memref<4x200x64xf32, #tpu.memory_space<vmem>> -> memref<1x200x64xf32, #tpu.memory_space<vmem>>
    %dma_wait3A_54 = tpu.memref_squeeze %dma_wait3A_53 : memref<1x200x64xf32, #tpu.memory_space<vmem>> -> memref<200x64xf32, #tpu.memory_space<vmem>>
    %dma_wait3A_55 = arith.constant 0 : i32
    %dma_wait3A_56 = arith.constant 0 : i32
    %dma_wait3A_57 = tpu.memref_slice %arg5[%mul3A_2, %dma_wait3A_55, %dma_wait3A_56] : memref<16384x200x128xf32, #tpu.memory_space<hbm>> -> memref<1x200x64xf32, #tpu.memory_space<hbm>>
    %dma_wait3A_58 = tpu.memref_squeeze %dma_wait3A_57 : memref<1x200x64xf32, #tpu.memory_space<hbm>> -> memref<200x64xf32, #tpu.memory_space<hbm>>
    %dma_wait3A_59 = arith.constant 0 : i32
    %dma_wait3A_60 = arith.constant 0 : i32
    %dma_wait3A_61 = tpu.memref_slice %arg5[%mul3A_2, %dma_wait3A_59, %dma_wait3A_60] : memref<16384x200x128xf32, #tpu.memory_space<hbm>> -> memref<1x200x64xf32, #tpu.memory_space<hbm>>
    %dma_wait3A_62 = tpu.memref_squeeze %dma_wait3A_61 : memref<1x200x64xf32, #tpu.memory_space<hbm>> -> memref<200x64xf32, #tpu.memory_space<hbm>>
    %dma_wait3A_63 = arith.constant 0 : i32
    %dma_wait3A_64 = arith.constant 0 : i32
    %dma_wait3A_65 = tpu.memref_slice %arg7[%dma_wait3A, %dma_wait3A_63, %dma_wait3A_64] : memref<4x200x64xf32, #tpu.memory_space<vmem>> -> memref<1x200x64xf32, #tpu.memory_space<vmem>>
    %dma_wait3A_66 = tpu.memref_squeeze %dma_wait3A_65 : memref<1x200x64xf32, #tpu.memory_space<vmem>> -> memref<200x64xf32, #tpu.memory_space<vmem>>
    tpu.wait_dma2 semaphore(%arg13 : memref<!tpu.dma_semaphore, #tpu.memory_space<semaphore_mem>>) src(%dma_wait3A_66 : memref<200x64xf32, #tpu.memory_space<vmem>>) dst(%dma_wait3A_62 : memref<200x64xf32, #tpu.memory_space<hbm>>)
    %dma_wait3A_67 = arith.constant 1 : i32
    %dma_wait3A_68 = arith.constant 0 : i32
    %dma_wait3A_69 = arith.constant 0 : i32
    %dma_wait3A_70 = tpu.memref_slice %arg7[%dma_wait3A_67, %dma_wait3A_68, %dma_wait3A_69] : memref<4x200x64xf32, #tpu.memory_space<vmem>> -> memref<1x200x64xf32, #tpu.memory_space<vmem>>
    %dma_wait3A_71 = tpu.memref_squeeze %dma_wait3A_70 : memref<1x200x64xf32, #tpu.memory_space<vmem>> -> memref<200x64xf32, #tpu.memory_space<vmem>>
    %dma_wait3A_72 = arith.constant 0 : i32
    %dma_wait3A_73 = arith.constant 0 : i32
    %dma_wait3A_74 = tpu.memref_slice %arg5[%mul3A_2, %dma_wait3A_72, %dma_wait3A_73] : memref<16384x200x128xf32, #tpu.memory_space<hbm>> -> memref<1x200x64xf32, #tpu.memory_space<hbm>>
    %dma_wait3A_75 = tpu.memref_squeeze %dma_wait3A_74 : memref<1x200x64xf32, #tpu.memory_space<hbm>> -> memref<200x64xf32, #tpu.memory_space<hbm>>
    %dma_wait3A_76 = arith.constant 0 : i32
    %dma_wait3A_77 = arith.constant 0 : i32
    %dma_wait3A_78 = tpu.memref_slice %arg5[%mul3A_2, %dma_wait3A_76, %dma_wait3A_77] : memref<16384x200x128xf32, #tpu.memory_space<hbm>> -> memref<1x200x64xf32, #tpu.memory_space<hbm>>
    %dma_wait3A_79 = tpu.memref_squeeze %dma_wait3A_78 : memref<1x200x64xf32, #tpu.memory_space<hbm>> -> memref<200x64xf32, #tpu.memory_space<hbm>>
    %dma_wait3A_80 = arith.constant 0 : i32
    %dma_wait3A_81 = arith.constant 0 : i32
    %dma_wait3A_82 = tpu.memref_slice %arg7[%dma_wait3A_67, %dma_wait3A_80, %dma_wait3A_81] : memref<4x200x64xf32, #tpu.memory_space<vmem>> -> memref<1x200x64xf32, #tpu.memory_space<vmem>>
    %dma_wait3A_83 = tpu.memref_squeeze %dma_wait3A_82 : memref<1x200x64xf32, #tpu.memory_space<vmem>> -> memref<200x64xf32, #tpu.memory_space<vmem>>
    tpu.wait_dma2 semaphore(%arg14 : memref<!tpu.dma_semaphore, #tpu.memory_space<semaphore_mem>>) src(%dma_wait3A_83 : memref<200x64xf32, #tpu.memory_space<vmem>>) dst(%dma_wait3A_79 : memref<200x64xf32, #tpu.memory_space<hbm>>)
    %dma_wait3A_84 = arith.constant 2 : i32
    %dma_wait3A_85 = arith.constant 0 : i32
    %dma_wait3A_86 = arith.constant 0 : i32
    %dma_wait3A_87 = tpu.memref_slice %arg7[%dma_wait3A_84, %dma_wait3A_85, %dma_wait3A_86] : memref<4x200x64xf32, #tpu.memory_space<vmem>> -> memref<1x200x64xf32, #tpu.memory_space<vmem>>
    %dma_wait3A_88 = tpu.memref_squeeze %dma_wait3A_87 : memref<1x200x64xf32, #tpu.memory_space<vmem>> -> memref<200x64xf32, #tpu.memory_space<vmem>>
    %dma_wait3A_89 = arith.constant 0 : i32
    %dma_wait3A_90 = arith.constant 0 : i32
    %dma_wait3A_91 = tpu.memref_slice %arg5[%mul3A_2, %dma_wait3A_89, %dma_wait3A_90] : memref<16384x200x128xf32, #tpu.memory_space<hbm>> -> memref<1x200x64xf32, #tpu.memory_space<hbm>>
    %dma_wait3A_92 = tpu.memref_squeeze %dma_wait3A_91 : memref<1x200x64xf32, #tpu.memory_space<hbm>> -> memref<200x64xf32, #tpu.memory_space<hbm>>
    %dma_wait3A_93 = arith.constant 0 : i32
    %dma_wait3A_94 = arith.constant 0 : i32
    %dma_wait3A_95 = tpu.memref_slice %arg5[%mul3A_2, %dma_wait3A_93, %dma_wait3A_94] : memref<16384x200x128xf32, #tpu.memory_space<hbm>> -> memref<1x200x64xf32, #tpu.memory_space<hbm>>
    %dma_wait3A_96 = tpu.memref_squeeze %dma_wait3A_95 : memref<1x200x64xf32, #tpu.memory_space<hbm>> -> memref<200x64xf32, #tpu.memory_space<hbm>>
    %dma_wait3A_97 = arith.constant 0 : i32
    %dma_wait3A_98 = arith.constant 0 : i32
    %dma_wait3A_99 = tpu.memref_slice %arg7[%dma_wait3A_84, %dma_wait3A_97, %dma_wait3A_98] : memref<4x200x64xf32, #tpu.memory_space<vmem>> -> memref<1x200x64xf32, #tpu.memory_space<vmem>>
    %dma_wait3A_100 = tpu.memref_squeeze %dma_wait3A_99 : memref<1x200x64xf32, #tpu.memory_space<vmem>> -> memref<200x64xf32, #tpu.memory_space<vmem>>
    tpu.wait_dma2 semaphore(%arg15 : memref<!tpu.dma_semaphore, #tpu.memory_space<semaphore_mem>>) src(%dma_wait3A_100 : memref<200x64xf32, #tpu.memory_space<vmem>>) dst(%dma_wait3A_96 : memref<200x64xf32, #tpu.memory_space<hbm>>)
    %dma_wait3A_101 = arith.constant 3 : i32
    %dma_wait3A_102 = arith.constant 0 : i32
    %dma_wait3A_103 = arith.constant 0 : i32
    %dma_wait3A_104 = tpu.memref_slice %arg7[%dma_wait3A_101, %dma_wait3A_102, %dma_wait3A_103] : memref<4x200x64xf32, #tpu.memory_space<vmem>> -> memref<1x200x64xf32, #tpu.memory_space<vmem>>
    %dma_wait3A_105 = tpu.memref_squeeze %dma_wait3A_104 : memref<1x200x64xf32, #tpu.memory_space<vmem>> -> memref<200x64xf32, #tpu.memory_space<vmem>>
    %dma_wait3A_106 = arith.constant 0 : i32
    %dma_wait3A_107 = arith.constant 0 : i32
    %dma_wait3A_108 = tpu.memref_slice %arg5[%mul3A_2, %dma_wait3A_106, %dma_wait3A_107] : memref<16384x200x128xf32, #tpu.memory_space<hbm>> -> memref<1x200x64xf32, #tpu.memory_space<hbm>>
    %dma_wait3A_109 = tpu.memref_squeeze %dma_wait3A_108 : memref<1x200x64xf32, #tpu.memory_space<hbm>> -> memref<200x64xf32, #tpu.memory_space<hbm>>
    %dma_wait3A_110 = arith.constant 0 : i32
    %dma_wait3A_111 = arith.constant 0 : i32
    %dma_wait3A_112 = tpu.memref_slice %arg5[%mul3A_2, %dma_wait3A_110, %dma_wait3A_111] : memref<16384x200x128xf32, #tpu.memory_space<hbm>> -> memref<1x200x64xf32, #tpu.memory_space<hbm>>
    %dma_wait3A_113 = tpu.memref_squeeze %dma_wait3A_112 : memref<1x200x64xf32, #tpu.memory_space<hbm>> -> memref<200x64xf32, #tpu.memory_space<hbm>>
    %dma_wait3A_114 = arith.constant 0 : i32
    %dma_wait3A_115 = arith.constant 0 : i32
    %dma_wait3A_116 = tpu.memref_slice %arg7[%dma_wait3A_101, %dma_wait3A_114, %dma_wait3A_115] : memref<4x200x64xf32, #tpu.memory_space<vmem>> -> memref<1x200x64xf32, #tpu.memory_space<vmem>>
    %dma_wait3A_117 = tpu.memref_squeeze %dma_wait3A_116 : memref<1x200x64xf32, #tpu.memory_space<vmem>> -> memref<200x64xf32, #tpu.memory_space<vmem>>
    tpu.wait_dma2 semaphore(%arg16 : memref<!tpu.dma_semaphore, #tpu.memory_space<semaphore_mem>>) src(%dma_wait3A_117 : memref<200x64xf32, #tpu.memory_space<vmem>>) dst(%dma_wait3A_113 : memref<200x64xf32, #tpu.memory_space<hbm>>)
    return
  }
}

module attributes {stable_mosaic.version = 14 : i64} {
  func.func @body(%arg0: i32, %arg1: memref<2048x2xf32, #tpu.memory_space<vmem>>, %arg2: memref<2x64xf32, #tpu.memory_space<vmem>>, %arg3: memref<1x64xf32, #tpu.memory_space<vmem>>, %arg4: memref<2048x64xf32, #tpu.memory_space<vmem>>) attributes {dimension_semantics = [#tpu.dimension_semantics<arbitrary>], iteration_bounds = array<i64: 8>, scalar_prefetch = 0 : i64, scratch_operands = 0 : i64, tpu.core_type = #tpu.core_type<tc>, window_params = [{transform_indices = @transform_0, window_bounds = array<i64: 2048, 2>}, {pipeline_mode = #tpu.pipeline_mode<synchronous>, transform_indices = @transform_1, window_bounds = array<i64: 2, 64>}, {pipeline_mode = #tpu.pipeline_mode<synchronous>, transform_indices = @transform_2, window_bounds = array<i64: 1, 64>}, {transform_indices = @transform_3, window_bounds = array<i64: 2048, 64>}]} {
    %get3A = arith.constant 0 : index
    %get3A_0 = arith.constant 0 : index
    %get3A_1 = vector.load %arg1[%get3A, %get3A_0] : memref<2048x2xf32, #tpu.memory_space<vmem>>, vector<2048x2xf32>
    %get3A_2 = arith.constant 0 : index
    %get3A_3 = arith.constant 0 : index
    %get3A_4 = vector.load %arg2[%get3A_2, %get3A_3] : memref<2x64xf32, #tpu.memory_space<vmem>>, vector<2x64xf32>
    %dot_general3A = arith.constant dense<0.000000e+00> : vector<2048x64xf32>
    %dot_general3A_5 = tpu.matmul %get3A_1, %get3A_4, %dot_general3A {dimension_numbers = #tpu.dot_dimension_numbers<[1], [0], [0], [1], [0, 0, 1, 1], [], []>, transpose_lhs_hint = false} : vector<2048x2xf32>, vector<2x64xf32>, vector<2048x64xf32> -> vector<2048x64xf32>
    %get3A_6 = arith.constant 0 : index
    %get3A_7 = arith.constant 0 : index
    %get3A_8 = vector.load %arg3[%get3A_6, %get3A_7] : memref<1x64xf32, #tpu.memory_space<vmem>>, vector<1x64xf32>
    %add3A = vector.broadcast %get3A_8 : vector<1x64xf32> to vector<2048x64xf32>
    %add3A_9 = arith.addf %dot_general3A_5, %add3A : vector<2048x64xf32>
    %swap3A = arith.constant 0 : index
    %swap3A_10 = arith.constant 0 : index
    %swap3A_11 = vector.load %arg4[%swap3A, %swap3A_10] : memref<2048x64xf32, #tpu.memory_space<vmem>>, vector<2048x64xf32>
    tpu.vector_store %arg4[%swap3A, %swap3A_10], %add3A_9 {strides = array<i32>} : memref<2048x64xf32, #tpu.memory_space<vmem>>, vector<2048x64xf32>,
    return
  }
  func.func @transform_0(%arg0: i32) -> (i32, i32) {
    %c0_i32 = arith.constant 0 : i32
    %c0_i32_0 = arith.constant 0 : i32
    return %arg0, %c0_i32 : i32, i32
  }
  func.func @transform_1(%arg0: i32) -> (i32, i32) {
    %c0_i32 = arith.constant 0 : i32
    %c0_i32_0 = arith.constant 0 : i32
    %c0_i32_1 = arith.constant 0 : i32
    return %c0_i32, %c0_i32_0 : i32, i32
  }
  func.func @transform_2(%arg0: i32) -> (i32, i32) {
    %c0_i32 = arith.constant 0 : i32
    %c0_i32_0 = arith.constant 0 : i32
    %c0_i32_1 = arith.constant 0 : i32
    return %c0_i32, %c0_i32_0 : i32, i32
  }
  func.func @transform_3(%arg0: i32) -> (i32, i32) {
    %c0_i32 = arith.constant 0 : i32
    %c0_i32_0 = arith.constant 0 : i32
    return %arg0, %c0_i32 : i32, i32
  }
}

</mosaic_0001>

<sc_bundles>
// kernel: kernel.4.cloned.1.call-start
scs
__scs_entry_jumppad:
0x0: {  	(pc) =	sbr.rel $0x88, $3  }
0x1: {  	(tag) =	ssettag $0x0;
	lr =	simm.s32 $0x1  }
0x2: {  	[smem:$0x3F9C] =	sst lr;
	_ =	strace $0xD0000000  }
0x3: {  	_ = 	snop  }
0x4: {  	_ = 	snop  }
0x5: {  	_ = 	snop  }
0x6: {  	_ = 	snop  }
0x7: {  	_ = 	snop  }
__scs_overlays_trampoline_lowered:
0x8: {  	[smem:$0x3FAB] =	sst s0  }
0x9: {  	[smem:$0x3FAC] =	sst s1  }
0xa: {  	[smem:$0x3FAD] =	sst s2  }
0xb: {  	[smem:$0x3FAE] =	sst s3  }
0xc: {  	[smem:$0x3FAF] =	sst s4  }
0xd: {  	[smem:$0x3FB0] =	sst s5  }
0xe: {  	[smem:$0x3FB1] =	sst s6  }
0xf: {  	[smem:$0x3FB2] =	sst s7  }
0x10: {  	[smem:$0x3FB3] =	sst s8  }
0x11: {  	[smem:$0x3FB4] =	sst s9;
	s0 =	simm.s32 @!p0 $0x0  }
0x12: {  	s1 =	sld [smem:$0x3F9A];
	s0 =	simm.s32 @p0 $0x1  }
0x13: {  	[smem:$0x3FB5] =	sst s0;
	s0 =	simm.s32 @!p1 $0x0  }
0x14: {  	s2 =	sld [smem:$0x3F99];
	s0 =	simm.s32 @p1 $0x1  }
0x15: {  	[smem:$0x3FB6] =	sst s0;
	s0 =	simm.s32 @!p2 $0x0  }
0x16: {  	s3 =	sld [smem:$0x3FDB];
	s0 =	simm.s32 @p2 $0x1  }
0x17: {  	s4 =	simm.s32 $0x1BF5;
	[smem:$0x3FB8] =	sst s0  }
0x18: {  	s0 =	sld [smem:$0x3F9B];
	_ =	swait.ge [sflag:s4], $0x0  }
0x19: {  	s7 =	sld [smem:$0x3F9C]  }
0x1a: {  	s8 =	sadd.s32 $0xFFFFE003, lr  }
0x1b: {  	s9 =	sadd.s32 $0xFFFFFEF7, lr;
	s5 =	simm.s32 $0xFFFFFFFF;
	p2 =	slt.u32 s8, $0xFFFFF086  }
0x1c: {  	p1 =	slt.u32 s9, $0xF7A;
	s5 =	simm.s32 @!p2 $0x0  }
0x1d: {  	s5 =	simm.s32 @p1 $0x1;
	p0 =	seq.s32 s7, s2  }
0x1e: {  	s7 =	smul.u32 @!p0 $0xF7A, s2;
	p2 =	seq.s32 @!p0 s5, $0x0  }
0x1f: {  	s9 =	smul.u32 $0xF7A, s1;
	s8 =	simm.s32 @!p0 $0x1BF5;
	p2 =	por !p2, p0  }
0x20: {  	[sflag:s8] =	ssyncset.s32 @!p0 $0xFFFFF086;
	s6 =	sadd.s32 @!p0 s3, s7;
	s7 =	simm.s32 @!p0 $0x108  }
0x21: {  	s3 =	sadd.s32 s3, s9;
	s6 =	sadd.s32 @!p0 $0x88, s6;
	s7 =	simm.s32 @p2 $0x1082  }
0x22: {  	[simem:s7], [sflag:s8] =	dma.local @!p0 [hbm:s6], $0xF7A  }
0x23: {  	s9 =	sor.u32 $0xD0000000, s2;
	s6 =	simm.s32 $0x108;
	_ =	swait.ge @!p0 [sflag:s8], $0x0  }
0x24: {  	s3 =	sadd.s32 $0x88, s3;
	s6 =	simm.s32 @!p1 $0x1082;
	[sflag:s4] =	ssyncset.s32 $0xFFFFF086  }
0x25: {  	[simem:s6], [sflag:s4] =	dma.local [hbm:s3], $0xF7A  }
0x26: {  	[smem:$0x3F9C] =	sst s1;
	(tag) =	ssettag s2;
	_ =	strace s9  }
0x27: {  	s1 =	sld [smem:$0x3FAC]  }
0x28: {  	s2 =	sld [smem:$0x3FAD]  }
0x29: {  	s4 =	sld [smem:$0x3FAF]  }
0x2a: {  	p0 =	seq.s32 s5, $0x0;
	s5 =	sld [smem:$0x3FB0]  }
0x2b: {  	s6 =	sld [smem:$0x3FB1]  }
0x2c: {  	s7 =	sld [smem:$0x3FB2]  }
0x2d: {  	s3 =	simm.s32 $0x108;
	s8 =	sld [smem:$0x3FB3]  }
0x2e: {  	s3 =	simm.s32 @!p0 $0x1082;
	s9 =	sld [smem:$0x3FB4]  }
0x2f: {  	lr =	sadd.s32 s0, s3;
	s0 =	sld [smem:$0x3FAB]  }
0x30: {  	s3 =	sld [smem:$0x3FAE]  }
0x31: {  	[smem:$0x3FB7] =	sst s10  }
0x32: {  	s10 =	sld [smem:$0x3FB5];
	_ =	sdelay $0x3  }
0x33: {  	p0 =	seq.s32 s10, $0x1;
	s10 =	sld [smem:$0x3FB7];
	_ =	sdelay $0x3  }
0x34: {  	[smem:$0x3FB7] =	sst s10  }
0x35: {  	s10 =	sld [smem:$0x3FB6];
	_ =	sdelay $0x3  }
0x36: {  	p1 =	seq.s32 s10, $0x1;
	s10 =	sld [smem:$0x3FB7];
	_ =	sdelay $0x3  }
0x37: {  	[smem:$0x3FB7] =	sst s10  }
0x38: {  	s10 =	sld [smem:$0x3FB8]  }
0x39: {  	_ = 	snop;
	(pc) =	sbr.ind lr, $3  }
0x3a: {  	_ = 	snop  }
0x3b: {  	_ = 	snop  }
0x3c: {  	p2 =	seq.s32 s10, $0x1;
	s10 =	sld [smem:$0x3FB7]  }
0x3d: {  	_ =	shalt  }
0x3e: {  	_ =	shalt  }
0x3f: {  	_ =	shalt  }
0x40: {  	_ =	shalt  }
0x41: {  	_ =	shalt  }
0x42: {  	_ =	shalt  }
0x43: {  	_ =	shalt  }
0x44: {  	_ =	shalt  }
0x45: {  	_ =	shalt  }
0x46: {  	_ =	shalt  }
0x47: {  	_ =	shalt  }
0x48: {  	_ =	shalt  }
0x49: {  	_ =	shalt  }
0x4a: {  	_ =	shalt  }
0x4b: {  	_ =	shalt  }
0x4c: {  	_ =	shalt  }
0x4d: {  	_ =	shalt  }
0x4e: {  	_ =	shalt  }
0x4f: {  	_ =	shalt  }
0x50: {  	_ =	shalt  }
0x51: {  	_ =	shalt  }
0x52: {  	_ =	shalt  }
0x53: {  	_ =	shalt  }
0x54: {  	_ =	shalt  }
0x55: {  	_ =	shalt  }
0x56: {  	_ =	shalt  }
0x57: {  	_ =	shalt  }
0x58: {  	_ =	shalt  }
0x59: {  	_ =	shalt  }
0x5a: {  	_ =	shalt  }
0x5b: {  	_ =	shalt  }
0x5c: {  	_ =	shalt  }
0x5d: {  	_ =	shalt  }
0x5e: {  	_ =	shalt  }
0x5f: {  	_ =	shalt  }
0x60: {  	_ =	shalt  }
0x61: {  	_ =	shalt  }
0x62: {  	_ =	shalt  }
0x63: {  	_ =	shalt  }
0x64: {  	_ =	shalt  }
0x65: {  	_ =	shalt  }
0x66: {  	_ =	shalt  }
0x67: {  	_ =	shalt  }
0x68: {  	_ =	shalt  }
0x69: {  	_ =	shalt  }
0x6a: {  	_ =	shalt  }
0x6b: {  	_ =	shalt  }
0x6c: {  	_ =	shalt  }
0x6d: {  	_ =	shalt  }
0x6e: {  	_ =	shalt  }
0x6f: {  	_ =	shalt  }
0x70: {  	_ =	shalt  }
0x71: {  	_ =	shalt  }
0x72: {  	_ =	shalt  }
0x73: {  	_ =	shalt  }
0x74: {  	_ =	shalt  }
0x75: {  	_ =	shalt  }
0x76: {  	_ =	shalt  }
0x77: {  	_ =	shalt  }
0x78: {  	_ =	shalt  }
0x79: {  	_ =	shalt  }
0x7a: {  	_ =	shalt  }
0x7b: {  	_ =	shalt  }
0x7c: {  	_ =	shalt  }
0x7d: {  	_ =	shalt  }
0x7e: {  	_ =	shalt  }
0x7f: {  	_ =	shalt  }
0x80: {  	_ =	shalt  }
0x81: {  	_ =	shalt  }
0x82: {  	_ =	shalt  }
0x83: {  	_ =	shalt  }
0x84: {  	_ =	shalt  }
0x85: {  	_ =	shalt  }
0x86: {  	_ =	shalt  }
0x87: {  	_ =	shalt  }
.Lfunc_end0:
.L_simem_size_0:
called_computation.2_lowered:
.L_overlay_start_0:
0x88: {  	s2 =	sld [smem:$0x3FD9]  }
0x89: {  	s3 =	sld [smem:$0x3FFE];
	_ =	sdelay $0x1  }
0x8a: {  	s1 =	srdreg.scid  }
0x8b: {  	s0 =	sand.u32 $0x1, s1  }
0x8c: {  	s17 =	sshll.u32 s0, $0xA;
	s2 =	sadd.s32 s3, s2  }
0x8d: {  	s2 =	sadd.s32 s2, s17  }
0x8e: {  	[smem:$0x3FC3] =	sst s2  }
0x8f: {  	_ = 	snop  }
0x90: {  	s2 =	sld [smem:$0x3FD0];
	(tm) =	ssettm $0x1  }
0x91: {  	s18 =	sld [smem:$0x3FFB];
	_ =	sdelay $0x3  }
0x92: {  	_ =	strace s18  }
0x93: {  	s3 =	sld [smem:$0x3FFC];
	_ =	sdelay $0x3  }
0x94: {  	_ =	strace s3  }
0x95: {  	s3 =	sld [smem:$0x3FFD];
	_ =	sdelay $0x3  }
0x96: {  	_ =	strace s3  }
0x97: {  	_ =	strace $0x8FFFFFFF  }
0x98: {  	s19 =	sld [smem:$0x3FDB];
	_ =	sdelay $0x1  }
0x99: {  	s4 =	simm.s32 $_scs_section_size  }
0x9a: {  	s5 =	simm.s32 $_size__tile_overlayer_lowered;
	s6 =	simm.s32 $_tile_overlayer_lowered  }
0x9b: {  	s22 =	simm.s32 $0x1BFF;
	s21 =	sshll.u32 s6, $0x1;
	s3 =	sadd.s32 s4, s19  }
0x9c: {  	s7 =	simm.s32 $0x0;
	s20 =	sshll.u32 s5, $0x1;
	s5 =	sadd.s32 s21, s3  }
0x9d: {  	[timem:s7], [sflag:s22] =	dma.local [hbm:s5], s20  }
0x9e: {  	_ =	swait.ge [sflag:s22], s20  }
0x9f: {  	s4 =	ssub.s32 $0x0, s20;
	[sflag:s22] =	ssyncset.done $0x0  }
0xa0: {  	[sflag:s22] =	ssyncadd.s32 s4;
	_ =	sdelay $0x1  }
0xa1: {  	s23 =	simm.s32 $0x1B8B  }
0xa2: {  	_ =	swait.ge [sflag:s23], $0x1  }
0xa3: {  	[sflag:s23] =	ssyncset.done $0x0  }
0xa4: {  	s25 =	simm.s32 $0x1B8E;
	s24 =	sld [smem:$0x3FFE];
	[sflag:s23] =	ssyncadd.s32 $0xFFFFFFFF  }
0xa5: {  	s26 =	simm.s32 $execute0_lowered;
	[smem:$0x3FD2] =	sst s25  }
0xa6: {  	s5 =	sshll.u32 s26, $0x1;
	_ =	strace $0x80000049;
	[dreg:$0x1] =	wrdreg $0xFFFFFFFF  }
0xa7: {  	s28 =	simm.s32 $_size_execute0_lowered;
	s3 =	sadd.s32 s3, s5;
	[dreg:$0x0] =	wrdreg $0x0  }
0xa8: {  	s5 =	sshll.u32 s28, $0x1;
	[dreg:$0x2] =	wrdreg s3  }
0xa9: {  	[dreg:$0x3] =	wrdreg s5  }
0xaa: {  	[dreg:$0x4] =	wrdreg $0xC0  }
0xab: {  	_ =	task [dreg:s7], $0x5FFFF  }
0xac: {  	[dreg:$0x1] =	wrdreg $0xFFFFFFFF  }
0xad: {  	[dreg:$0x0] =	wrdreg $0x60  }
0xae: {  	[dreg:$0x2] =	wrdreg s24  }
0xaf: {  	[dreg:$0x3] =	wrdreg s2  }
0xb0: {  	[dreg:$0x4] =	wrdreg $0x9  }
0xb1: {  	_ =	task.clear_ibuf [dreg:s7], $0x5FFFF;
	_ =	strace $0x90000049  }
0xb2: {  	s29 =	simm.s32 $0x9;
	_ =	strace $0x8000004B  }
0xb3: {  	_ =	swait.ge [sflag:s29], $0x1  }
0xb4: {  	[sflag:s29] =	ssyncadd.s32 $0xFFFFFFFF  }
0xb5: {  	_ =	strace $0x9000004B  }
0xb6: {  	_ =	sfence  }
0xb7: {  	s30 =	sld [smem:$0x0];
	_ =	sdelay $0x2  }
0xb8: {  	s31 =	sshll.u32 s1, $0xD;
	s1 =	sshrl.u32 s1, $0x2  }
0xb9: {  	s3 =	sand.u32 $0x4000, s31;
	s1 =	sadd.s32 s1, s30  }
0xba: {  	s0 =	sor.u32 s3, s0;
	s1 =	sshll.u32 s1, $0x11  }
0xbb: {  	s0 =	sor.u32 s1, s0  }
0xbc: {  	s0 =	sadd.s32 $0x8F2B, s0  }
0xbd: {  	[sflag:s0] =	ssyncadd.remote.s32 $0x1  }
0xbe: {  	_ =	sfence.sel $0xFFFF  }
0xbf: {  	[dreg:$0x0] =	wrdreg $0xFFFFFFFF;
	(pc) =	sbr.abs _section_cstart, $3  }
0xc0: {  	[dreg:$0x1] =	wrdreg $0xFFFFFFFF  }
0xc1: {  	_ =	task.clear_ibuf [dreg:s7], $0x2FFFF;
	_ =	strace $0x9FFFFFFF  }
0xc2: {  	(tm) =	ssettm $0x7FFFFFFF  }
0xc3: {  	_ =	shalt  }
tec
execute0_lowered:
.L_overlay_start_1:
0x0: {  	(tag) =	ssettag $0x1  }
0x1: {  	s0 =	rddreg [dreg:$0x0]  }
0x2: {  	s2 =	rddreg [dreg:$0x1]  }
0x3: {  	s3 =	simm.s32 $0x0;
	s1 =	srdreg.scid;
	s4 =	stileid.u32  }
0x4: {  	s12 =	simm.s32 $0x9;
	s13 =	simm.s32 $0x64;
	s14 =	simm.s32 $0x340  }
0x5: {  	s17 =	simm.s32 $0xD0;
	s18 =	simm.s32 $0x3540;
	s21 =	simm.s32 $0x1  }
0x6: {  	s22 =	simm.s32 $0x40;
	s23 =	simm.s32 $0x80;
	s24 =	simm.s32 $0x1A0  }
0x7: {  	s29 =	simm.s32 $0x2;
	s30 =	simm.s32 $0x270;
	s31 =	simm.s32 $0x9940  }
0x8: {  	s11 =	simm.s32 $0x3;
	s15 =	simm.s32 $0x4;
	s10 =	simm.s32 $0x0  }
0x9: {  	[smem:$0x7FF] =	sst s3;
	s1 =	sand.u32 $0x1, s1;
	s4 =	sshll.u32 s4, $0x1  }
0xa: {  	_ =	strace $0x8000004A;
	s6 =	sor.u32 s1, s4;
	s1 =	ssub.s32 $0x2, s1  }
0xb: {  	s4 =	sadd.s32 $0xF63600, s0;
	s5 =	sshll.u32 s6, $0xC;
	s8 =	sshrl.u32 s1, $0x1  }
0xc: {  	s9 =	smul.u32 $0x3400, s6;
	s6 =	sshll.u32 s6, $0x9;
	s7 =	sadd.s32 s5, s0  }
0xd: {  	s5 =	sadd.s32 $0xFCB600, s0;
	s25 =	ssub.s32 s1, s8;
	s26 =	sadd.s32 $0xF43600, s7  }
0xe: {  	s1 =	simm.s32 $0xB240;
	s28 =	sadd.s32 s4, s9;
	[dreg:$0x3] =	wrdreg s26  }
0xf: {  	s9 =	sor.u32 $0x4, s6;
	s0 =	smax.u32 s25, $0x1;
	[dreg:$0x4] =	wrdreg s28  }
0x10: {  	s25 =	simm.s32 $0x6740;
	[dreg:$0x5] =	wrdreg s0;
	s0 =	simm.s32 $0x2D8  }
.LBB2_1:
0x11: {  	[dreg:$0x6] =	wrdreg s10  }
0x12: {  	s7 =	rddreg [dreg:$0x3];
	s8 =	simm.s32 $0xCB40  }
0x13: {  	[tilespmem:s8], [sflag:$0x9] =	stream.linear.gather [hbm4b:s7+s3], $0x8000, $0x38;
	[tilespmem:$0x14B40] =	vst v63  }
0x14: {  	_ =	swait.ge [sflag:s12], $0x8000  }
0x15: {  	[sflag:s12] =	ssyncset.done $0x0  }
0x16: {  	s20 =	rddreg [dreg:$0x4];
	[sflag:s12] =	ssyncadd.s32 $0xFFFF8000  }
0x17: {  	[tilespmem:s3], [sflag:$0x9] =	stream.linear.gather [hbm4b:s20+s3], $0xD0, $0x38;
	[tilespmem:$0x14B40] =	vst v63  }
0x18: {  	_ =	swait.ge [sflag:s12], $0xD0  }
0x19: {  	[sflag:s12] =	ssyncset.done $0x0  }
0x1a: {  	[sflag:s12] =	ssyncadd.s32 $0xFFFFFF30  }
0x1b: {  	[tilespmem:s14], [sflag:$0x1] =	stream.indirect.gather [hbm4b:s2+s13], $0x40, s3, s13, $0xb8;
	[tilespmem:$0x14B40] =	vst v63  }
0x1c: {  	s26 =	simm.s32 $0x68;
	s28 =	simm.s32 $0x1C40;
	s7 =	simm.s32 $0x0  }
0x1d: {  	[tilespmem:s28], [sflag:$0x1] =	stream.indirect.gather [hbm4b:s2+s13], $0x40, s26, s13, $0xb8;
	[tilespmem:$0x14B40] =	vst v63  }
.LBB2_2:
0x1e: {  	s8 =	sshll.u32 s7, $0x2  }
0x1f: {  	p0 =	seq.s32 s7, $0x0;
	s19 =	sor.u32 $0x1, s8  }
0x20: {  	s16 =	simm.s32 @!p0 $0x6;
	s10 =	sor.u32 s6, s19  }
0x21: {  	_ =	swait.ge @!p0 [sflag:s16], $0x3200;
	s20 =	smul.u32 $0x1A, s10  }
0x22: {  	[sflag:s16] =	ssyncset.done @!p0 $0x0  }
0x23: {  	[sflag:s16] =	ssyncadd.s32 @!p0 $0xFFFFCE00;
	s28 =	sadd.s32 s4, s20  }
0x24: {  	[tilespmem:s17], [sflag:$0x9] =	stream.linear.gather [hbm4b:s28+s3], $0xD0, $0x38;
	[tilespmem:$0x14B40] =	vst v63  }
0x25: {  	_ =	swait.ge [sflag:s12], $0xD0  }
0x26: {  	[sflag:s12] =	ssyncset.done $0x0  }
0x27: {  	[sflag:s12] =	ssyncadd.s32 $0xFFFFFF30  }
0x28: {  	[tilespmem:s18], [sflag:$0x2] =	stream.indirect.gather [hbm4b:s2+s13], $0x40, s17, s13, $0xb8;
	[tilespmem:$0x14B40] =	vst v63  }
0x29: {  	s26 =	simm.s32 $0x4E40;
	s20 =	simm.s32 $0x138  }
0x2a: {  	[tilespmem:s26], [sflag:$0x2] =	stream.indirect.gather [hbm4b:s2+s13], $0x40, s20, s13, $0xb8;
	[tilespmem:$0x14B40] =	vst v63  }
0x2b: {  	_ =	swait.ge [sflag:s21], $0x1900  }
0x2c: {  	[sflag:s21] =	ssyncset.done $0x0  }
0x2d: {  	[sflag:s21] =	ssyncadd.s32 $0xFFFFE700  }
0x2e: {  	_ =	swait.ge [sflag:s21], $0x1900  }
0x2f: {  	s28 =	sshll.u32 s7, $0x8;
	[sflag:s21] =	ssyncset.done $0x0  }
0x30: {  	s16 =	sand.u32 $0x3FFFFF00, s28;
	[sflag:s21] =	ssyncadd.s32 $0xFFFFE700  }
0x31: {  	v3 =	vld [tilespmem:s16+$0xCB40]  }
0x32: {  	v2 =	vld [tilespmem:s16+$0xCB50]  }
0x33: {  	v1 =	vld [tilespmem:s16+$0xCB60]  }
0x34: {  	v0 =	vld [tilespmem:s16+$0xCB70];
	s16 =	simm.s32 $0x3C0  }
0x35: {  	v4 =	vld [tilespmem:s16+$0xFFFFFF80]  }
0x36: {  	v5 =	vld [tilespmem:s16+$0xFFFFFF90]  }
0x37: {  	v6 =	vld [tilespmem:s16+$0xFFFFFFA0]  }
0x38: {  	v7 =	vld [tilespmem:s16+$0xFFFFFFB0]  }
0x39: {  	v8 =	vld [tilespmem:s16+$0xFFFFFFC0]  }
0x3a: {  	v9 =	vld [tilespmem:s16+$0xFFFFFFD0];
	v4 =	vadd.f32 v4, v3  }
0x3b: {  	v10 =	vld [tilespmem:s16+$0xFFFFFFE0];
	v5 =	vadd.f32 v5, v2  }
0x3c: {  	[tilespmem:s16+$0xFFFFFF80] =	vst v4;
	v4 =	vadd.f32 v6, v1;
	v6 =	vld [tilespmem:s16+$0x0]  }
0x3d: {  	[tilespmem:s16+$0xFFFFFF90] =	vst v5;
	v5 =	vadd.f32 v7, v0;
	v7 =	vld [tilespmem:s16+$0x10]  }
0x3e: {  	[tilespmem:s16+$0xFFFFFFA0] =	vst v4;
	v4 =	vadd.f32 v8, v3;
	v8 =	vld [tilespmem:s16+$0x20]  }
0x3f: {  	v11 =	vld [tilespmem:s16+$0x30];
	[tilespmem:s16+$0xFFFFFFB0] =	vst v5;
	v5 =	vadd.f32 v9, v2  }
0x40: {  	v9 =	vadd.f32 v10, v1;
	[tilespmem:s16+$0xFFFFFFC0] =	vst v4;
	v4 =	vld [tilespmem:s16+$0x40]  }
0x41: {  	[tilespmem:s16+$0xFFFFFFD0] =	vst v5;
	v5 =	vadd.f32 v6, v3;
	v6 =	vld [tilespmem:s16+$0x50]  }
0x42: {  	[tilespmem:s16+$0xFFFFFFE0] =	vst v9;
	v10 =	vadd.f32 v7, v2;
	v7 =	vld [tilespmem:s16+$0x60]  }
0x43: {  	[tilespmem:s16+$0x0] =	vst v5;
	v9 =	vadd.f32 v8, v1;
	v8 =	vld [tilespmem:s16+$0x70]  }
0x44: {  	s20 =	simm.s32 $0x0;
	s26 =	simm.s32 $0x4C0;
	v5 =	vld [tilespmem:s16+$0xFFFFFFF0];
	[tilespmem:s16+$0x10] =	vst v10;
	v10 =	vadd.f32 v11, v0  }
.LBB2_3:
0x45: {  	v11 =	vld [tilespmem:s26+$0xFFFFFF80];
	[tilespmem:s16+$0x20] =	vst v9;
	v4 =	vadd.f32 v4, v3  }
0x46: {  	v9 =	vld [tilespmem:s26+$0xFFFFFF90];
	[tilespmem:s16+$0x30] =	vst v10;
	v6 =	vadd.f32 v6, v2  }
0x47: {  	v10 =	vld [tilespmem:s26+$0xFFFFFFA0];
	[tilespmem:s16+$0x40] =	vst v4;
	v4 =	vadd.f32 v7, v1  }
0x48: {  	v7 =	vld [tilespmem:s26+$0xFFFFFFB0];
	[tilespmem:s16+$0x50] =	vst v6;
	v6 =	vadd.f32 v8, v0  }
0x49: {  	v8 =	vld [tilespmem:s26+$0xFFFFFFC0];
	v5 =	vadd.f32 v5, v0;
	[tilespmem:s16+$0x60] =	vst v4  }
0x4a: {  	v4 =	vadd.f32 v11, v3;
	v11 =	vld [tilespmem:s26+$0xFFFFFFD0];
	[tilespmem:s16+$0x70] =	vst v6  }
0x4b: {  	v6 =	vadd.f32 v9, v2;
	v9 =	vld [tilespmem:s26+$0xFFFFFFE0];
	[tilespmem:s16+$0xFFFFFFF0] =	vst v5;
	s16 =	smov.u32 s26  }
0x4c: {  	[tilespmem:s26+$0xFFFFFF80] =	vst v4;
	v4 =	vadd.f32 v10, v1;
	v5 =	vld [tilespmem:s26+$0x0]  }
0x4d: {  	[tilespmem:s26+$0xFFFFFF90] =	vst v6;
	v6 =	vadd.f32 v7, v0;
	v7 =	vld [tilespmem:s26+$0x10]  }
0x4e: {  	s20 =	sadd.s32 $0x4, s20;
	[tilespmem:s26+$0xFFFFFFA0] =	vst v4;
	v4 =	vadd.f32 v8, v3;
	v8 =	vld [tilespmem:s26+$0x20]  }
0x4f: {  	p1 =	slt.u32 s20, $0xC4;
	[tilespmem:s26+$0xFFFFFFB0] =	vst v6;
	v6 =	vadd.f32 v11, v2;
	v10 =	vld [tilespmem:s26+$0x30]  }
.Ltmp0:
0x50: {  	[tilespmem:s26+$0xFFFFFFC0] =	vst v4;
	v9 =	vadd.f32 v9, v1;
	v4 =	vld [tilespmem:s26+$0x40];
	(pc) =	sbr.rel @p1 .LBB2_3-.Ltmp0, $4  }
0x51: {  	[tilespmem:s26+$0xFFFFFFD0] =	vst v6;
	v5 =	vadd.f32 v5, v3;
	v6 =	vld [tilespmem:s26+$0x50]  }
0x52: {  	[tilespmem:s26+$0xFFFFFFE0] =	vst v9;
	v11 =	vadd.f32 v7, v2;
	v7 =	vld [tilespmem:s26+$0x60]  }
0x53: {  	[tilespmem:s26+$0x0] =	vst v5;
	v9 =	vadd.f32 v8, v1;
	v8 =	vld [tilespmem:s26+$0x70]  }
0x54: {  	s26 =	sadd.s32 $0x100, s26;
	v5 =	vld [tilespmem:s16+$0xFFFFFFF0];
	[tilespmem:s16+$0x10] =	vst v11;
	v10 =	vadd.f32 v10, v0  }
0x55: {  	[tilespmem:s16+$0x20] =	vst v9;
	v3 =	vadd.f32 v4, v3  }
0x56: {  	[tilespmem:s16+$0x30] =	vst v10;
	v2 =	vadd.f32 v6, v2  }
0x57: {  	[tilespmem:s16+$0x40] =	vst v3;
	v1 =	vadd.f32 v7, v1  }
0x58: {  	s20 =	sadd.s32 s6, s8;
	[tilespmem:s16+$0x50] =	vst v2;
	v2 =	vadd.f32 v8, v0  }
0x59: {  	s20 =	smul.u32 $0xC80, s20;
	v0 =	vadd.f32 v5, v0;
	[tilespmem:s16+$0x60] =	vst v1  }
0x5a: {  	[tilespmem:s16+$0x70] =	vst v2  }
0x5b: {  	s26 =	sadd.s32 s5, s20;
	s20 =	sor.u32 $0x2, s8;
	[tilespmem:s16+$0xFFFFFFF0] =	vst v0  }
0x5c: {  	[hbm4b:s26+s22] =	stream.strided.scatter [tilespmem:s14], [sflag:$0x5], $0x3200, s23, s22, $0x38;
	[tilespmem:$0x14B40] =	vst v63  }
0x5d: {  	s16 =	sor.u32 s6, s20;
	s26 =	simm.s32 @!p0 $0x7  }
0x5e: {  	s28 =	smul.u32 $0x1A, s16;
	_ =	swait.ge @!p0 [sflag:s26], $0x3200  }
0x5f: {  	[sflag:s26] =	ssyncset.done @!p0 $0x0  }
0x60: {  	[sflag:s26] =	ssyncadd.s32 @!p0 $0xFFFFCE00;
	s26 =	sadd.s32 s4, s28  }
0x61: {  	[tilespmem:s24], [sflag:$0x9] =	stream.linear.gather [hbm4b:s26+s3], $0xD0, $0x38;
	[tilespmem:$0x14B40] =	vst v63  }
0x62: {  	_ =	swait.ge [sflag:s12], $0xD0  }
0x63: {  	[sflag:s12] =	ssyncset.done $0x0  }
0x64: {  	[sflag:s12] =	ssyncadd.s32 $0xFFFFFF30  }
0x65: {  	[tilespmem:s25], [sflag:$0x3] =	stream.indirect.gather [hbm4b:s2+s13], $0x40, s24, s13, $0xb8;
	[tilespmem:$0x14B40] =	vst v63  }
0x66: {  	s28 =	simm.s32 $0x8040;
	s26 =	simm.s32 $0x208  }
0x67: {  	[tilespmem:s28], [sflag:$0x3] =	stream.indirect.gather [hbm4b:s2+s13], $0x40, s26, s13, $0xb8;
	[tilespmem:$0x14B40] =	vst v63  }
0x68: {  	_ =	swait.ge [sflag:s29], $0x1900  }
0x69: {  	[sflag:s29] =	ssyncset.done $0x0  }
0x6a: {  	[sflag:s29] =	ssyncadd.s32 $0xFFFFE700  }
0x6b: {  	_ =	swait.ge [sflag:s29], $0x1900  }
0x6c: {  	s19 =	sshll.u32 s19, $0x6;
	[sflag:s29] =	ssyncset.done $0x0  }
0x6d: {  	s19 =	sand.u32 $0x3FFFFFC0, s19;
	[sflag:s29] =	ssyncadd.s32 $0xFFFFE700  }
0x6e: {  	v3 =	vld [tilespmem:s19+$0xCB40]  }
0x6f: {  	v1 =	vld [tilespmem:s19+$0xCB50]  }
0x70: {  	v0 =	vld [tilespmem:s19+$0xCB60]  }
0x71: {  	v2 =	vld [tilespmem:s19+$0xCB70];
	s19 =	simm.s32 $0x3630  }
0x72: {  	v4 =	vld [tilespmem:s19+$0xFFFFFF10]  }
0x73: {  	v5 =	vld [tilespmem:s19+$0xFFFFFF20]  }
0x74: {  	v6 =	vld [tilespmem:s19+$0xFFFFFF30]  }
0x75: {  	v7 =	vld [tilespmem:s19+$0xFFFFFF40]  }
0x76: {  	v8 =	vld [tilespmem:s19+$0xFFFFFF50]  }
0x77: {  	v9 =	vld [tilespmem:s19+$0xFFFFFF60];
	v4 =	vadd.f32 v4, v3  }
0x78: {  	v10 =	vld [tilespmem:s19+$0xFFFFFF70];
	v5 =	vadd.f32 v5, v1  }
0x79: {  	[tilespmem:s19+$0xFFFFFF10] =	vst v4;
	v4 =	vadd.f32 v6, v0;
	v6 =	vld [tilespmem:s19+$0xFFFFFF80]  }
0x7a: {  	[tilespmem:s19+$0xFFFFFF20] =	vst v5;
	v5 =	vadd.f32 v7, v2;
	v7 =	vld [tilespmem:s19+$0xFFFFFF90]  }
0x7b: {  	[tilespmem:s19+$0xFFFFFF30] =	vst v4;
	v4 =	vadd.f32 v8, v3;
	v8 =	vld [tilespmem:s19+$0xFFFFFFA0]  }
0x7c: {  	v11 =	vld [tilespmem:s19+$0xFFFFFFB0];
	[tilespmem:s19+$0xFFFFFF40] =	vst v5;
	v5 =	vadd.f32 v9, v1  }
0x7d: {  	v9 =	vadd.f32 v10, v0;
	[tilespmem:s19+$0xFFFFFF50] =	vst v4;
	v4 =	vld [tilespmem:s19+$0xFFFFFFC0]  }
0x7e: {  	[tilespmem:s19+$0xFFFFFF60] =	vst v5;
	v5 =	vld [tilespmem:s19+$0xFFFFFFD0];
	v10 =	vadd.f32 v6, v2  }
0x7f: {  	[tilespmem:s19+$0xFFFFFF70] =	vst v9;
	v12 =	vadd.f32 v7, v3;
	v6 =	vld [tilespmem:s19+$0xFFFFFFE0]  }
0x80: {  	v7 =	vld [tilespmem:s19+$0x0];
	[tilespmem:s19+$0xFFFFFF80] =	vst v10;
	v9 =	vadd.f32 v8, v1  }
0x81: {  	s26 =	simm.s32 $0x0;
	s28 =	simm.s32 $0x3730;
	[tilespmem:s19+$0xFFFFFF90] =	vst v12;
	v10 =	vadd.f32 v11, v0;
	v8 =	vld [tilespmem:s19+$0xFFFFFFF0]  }
.LBB2_5:
0x82: {  	v11 =	vld [tilespmem:s28+$0xFFFFFF10];
	[tilespmem:s19+$0xFFFFFFA0] =	vst v9;
	v4 =	vadd.f32 v4, v2  }
0x83: {  	v9 =	vld [tilespmem:s28+$0xFFFFFF20];
	[tilespmem:s19+$0xFFFFFFB0] =	vst v10;
	v5 =	vadd.f32 v5, v3  }
0x84: {  	v10 =	vld [tilespmem:s28+$0xFFFFFF30];
	[tilespmem:s19+$0xFFFFFFC0] =	vst v4;
	v4 =	vadd.f32 v6, v1  }
0x85: {  	v6 =	vld [tilespmem:s28+$0xFFFFFF40];
	[tilespmem:s19+$0xFFFFFFD0] =	vst v5;
	v5 =	vadd.f32 v7, v2  }
0x86: {  	v7 =	vld [tilespmem:s28+$0xFFFFFF50];
	[tilespmem:s19+$0xFFFFFFE0] =	vst v4;
	v4 =	vadd.f32 v8, v0  }
0x87: {  	v8 =	vadd.f32 v11, v3;
	v11 =	vld [tilespmem:s28+$0xFFFFFF60];
	[tilespmem:s19+$0x0] =	vst v5  }
0x88: {  	v5 =	vadd.f32 v9, v1;
	v9 =	vld [tilespmem:s28+$0xFFFFFF70];
	[tilespmem:s19+$0xFFFFFFF0] =	vst v4;
	s19 =	smov.u32 s28  }
0x89: {  	[tilespmem:s28+$0xFFFFFF10] =	vst v8;
	v4 =	vadd.f32 v10, v0;
	v8 =	vld [tilespmem:s28+$0xFFFFFF80]  }
0x8a: {  	[tilespmem:s28+$0xFFFFFF20] =	vst v5;
	v5 =	vadd.f32 v6, v2;
	v6 =	vld [tilespmem:s28+$0xFFFFFF90]  }
0x8b: {  	s26 =	sadd.s32 $0x4, s26;
	[tilespmem:s28+$0xFFFFFF30] =	vst v4;
	v4 =	vadd.f32 v7, v3;
	v7 =	vld [tilespmem:s28+$0xFFFFFFA0]  }
0x8c: {  	p1 =	slt.u32 s26, $0xC4;
	[tilespmem:s28+$0xFFFFFF40] =	vst v5;
	v5 =	vadd.f32 v11, v1;
	v10 =	vld [tilespmem:s28+$0xFFFFFFB0]  }
.Ltmp1:
0x8d: {  	[tilespmem:s28+$0xFFFFFF50] =	vst v4;
	v9 =	vadd.f32 v9, v0;
	v4 =	vld [tilespmem:s28+$0xFFFFFFC0];
	(pc) =	sbr.rel @p1 .LBB2_5-.Ltmp1, $4  }
0x8e: {  	[tilespmem:s28+$0xFFFFFF60] =	vst v5;
	v8 =	vadd.f32 v8, v2;
	v5 =	vld [tilespmem:s28+$0xFFFFFFD0]  }
0x8f: {  	[tilespmem:s28+$0xFFFFFF70] =	vst v9;
	v11 =	vadd.f32 v6, v3;
	v6 =	vld [tilespmem:s28+$0xFFFFFFE0]  }
0x90: {  	[tilespmem:s28+$0xFFFFFF80] =	vst v8;
	v9 =	vadd.f32 v7, v1;
	v7 =	vld [tilespmem:s28+$0x0]  }
0x91: {  	s28 =	sadd.s32 $0x100, s28;
	[tilespmem:s19+$0xFFFFFF90] =	vst v11;
	v10 =	vadd.f32 v10, v0;
	v8 =	vld [tilespmem:s19+$0xFFFFFFF0]  }
0x92: {  	[tilespmem:s19+$0xFFFFFFA0] =	vst v9;
	v4 =	vadd.f32 v4, v2  }
0x93: {  	[tilespmem:s19+$0xFFFFFFB0] =	vst v10;
	v3 =	vadd.f32 v5, v3  }
0x94: {  	[tilespmem:s19+$0xFFFFFFC0] =	vst v4;
	v1 =	vadd.f32 v6, v1  }
0x95: {  	[tilespmem:s19+$0xFFFFFFD0] =	vst v3;
	v2 =	vadd.f32 v7, v2  }
0x96: {  	s10 =	smul.u32 $0xC80, s10;
	[tilespmem:s19+$0xFFFFFFE0] =	vst v1;
	v0 =	vadd.f32 v8, v0  }
0x97: {  	[tilespmem:s19+$0x0] =	vst v2  }
0x98: {  	s10 =	sadd.s32 s5, s10;
	[tilespmem:s19+$0xFFFFFFF0] =	vst v0;
	s19 =	sor.u32 $0x3, s8  }
0x99: {  	[hbm4b:s10+s22] =	stream.strided.scatter [tilespmem:s18], [sflag:$0x6], $0x3200, s23, s22, $0x38;
	[tilespmem:$0x14B40] =	vst v63  }
0x9a: {  	s26 =	simm.s32 @!p0 $0x8;
	s10 =	sor.u32 s6, s19  }
0x9b: {  	_ =	swait.ge @!p0 [sflag:s26], $0x3200;
	s28 =	smul.u32 $0x1A, s10  }
0x9c: {  	[sflag:s26] =	ssyncset.done @!p0 $0x0  }
0x9d: {  	[sflag:s26] =	ssyncadd.s32 @!p0 $0xFFFFCE00;
	s26 =	sadd.s32 s4, s28  }
0x9e: {  	[tilespmem:s30], [sflag:$0x9] =	stream.linear.gather [hbm4b:s26+s3], $0xD0, $0x38;
	[tilespmem:$0x14B40] =	vst v63  }
0x9f: {  	_ =	swait.ge [sflag:s12], $0xD0  }
0xa0: {  	[sflag:s12] =	ssyncset.done $0x0  }
0xa1: {  	[sflag:s12] =	ssyncadd.s32 $0xFFFFFF30  }
0xa2: {  	[tilespmem:s31], [sflag:$0x4] =	stream.indirect.gather [hbm4b:s2+s13], $0x40, s30, s13, $0xb8;
	[tilespmem:$0x14B40] =	vst v63  }
0xa3: {  	_ = 	snop  }
0xa4: {  	[tilespmem:s1], [sflag:$0x4] =	stream.indirect.gather [hbm4b:s2+s13], $0x40, s0, s13, $0xb8;
	[tilespmem:$0x14B40] =	vst v63  }
0xa5: {  	_ =	swait.ge [sflag:s11], $0x1900  }
0xa6: {  	[sflag:s11] =	ssyncset.done $0x0  }
0xa7: {  	[sflag:s11] =	ssyncadd.s32 $0xFFFFE700  }
0xa8: {  	_ =	swait.ge [sflag:s11], $0x1900  }
0xa9: {  	s20 =	sshll.u32 s20, $0x6;
	[sflag:s11] =	ssyncset.done $0x0  }
0xaa: {  	s20 =	sand.u32 $0x3FFFFFC0, s20;
	[sflag:s11] =	ssyncadd.s32 $0xFFFFE700  }
0xab: {  	v2 =	vld [tilespmem:s20+$0xCB40]  }
0xac: {  	v3 =	vld [tilespmem:s20+$0xCB50]  }
0xad: {  	v0 =	vld [tilespmem:s20+$0xCB60]  }
0xae: {  	v1 =	vld [tilespmem:s20+$0xCB70];
	s20 =	simm.s32 $0x6740  }
0xaf: {  	v5 =	vld [tilespmem:s20+$0xA0]  }
0xb0: {  	v6 =	vld [tilespmem:s20+$0x40]  }
0xb1: {  	v7 =	vld [tilespmem:s20+$0xE0]  }
0xb2: {  	v8 =	vld [tilespmem:s20+$0xD0]  }
0xb3: {  	v9 =	vld [tilespmem:s20+$0x20]  }
0xb4: {  	v4 =	vld [tilespmem:s20+$0x90]  }
0xb5: {  	v12 =	vld [tilespmem:s20+$0xC0]  }
0xb6: {  	v11 =	vld [tilespmem:s20+$0x10]  }
0xb7: {  	v13 =	vld [tilespmem:s20+$0x0];
	v5 =	vadd.f32 v5, v0  }
0xb8: {  	v15 =	vld [tilespmem:s20+$0x50];
	v8 =	vadd.f32 v8, v3  }
0xb9: {  	v14 =	vld [tilespmem:s20+$0xB0];
	v16 =	vadd.f32 v9, v0;
	[tilespmem:s20+$0xA0] =	vst v5  }
0xba: {  	v10 =	vld [tilespmem:s20+$0xF0];
	v17 =	vadd.f32 v12, v2;
	[tilespmem:s20+$0xD0] =	vst v8  }
0xbb: {  	v5 =	vadd.f32 v6, v2;
	v6 =	vadd.f32 v7, v0;
	v7 =	vld [tilespmem:s20+$0x80];
	[tilespmem:s20+$0x20] =	vst v16  }
0xbc: {  	v8 =	vld [tilespmem:s20+$0x70];
	[tilespmem:s20+$0xC0] =	vst v17  }
0xbd: {  	v12 =	vadd.f32 v13, v2;
	v9 =	vld [tilespmem:s20+$0x60];
	v13 =	vadd.f32 v15, v3;
	[tilespmem:s20+$0x40] =	vst v5  }
0xbe: {  	s28 =	simm.s32 $0x6840;
	s26 =	simm.s32 $0x0;
	[tilespmem:s20+$0xE0] =	vst v6;
	v5 =	vadd.f32 v11, v3;
	v11 =	vld [tilespmem:s20+$0x30];
	v6 =	vadd.f32 v14, v1  }
.LBB2_7:
0xbf: {  	v14 =	vld [tilespmem:s28+$0xA0];
	s26 =	sadd.s32 $0x4, s26;
	[tilespmem:s20+$0x0] =	vst v12;
	v4 =	vadd.f32 v4, v3;
	v10 =	vadd.f32 v10, v1  }
0xc0: {  	v12 =	vld [tilespmem:s28+$0x40];
	p0 =	slt.u32 s26, $0xC4;
	[tilespmem:s20+$0x50] =	vst v13;
	v7 =	vadd.f32 v7, v2  }
0xc1: {  	v13 =	vld [tilespmem:s28+$0xE0];
	v8 =	vadd.f32 v8, v1;
	[tilespmem:s20+$0xF0] =	vst v10  }
0xc2: {  	v15 =	vld [tilespmem:s28+$0x20];
	v9 =	vadd.f32 v9, v0;
	[tilespmem:s20+$0x80] =	vst v7  }
0xc3: {  	v7 =	vld [tilespmem:s28+$0xD0];
	v10 =	vadd.f32 v11, v1;
	[tilespmem:s20+$0x90] =	vst v4  }
0xc4: {  	v4 =	vld [tilespmem:s28+$0x90];
	v11 =	vadd.f32 v14, v0;
	[tilespmem:s20+$0x10] =	vst v5  }
0xc5: {  	v5 =	vld [tilespmem:s28+$0x10];
	[tilespmem:s20+$0x30] =	vst v10  }
0xc6: {  	v14 =	vld [tilespmem:s28+$0xC0];
	v13 =	vadd.f32 v13, v0;
	[tilespmem:s20+$0xB0] =	vst v6  }
0xc7: {  	v6 =	vld [tilespmem:s28+$0x0];
	[tilespmem:s20+$0x70] =	vst v8  }
0xc8: {  	v16 =	vld [tilespmem:s28+$0xB0];
	v7 =	vadd.f32 v7, v3;
	[tilespmem:s20+$0x60] =	vst v9;
	s20 =	smov.u32 s28  }
0xc9: {  	v17 =	vld [tilespmem:s28+$0x50];
	[tilespmem:s28+$0xA0] =	vst v11  }
.Ltmp2:
0xca: {  	v8 =	vadd.f32 v12, v2;
	[tilespmem:s28+$0xD0] =	vst v7;
	v10 =	vld [tilespmem:s28+$0xF0];
	(pc) =	sbr.rel @p0 .LBB2_7-.Ltmp2, $4  }
0xcb: {  	v7 =	vld [tilespmem:s28+$0x80];
	v11 =	vadd.f32 v14, v2;
	[tilespmem:s28+$0xE0] =	vst v13  }
0xcc: {  	v13 =	vadd.f32 v15, v0;
	[tilespmem:s28+$0x40] =	vst v8;
	v8 =	vld [tilespmem:s28+$0x70]  }
0xcd: {  	v5 =	vadd.f32 v5, v3;
	v12 =	vadd.f32 v6, v2;
	v9 =	vld [tilespmem:s28+$0x60];
	[tilespmem:s28+$0xC0] =	vst v11  }
0xce: {  	v6 =	vadd.f32 v16, v1;
	s28 =	sadd.s32 $0x100, s28;
	[tilespmem:s20+$0x20] =	vst v13;
	v11 =	vld [tilespmem:s20+$0x30];
	v13 =	vadd.f32 v17, v3  }
0xcf: {  	[tilespmem:s20+$0x0] =	vst v12  }
0xd0: {  	[tilespmem:s20+$0x10] =	vst v5  }
0xd1: {  	v10 =	vadd.f32 v10, v1;
	[tilespmem:s20+$0x50] =	vst v13  }
0xd2: {  	v3 =	vadd.f32 v4, v3;
	[tilespmem:s20+$0xB0] =	vst v6  }
0xd3: {  	v2 =	vadd.f32 v7, v2;
	[tilespmem:s20+$0xF0] =	vst v10  }
0xd4: {  	[tilespmem:s20+$0x90] =	vst v3;
	v0 =	vadd.f32 v9, v0  }
0xd5: {  	[tilespmem:s20+$0x80] =	vst v2;
	v2 =	vadd.f32 v11, v1  }
0xd6: {  	s16 =	smul.u32 $0xC80, s16;
	v1 =	vadd.f32 v8, v1;
	[tilespmem:s20+$0x60] =	vst v0  }
0xd7: {  	[tilespmem:s20+$0x30] =	vst v2  }
0xd8: {  	p0 =	seq.s32 s7, $0x7F;
	s16 =	sadd.s32 s5, s16;
	[tilespmem:s20+$0x70] =	vst v1  }
0xd9: {  	[hbm4b:s16+s22] =	stream.strided.scatter [tilespmem:s25], [sflag:$0x7], $0x3200, s23, s22, $0x38;
	[tilespmem:$0x14B40] =	vst v63  }
0xda: {  	s8 =	sadd.s32 @!p0 s8, s9;
	s16 =	simm.s32 @!p0 $0x5  }
0xdb: {  	s8 =	smul.u32 @!p0 $0x1A, s8;
	_ =	swait.ge @!p0 [sflag:s16], $0x3200  }
0xdc: {  	[sflag:s16] =	ssyncset.done @!p0 $0x0  }
0xdd: {  	s8 =	sadd.s32 @!p0 s4, s8;
	[sflag:s16] =	ssyncadd.s32 @!p0 $0xFFFFCE00;
	s16 =	simm.s32 @!p0 $0x0  }
0xde: {  	[tilespmem:s16], [sflag:$0x9] =	stream.linear.gather @!p0 [hbm4b:s8+s16], $0xD0, $0x38;
	[tilespmem:$0x14B40] =	vst v63  }
0xdf: {  	s8 =	simm.s32 @!p0 $0x9  }
0xe0: {  	_ =	swait.ge @!p0 [sflag:s8], $0xD0  }
0xe1: {  	[sflag:s8] =	ssyncset.done @!p0 $0x0  }
0xe2: {  	s20 =	simm.s32 @!p0 $0x340;
	[sflag:s8] =	ssyncadd.s32 @!p0 $0xFFFFFF30;
	s8 =	simm.s32 @!p0 $0x64  }
0xe3: {  	[tilespmem:s20], [sflag:$0x1] =	stream.indirect.gather @!p0 [hbm4b:s2+s8], $0x40, s16, s8, $0xb8;
	[tilespmem:$0x14B40] =	vst v63  }
0xe4: {  	s16 =	simm.s32 @!p0 $0x68;
	s20 =	simm.s32 @!p0 $0x1C40  }
0xe5: {  	[tilespmem:s20], [sflag:$0x1] =	stream.indirect.gather @!p0 [hbm4b:s2+s8], $0x40, s16, s8, $0xb8;
	[tilespmem:$0x14B40] =	vst v63  }
0xe6: {  	_ =	swait.ge [sflag:s15], $0x1900  }
0xe7: {  	[sflag:s15] =	ssyncset.done $0x0  }
0xe8: {  	[sflag:s15] =	ssyncadd.s32 $0xFFFFE700  }
0xe9: {  	_ =	swait.ge [sflag:s15], $0x1900  }
0xea: {  	s28 =	sshll.u32 s19, $0x6;
	[sflag:s15] =	ssyncset.done $0x0  }
0xeb: {  	s8 =	sand.u32 $0x3FFFFFC0, s28;
	[sflag:s15] =	ssyncadd.s32 $0xFFFFE700  }
0xec: {  	v2 =	vld [tilespmem:s8+$0xCB40]  }
0xed: {  	v3 =	vld [tilespmem:s8+$0xCB50]  }
0xee: {  	v0 =	vld [tilespmem:s8+$0xCB60]  }
0xef: {  	v1 =	vld [tilespmem:s8+$0xCB70];
	s8 =	simm.s32 $0x9940  }
0xf0: {  	v5 =	vld [tilespmem:s8+$0xA0]  }
0xf1: {  	v6 =	vld [tilespmem:s8+$0x40]  }
0xf2: {  	v7 =	vld [tilespmem:s8+$0xE0]  }
0xf3: {  	v8 =	vld [tilespmem:s8+$0xD0]  }
0xf4: {  	v9 =	vld [tilespmem:s8+$0x20]  }
0xf5: {  	v4 =	vld [tilespmem:s8+$0x90]  }
0xf6: {  	v12 =	vld [tilespmem:s8+$0xC0]  }
0xf7: {  	v11 =	vld [tilespmem:s8+$0x10]  }
0xf8: {  	v13 =	vld [tilespmem:s8+$0x0];
	v5 =	vadd.f32 v5, v0  }
0xf9: {  	v15 =	vld [tilespmem:s8+$0x50];
	v8 =	vadd.f32 v8, v3  }
0xfa: {  	v14 =	vld [tilespmem:s8+$0xB0];
	v16 =	vadd.f32 v9, v0;
	[tilespmem:s8+$0xA0] =	vst v5  }
0xfb: {  	v10 =	vld [tilespmem:s8+$0xF0];
	v17 =	vadd.f32 v12, v2;
	[tilespmem:s8+$0xD0] =	vst v8  }
0xfc: {  	v5 =	vadd.f32 v6, v2;
	v6 =	vadd.f32 v7, v0;
	v7 =	vld [tilespmem:s8+$0x80];
	[tilespmem:s8+$0x20] =	vst v16  }
0xfd: {  	v8 =	vld [tilespmem:s8+$0x70];
	[tilespmem:s8+$0xC0] =	vst v17  }
0xfe: {  	v12 =	vadd.f32 v13, v2;
	v9 =	vld [tilespmem:s8+$0x60];
	v13 =	vadd.f32 v15, v3;
	[tilespmem:s8+$0x40] =	vst v5  }
0xff: {  	s19 =	simm.s32 $0x9A40;
	s16 =	simm.s32 $0x0;
	[tilespmem:s8+$0xE0] =	vst v6;
	v5 =	vadd.f32 v11, v3;
	v11 =	vld [tilespmem:s8+$0x30];
	v6 =	vadd.f32 v14, v1  }
.LBB2_9:
0x100: {  	v14 =	vld [tilespmem:s19+$0xA0];
	s16 =	sadd.s32 $0x4, s16;
	[tilespmem:s8+$0x0] =	vst v12;
	v4 =	vadd.f32 v4, v3;
	v10 =	vadd.f32 v10, v1  }
0x101: {  	v12 =	vld [tilespmem:s19+$0x40];
	p0 =	slt.u32 s16, $0xC4;
	[tilespmem:s8+$0x50] =	vst v13;
	v7 =	vadd.f32 v7, v2  }
0x102: {  	v13 =	vld [tilespmem:s19+$0xE0];
	v8 =	vadd.f32 v8, v1;
	[tilespmem:s8+$0xF0] =	vst v10  }
0x103: {  	v15 =	vld [tilespmem:s19+$0x20];
	v9 =	vadd.f32 v9, v0;
	[tilespmem:s8+$0x80] =	vst v7  }
0x104: {  	v7 =	vld [tilespmem:s19+$0xD0];
	v10 =	vadd.f32 v11, v1;
	[tilespmem:s8+$0x90] =	vst v4  }
0x105: {  	v4 =	vld [tilespmem:s19+$0x90];
	v11 =	vadd.f32 v14, v0;
	[tilespmem:s8+$0x10] =	vst v5  }
0x106: {  	v5 =	vld [tilespmem:s19+$0x10];
	[tilespmem:s8+$0x30] =	vst v10  }
0x107: {  	v14 =	vld [tilespmem:s19+$0xC0];
	v13 =	vadd.f32 v13, v0;
	[tilespmem:s8+$0xB0] =	vst v6  }
0x108: {  	v6 =	vld [tilespmem:s19+$0x0];
	[tilespmem:s8+$0x70] =	vst v8  }
0x109: {  	v16 =	vld [tilespmem:s19+$0xB0];
	v7 =	vadd.f32 v7, v3;
	[tilespmem:s8+$0x60] =	vst v9;
	s8 =	smov.u32 s19  }
0x10a: {  	v17 =	vld [tilespmem:s19+$0x50];
	[tilespmem:s19+$0xA0] =	vst v11  }
.Ltmp3:
0x10b: {  	v8 =	vadd.f32 v12, v2;
	[tilespmem:s19+$0xD0] =	vst v7;
	v10 =	vld [tilespmem:s19+$0xF0];
	(pc) =	sbr.rel @p0 .LBB2_9-.Ltmp3, $4  }
0x10c: {  	v7 =	vld [tilespmem:s19+$0x80];
	v11 =	vadd.f32 v14, v2;
	[tilespmem:s19+$0xE0] =	vst v13  }
0x10d: {  	v13 =	vadd.f32 v15, v0;
	[tilespmem:s19+$0x40] =	vst v8;
	v8 =	vld [tilespmem:s19+$0x70]  }
0x10e: {  	v5 =	vadd.f32 v5, v3;
	v12 =	vadd.f32 v6, v2;
	v9 =	vld [tilespmem:s19+$0x60];
	[tilespmem:s19+$0xC0] =	vst v11  }
0x10f: {  	v6 =	vadd.f32 v16, v1;
	s19 =	sadd.s32 $0x100, s19;
	[tilespmem:s8+$0x20] =	vst v13;
	v11 =	vld [tilespmem:s8+$0x30];
	v13 =	vadd.f32 v17, v3  }
0x110: {  	[tilespmem:s8+$0x0] =	vst v12  }
0x111: {  	[tilespmem:s8+$0x10] =	vst v5  }
0x112: {  	v10 =	vadd.f32 v10, v1;
	[tilespmem:s8+$0x50] =	vst v13  }
0x113: {  	v3 =	vadd.f32 v4, v3;
	[tilespmem:s8+$0xB0] =	vst v6  }
0x114: {  	s7 =	sadd.s32 $0x1, s7;
	v2 =	vadd.f32 v7, v2;
	[tilespmem:s8+$0xF0] =	vst v10  }
0x115: {  	p0 =	sne.s32 s7, $0x80;
	[tilespmem:s8+$0x90] =	vst v3;
	v63 =	vadd.f32 v8, v1  }
.Ltmp4:
0x116: {  	[tilespmem:s8+$0x80] =	vst v2;
	v0 =	vadd.f32 v9, v0;
	(pc) =	sbr.rel @p0 .LBB2_2-.Ltmp4, $4  }
0x117: {  	s10 =	smul.u32 $0xC80, s10;
	v62 =	vadd.f32 v11, v1;
	[tilespmem:s8+$0x70] =	vst v63  }
0x118: {  	[tilespmem:s8+$0x60] =	vst v0  }
0x119: {  	s28 =	sadd.s32 s5, s10;
	[tilespmem:s8+$0x30] =	vst v62  }
0x11a: {  	[hbm4b:s28+s22] =	stream.strided.scatter [tilespmem:s31], [sflag:$0x8], $0x3200, s23, s22, $0x38;
	[tilespmem:$0x14B40] =	vst v63  }
0x11b: {  	s7 =	simm.s32 $0x5  }
0x11c: {  	_ =	swait.ge [sflag:s7], $0x3200  }
0x11d: {  	[sflag:s7] =	ssyncset.done $0x0  }
0x11e: {  	s20 =	simm.s32 $0x6;
	[sflag:s7] =	ssyncadd.s32 $0xFFFFCE00  }
0x11f: {  	_ =	swait.ge [sflag:s20], $0x3200  }
0x120: {  	[sflag:s20] =	ssyncset.done $0x0  }
0x121: {  	s26 =	simm.s32 $0x7;
	[sflag:s20] =	ssyncadd.s32 $0xFFFFCE00  }
0x122: {  	_ =	swait.ge [sflag:s26], $0x3200  }
0x123: {  	[sflag:s26] =	ssyncset.done $0x0  }
0x124: {  	s8 =	simm.s32 $0x8;
	[sflag:s26] =	ssyncadd.s32 $0xFFFFCE00  }
0x125: {  	_ =	swait.ge [sflag:s8], $0x3200  }
0x126: {  	s10 =	rddreg [dreg:$0x6]  }
0x127: {  	s28 =	rddreg [dreg:$0x5];
	s10 =	sadd.s32 $0x1, s10  }
0x128: {  	p0 =	sne.s32 s10, s28  }
.Ltmp5:
0x129: {  	_ = 	snop;
	(pc) =	sbr.rel @p0 .LBB2_1-.Ltmp5, $3  }
0x12a: {  	_ =	sdelay $0x1  }
0x12b: {  	[sflag:s8] =	ssyncset.done $0x0  }
0x12c: {  	[sflag:s8] =	ssyncadd.s32 $0xFFFFCE00  }
0x12d: {  	_ =	sfence.sel $0x180000  }
0x12e: {  	[bflag:$0x0] =	sbarrier.arrive $0xFFFF  }
0x12f: {  	_ =	strace $0x9000004A  }
0x130: {  	s0 =	stileid.u32;
	[bflag:$0x2] =	sbarrier.arrive $0xFFFF  }
0x131: {  	p0 =	sne.s32 s0, $0x0;
	s0 =	rddreg [dreg:$0x2]  }
0x132: {  	s0 =	sadd.s32 @!p0 $0x100000, s0  }
0x133: {  	[sflag:s0] =	ssyncadd.tile.s32 @!p0 $0x1;
	_ =	shalt  }
.Lfunc_end2:
_tile_overlayer_lowered:
.L_overlay_start_2:
0x134: {  	(tag) =	ssettag $0x2  }
0x135: {  	s0 =	rddreg [dreg:$0x0];
	s2 =	stileid.u32  }
0x136: {  	s1 =	rddreg [dreg:$0x1];
	p0 =	sne.s32 s2, $0x0  }
0x137: {  	s3 =	rddreg [dreg:$0x2];
	[bflag:$0x3] =	sbarrier.arrive $0xFFFF;
	s2 =	simm.s32 @!p0 $0x1C09  }
0x138: {  	[timem:s3], [sflag:s2] =	dma.local @!p0 [hbm:s0], s1  }
0x139: {  	s0 =	simm.s32 @!p0 $0x9  }
0x13a: {  	_ =	swait.ge @!p0 [sflag:s0], s1  }
0x13b: {  	s1 =	ssub.s32 @!p0 $0x0, s1;
	[sflag:s0] =	ssyncset.done @!p0 $0x0  }
0x13c: {  	[sflag:s0] =	ssyncadd.s32 @!p0 s1  }
0x13d: {  	[bflag:$0x3] =	sbarrier.arrive $0xFFFF  }
0x13e: {  	_ =	shalt  }

// kernel: sparse-core-data-format-call.1.cloned.1.call-start
scs
called_computation.1_lowered:
.L_overlay_start_0:
0x0: {  	s2 =	sld [smem:$0x3FD9]  }
0x1: {  	s3 =	sld [smem:$0x3FFE];
	_ =	sdelay $0x1  }
0x2: {  	s1 =	srdreg.scid  }
0x3: {  	s0 =	sand.u32 $0x1, s1  }
0x4: {  	s18 =	sshll.u32 s0, $0xA;
	s2 =	sadd.s32 s3, s2  }
0x5: {  	s2 =	sadd.s32 s2, s18  }
0x6: {  	[smem:$0x3FC3] =	sst s2  }
0x7: {  	_ = 	snop  }
0x8: {  	s2 =	sld [smem:$0x3FC7];
	(tm) =	ssettm $0x1  }
0x9: {  	s19 =	sld [smem:$0x3FFB];
	_ =	sdelay $0x3  }
0xa: {  	_ =	strace s19  }
0xb: {  	s3 =	sld [smem:$0x3FFC];
	_ =	sdelay $0x3  }
0xc: {  	_ =	strace s3  }
0xd: {  	s3 =	sld [smem:$0x3FFD];
	_ =	sdelay $0x3  }
0xe: {  	_ =	strace s3  }
0xf: {  	_ =	strace $0x8FFFFFFF  }
0x10: {  	s20 =	sld [smem:$0x3FDB];
	_ =	sdelay $0x1  }
0x11: {  	s4 =	simm.s32 $_scs_section_size  }
0x12: {  	s5 =	simm.s32 $_size__tile_overlayer_lowered;
	s6 =	simm.s32 $_tile_overlayer_lowered  }
0x13: {  	s23 =	simm.s32 $0x1BFF;
	s22 =	sshll.u32 s6, $0x1;
	s3 =	sadd.s32 s4, s20  }
0x14: {  	s7 =	simm.s32 $0x0;
	s21 =	sshll.u32 s5, $0x1;
	s5 =	sadd.s32 s22, s3  }
0x15: {  	[timem:s7], [sflag:s23] =	dma.local [hbm:s5], s21  }
0x16: {  	_ =	swait.ge [sflag:s23], s21  }
0x17: {  	s4 =	ssub.s32 $0x0, s21;
	[sflag:s23] =	ssyncset.done $0x0  }
0x18: {  	[sflag:s23] =	ssyncadd.s32 s4;
	_ =	sdelay $0x1  }
0x19: {  	s24 =	simm.s32 $0x1B8B  }
0x1a: {  	_ =	swait.ge [sflag:s24], $0x1  }
0x1b: {  	[sflag:s24] =	ssyncset.done $0x0  }
0x1c: {  	s26 =	simm.s32 $0x1B8E;
	s25 =	sld [smem:$0x3FFE];
	[sflag:s24] =	ssyncadd.s32 $0xFFFFFFFF  }
0x1d: {  	s27 =	simm.s32 $execute0_lowered;
	[smem:$0x3FD2] =	sst s26  }
0x1e: {  	s5 =	sshll.u32 s27, $0x1;
	_ =	strace $0x80000046;
	[dreg:$0x1] =	wrdreg $0xFFFFFFFF  }
0x1f: {  	s28 =	simm.s32 $_size_execute0_lowered;
	s3 =	sadd.s32 s3, s5;
	[dreg:$0x0] =	wrdreg $0x0  }
0x20: {  	s5 =	sshll.u32 s28, $0x1;
	[dreg:$0x2] =	wrdreg s3  }
0x21: {  	[dreg:$0x3] =	wrdreg s5  }
0x22: {  	[dreg:$0x4] =	wrdreg $0xC0  }
0x23: {  	_ =	task [dreg:s7], $0x5FFFF  }
0x24: {  	[dreg:$0x1] =	wrdreg $0xFFFFFFFF  }
0x25: {  	[dreg:$0x0] =	wrdreg $0x60  }
0x26: {  	[dreg:$0x2] =	wrdreg s2  }
0x27: {  	[dreg:$0x3] =	wrdreg s25  }
0x28: {  	[dreg:$0x4] =	wrdreg $0x9  }
0x29: {  	_ =	task.clear_ibuf [dreg:s7], $0x5FFFF;
	_ =	strace $0x90000046  }
0x2a: {  	s29 =	simm.s32 $0x9;
	_ =	strace $0x80000048  }
0x2b: {  	_ =	swait.ge [sflag:s29], $0x1  }
0x2c: {  	[sflag:s29] =	ssyncadd.s32 $0xFFFFFFFF  }
0x2d: {  	_ =	strace $0x90000048  }
0x2e: {  	_ =	sfence  }
0x2f: {  	s30 =	sld [smem:$0x0];
	_ =	sdelay $0x2  }
0x30: {  	s31 =	sshll.u32 s1, $0xD;
	s1 =	sshrl.u32 s1, $0x2  }
0x31: {  	s3 =	sand.u32 $0x4000, s31;
	s1 =	sadd.s32 s1, s30  }
0x32: {  	s0 =	sor.u32 s3, s0;
	s1 =	sshll.u32 s1, $0x11  }
0x33: {  	s0 =	sor.u32 s1, s0  }
0x34: {  	s0 =	sadd.s32 $0x8F2B, s0  }
0x35: {  	[sflag:s0] =	ssyncadd.remote.s32 $0x1  }
0x36: {  	_ =	sfence.sel $0xFFFF  }
0x37: {  	[dreg:$0x0] =	wrdreg $0xFFFFFFFF;
	(pc) =	sbr.abs _section_cstart, $3  }
0x38: {  	[dreg:$0x1] =	wrdreg $0xFFFFFFFF  }
0x39: {  	_ =	task.clear_ibuf [dreg:s7], $0x2FFFF;
	_ =	strace $0x9FFFFFFF  }
0x3a: {  	(tm) =	ssettm $0x7FFFFFFF  }
0x3b: {  	_ =	shalt  }
tec
execute0_lowered:
.L_overlay_start_1:
0x0: {  	(tag) =	ssettag $0x1  }
0x1: {  	s0 =	srdreg.scid;
	s2 =	rddreg [dreg:$0x0]  }
0x2: {  	s5 =	rddreg [dreg:$0x1];
	s1 =	stileid.u32  }
0x3: {  	s4 =	simm.s32 $0x1;
	s6 =	simm.s32 $0x2;
	s15 =	simm.s32 $0x0  }
0x4: {  	p0 =	por $0x0, $0x0;
	s8 =	simm.s32 $0x80;
	s0 =	sshll.u32 s0, $0x4  }
0x5: {  	s14 =	simm.s32 $0x0;
	s9 =	simm.s32 $0x0;
	s3 =	sand.u32 $0x10, s0  }
.Ltmp0:
0x6: {  	s10 =	simm.s32 $0x0;
	s3 =	sor.u32 s1, s3;
	(pc) =	sbr.rel .LBB1_1-.Ltmp0, $4  }
0x7: {  	s0 =	rddreg [dreg:$0x2];
	_ =	strace $0x80000047;
	s3 =	sshll.u32 s3, $0x7  }
0x8: {  	s12 =	simm.s32 $0x0;
	[sflag:s4] =	ssyncpa.u1 $0x0;
	s7 =	ssub.s32 $0xF4200, s3  }
0x9: {  	s13 =	simm.s32 $0x0;
	[sflag:s6] =	ssyncpa.u1 $0x0;
	s6 =	sshrl.u32 s7, $0xC  }
0xa: {  	s5 =	sadd.s32 $0x1200, s5;
	s11 =	smov.u32 s3;
	s7 =	sadd.s32 $0x2, s6  }
.LBB1_5:
0xb: {  	p1 =	slt.u32 s13, $0x2  }
0xc: {  	s17 =	smov.u32 s15;
	p2 =	sgt.s32 @!p1 s15, $0xF41C0;
	s16 =	sshra.s32 @!p1 s15, $0x1F  }
0xd: {  	p3 =	sgt.s32 @!p1 s14, $0x40;
	s18 =	sshra.s32 @!p1 s14, $0x1F;
	p2 =	por !p2, p1  }
0xe: {  	s15 =	sand.u32 @!p1 s16, s15;
	p3 =	por !p3, p1;
	s16 =	smov.u32 s14  }
0xf: {  	s14 =	sand.u32 @!p1 s18, s14;
	s17 =	simm.s32 @p2 $0xF41C0;
	s16 =	simm.s32 @p3 $0x40  }
0x10: {  	s15 =	ssub.s32 @!p1 s17, s15;
	s14 =	ssub.s32 @!p1 s16, s14  }
0x11: {  	s18 =	smov.u32 s12;
	s16 =	sadd.s32 @!p1 $0xFFF0BE40, s15;
	s17 =	sadd.s32 @!p1 $0xFFFFFFC0, s14  }
0x12: {  	s15 =	ssub.s32 @!p1 $0xF4240, s15;
	p2 =	sgt.s32 @!p1 s16, $0x7F;
	p3 =	sgt.s32 @!p1 s17, $0x3F  }
0x13: {  	s14 =	ssub.s32 @!p1 $0x80, s14;
	p2 =	por !p2, p1;
	p3 =	por !p3, p1  }
0x14: {  	s16 =	sadd.s32 $0x1000, s11;
	s15 =	simm.s32 @!p2 $0x0;
	s14 =	simm.s32 @!p3 $0x0  }
0x15: {  	p2 =	sgt.s32 s16, $0xF423F;
	s14 =	smul.u32 @!p1 s14, s15;
	s15 =	sadd.s32 $0x40, s12  }
0x16: {  	s18 =	smov.u32 @p2 s15  }
0x17: {  	s16 =	smov.u32 @p2 s3;
	p2 =	sgt.s32 s18, $0x3F  }
0x18: {  	s18 =	simm.s32 @p2 $0x0;
	p2 =	sne.s32 s13, s7  }
.Ltmp1:
0x19: {  	p0 =	por !p0, !p0;
	s17 =	simm.s32 @!p1 $0x2;
	(pc) =	sbr.rel @!p2 .LBB1_6-.Ltmp1, $4  }
0x1a: {  	s15 =	smov.u32 s9;
	s9 =	smov.u32 s11;
	s14 =	sand.u32 @!p1 $0x3FFFFFFF, s14  }
0x1b: {  	s11 =	smov.u32 s16;
	_ =	swait.ge @!p1 [sflag:s17], s14;
	s19 =	ssub.s32 @!p1 $0x0, s14  }
0x1c: {  	s14 =	smov.u32 s10;
	s13 =	sadd.s32 $0x1, s13;
	[sflag:s17] =	ssyncset.done @!p1 $0x0  }
0x1d: {  	s10 =	smov.u32 s12;
	s12 =	smov.u32 s18;
	[sflag:s17] =	ssyncadd.s32 @!p1 s19  }
.LBB1_1:
0x1e: {  	p1 =	sgt.u32 s13, s6  }
0x1f: {  	s16 =	sshrl.u32 @!p1 s12, $0x3  }
0x20: {  	s17 =	sshll.u32 @!p1 s11, $0x3;
	s16 =	smul.u32 @!p1 $0x7A1400, s16  }
0x21: {  	s18 =	sshll.u32 @!p1 s12, $0x7;
	s17 =	sand.u32 @!p1 $0xFFFFFC00, s17  }
0x22: {  	s16 =	sadd.s32 @!p1 s16, s17;
	s17 =	sand.u32 @!p1 $0x380, s18  }
0x23: {  	s18 =	sand.u32 @!p1 $0x7F, s11;
	s16 =	sor.u32 @!p1 s17, s16  }
0x24: {  	s17 =	sor.u32 @!p1 s18, s16  }
0x25: {  	s18 =	smulhi.u32 @!p1 $0x218D6287, s17;
	_ =	sdelay $0x1  }
0x26: {  	s16 =	smulhi.u32 @!p1 $0x218D6287, s16;
	s18 =	sshrl.u32 @!p1 s18, $0x11  }
0x27: {  	s18 =	smul.u32 @!p1 $0xF4280, s18  }
0x28: {  	s19 =	sxor.u32 @!p1 $0xFFFFFFFF, s13;
	s16 =	sshrl.u32 @!p1 s16, $0x11  }
0x29: {  	s19 =	sshll.u32 @!p1 s19, $0xD;
	s16 =	sand.u32 @!p1 $0x3F, s16;
	s17 =	ssub.s32 @!p1 s17, s18  }
0x2a: {  	s16 =	smul.u32 @!p1 $0x1E850, s16;
	s18 =	sshrl.u32 @!p1 s17, $0x3;
	s17 =	sand.u32 @!p1 $0x7, s17  }
0x2b: {  	s19 =	sand.u32 @!p1 $0x2000, s19;
	s18 =	sadd.s32 @!p1 s2, s18;
	s17 =	sshll.u32 @!p1 s17, $0x12  }
0x2c: {  	s16 =	sadd.s32 @!p1 s16, s18;
	s17 =	sor.u32 @!p1 $0x400, s17;
	s18 =	simm.s32 @!p1 $0x7A1400  }
0x2d: {  	[tilespmem:s19], [sflag:$0x1] =	stream.strided.gather @!p1 [hbm4b:s16+s17], $0x2000, s18, s17, $0x38;
	[tilespmem:$0x8100] =	vst v63  }
0x2e: {  	p1 =	seq.s32 s13, $0x0  }
0x2f: {  	p2 =	sge.u32 @!p1 s13, s7  }
0x30: {  	p1 =	por p1, p2  }
.Ltmp2:
0x31: {  	_ = 	snop;
	(pc) =	sbr.rel @p1 .LBB1_5-.Ltmp2, $1  }
0x32: {  	_ =	sdelay $0x3  }
0x33: {  	s16 =	simm.s32 $0x1  }
0x34: {  	_ =	swait.ge [sflag:s4], $0x2000;
	s16 =	simm.s32 @!p0 $0x0  }
0x35: {  	[sflag:s4] =	ssyncset.done $0x0;
	s17 =	sshll.u32 s16, $0xD  }
0x36: {  	[sflag:s4] =	ssyncadd.s32 $0xFFFFE000;
	s17 =	sor.u32 $0x40, s17  }
0x37: {  	s16 =	smul.u32 $0x8200, s16;
	v0 =	vld [tilespmem:s17+$0x30]  }
0x38: {  	v1 =	vld [tilespmem:s17+$0xFFFFFFD0]  }
0x39: {  	s16 =	sshrl.u32 s16, $0x2;
	v5 =	vld [tilespmem:s17+$0xFFFFFFE0]  }
0x3a: {  	v6 =	vld [tilespmem:s17+$0xFFFFFFF0];
	s19 =	sor.u32 $0x4000, s16  }
0x3b: {  	s31 =	sand.u32 $0x1, s13;
	v4 =	vld [tilespmem:s17+$0x0];
	s18 =	sadd.s32 $0x0, s19  }
0x3c: {  	v3 =	vld [tilespmem:s17+$0x10];
	s16 =	smul.u32 $0x8200, s31;
	[tilespmem:s18+$0x1C70 ss:$0x41] =	vst.msk $0xffff, v0  }
0x3d: {  	v2 =	vld [tilespmem:s17+$0x20];
	[tilespmem:s18+$0x410 ss:$0x41] =	vst.msk $0xffff, v1  }
0x3e: {  	s16 =	sshrl.u32 s16, $0x2;
	v1 =	vld [tilespmem:s17+$0xFFFFFFC0];
	[tilespmem:s18+$0x820 ss:$0x41] =	vst.msk $0xffff, v5;
	s17 =	sadd.s32 $0x80, s17  }
0x3f: {  	s20 =	simm.s32 $0x4;
	s21 =	simm.s32 $0x8;
	s16 =	sor.u32 $0x4000, s16;
	[tilespmem:s18+$0xC30 ss:$0x41] =	vst.msk $0xffff, v6;
	v0 =	vld [tilespmem:s17+$0x30]  }
.LBB1_3:
0x40: {  	p1 =	sne.s32 s21, $0xFC;
	v5 =	vld [tilespmem:s17+$0xFFFFFFD0];
	[tilespmem:s18+$0x1040 ss:$0x41] =	vst.msk $0xffff, v4  }
0x41: {  	v6 =	vld [tilespmem:s17+$0xFFFFFFE0];
	[tilespmem:s18+$0x1450 ss:$0x41] =	vst.msk $0xffff, v3  }
0x42: {  	s22 =	sshra.s32 s20, $0x2;
	s20 =	smov.u32 s21;
	v7 =	vld [tilespmem:s17+$0xFFFFFFF0];
	[tilespmem:s18+$0x1860 ss:$0x41] =	vst.msk $0xffff, v2  }
.Ltmp3:
0x43: {  	v4 =	vld [tilespmem:s17+$0x0];
	[tilespmem:s18+$0x0 ss:$0x41] =	vst.msk $0xffff, v1;
	s18 =	sadd.s32 s22, s19;
	(pc) =	sbr.rel @p1 .LBB1_3-.Ltmp3, $4  }
0x44: {  	v3 =	vld [tilespmem:s17+$0x10];
	[tilespmem:s18+$0x1C70 ss:$0x41] =	vst.msk $0xffff, v0  }
0x45: {  	[tilespmem:s18+$0x410 ss:$0x41] =	vst.msk $0xffff, v5;
	v2 =	vld [tilespmem:s17+$0x20]  }
0x46: {  	v1 =	vld [tilespmem:s17+$0xFFFFFFC0];
	[tilespmem:s18+$0x820 ss:$0x41] =	vst.msk $0xffff, v6;
	s17 =	sadd.s32 $0x80, s17  }
0x47: {  	s21 =	sadd.s32 $0x4, s21;
	v0 =	vld [tilespmem:s17+$0x30];
	[tilespmem:s18+$0xC30 ss:$0x41] =	vst.msk $0xffff, v7  }
0x48: {  	s21 =	sshll.u32 s9, $0x7;
	s22 =	sshll.u32 s10, $0x3;
	s20 =	sshra.s32 s20, $0x2  }
0x49: {  	p1 =	sgt.s32 s9, $0xF41C0;
	s30 =	sshra.s32 s9, $0x1F;
	s25 =	sshra.s32 s10, $0x1F  }
0x4a: {  	v5 =	vld [tilespmem:s17+$0xFFFFFFD0];
	s28 =	sshrl.u32 s10, $0x3;
	s23 =	sand.u32 $0xFFFFFC00, s21;
	s22 =	sand.u32 $0xFFFFFC00, s22  }
0x4b: {  	[tilespmem:s18+$0x1040 ss:$0x41] =	vst.msk $0xffff, v4;
	v58 =	vld [tilespmem:s17+$0xFFFFFFE0];
	s21 =	sand.u32 $0x380, s21;
	s19 =	sadd.s32 s20, s19;
	s22 =	sadd.s32 s22, s23  }
0x4c: {  	v59 =	vld [tilespmem:s17+$0xFFFFFFF0];
	[tilespmem:s18+$0x1450 ss:$0x41] =	vst.msk $0xffff, v3;
	s29 =	sor.u32 s21, s22;
	s21 =	smov.u32 s9;
	s22 =	sand.u32 s30, s9  }
0x4d: {  	v60 =	vld [tilespmem:s17+$0x0];
	[tilespmem:s18+$0x1860 ss:$0x41] =	vst.msk $0xffff, v2;
	s30 =	sand.u32 $0x7, s10;
	s20 =	sshrl.u32 s29, $0x7;
	s21 =	simm.s32 @!p1 $0xF41C0  }
0x4e: {  	v61 =	vld [tilespmem:s17+$0x10];
	[tilespmem:s18+$0x0 ss:$0x41] =	vst.msk $0xffff, v1;
	p1 =	sgt.s32 s10, $0x40;
	s24 =	ssub.s32 s21, s22;
	s21 =	smov.u32 s10  }
0x4f: {  	v62 =	vld [tilespmem:s17+$0x20];
	[tilespmem:s19+$0x1C70 ss:$0x41] =	vst.msk $0xffff, v0;
	s31 =	smulhi.u32 $0x218DEF5, s20;
	s22 =	sand.u32 s25, s10;
	s21 =	simm.s32 @!p1 $0x40  }
0x50: {  	v63 =	vld [tilespmem:s17+$0xFFFFFFC0];
	[tilespmem:s19+$0x410 ss:$0x41] =	vst.msk $0xffff, v5;
	s26 =	sadd.s32 $0xFFF0BE40, s24;
	s17 =	ssub.s32 $0xF4240, s24;
	s21 =	ssub.s32 s21, s22  }
0x51: {  	[tilespmem:s19+$0x820 ss:$0x41] =	vst.msk $0xffff, v58;
	s23 =	sshrl.u32 s31, $0xD;
	p1 =	sgt.s32 s26, $0x7F;
	s27 =	sadd.s32 $0xFFFFFFC0, s21  }
0x52: {  	[tilespmem:s19+$0xC30 ss:$0x41] =	vst.msk $0xffff, v59;
	s23 =	smul.u32 $0xF4240, s23;
	s18 =	ssub.s32 $0x80, s21;
	p2 =	sgt.s32 s27, $0x3F  }
.Ltmp4:
0x53: {  	[tilespmem:s19+$0x1040 ss:$0x41] =	vst.msk $0xffff, v60;
	s17 =	simm.s32 @p1 $0x0;
	s18 =	simm.s32 @p2 $0x0;
	(pc) =	sbr.rel .LBB1_5-.Ltmp4, $4  }
0x54: {  	s29 =	sand.u32 $0xF, s28;
	[tilespmem:s19+$0x1450 ss:$0x41] =	vst.msk $0xffff, v61;
	s20 =	ssub.s32 s20, s23;
	s17 =	smul.u32 s18, s17  }
0x55: {  	[tilespmem:s19+$0x1860 ss:$0x41] =	vst.msk $0xffff, v62;
	s21 =	sshll.u32 s30, $0x12;
	s20 =	sshll.u32 s20, $0x4;
	s18 =	sadd.s32 s5, s29  }
0x56: {  	[tilespmem:s19+$0x0 ss:$0x41] =	vst.msk $0xffff, v63;
	s31 =	sor.u32 $0x40, s21;
	s18 =	sadd.s32 s20, s18;
	s17 =	sand.u32 $0x3FFFFFFF, s17  }
0x57: {  	[hbm4b:s18+s31] =	stream.strided.scatter [tilespmem:s16], [sflag:$0x2], s17, s8, s31, $0x18;
	[tilespmem:$0x8100] =	vst v63  }
.LBB1_6:
0x58: {  	_ =	sfence.sel $0x180000  }
0x59: {  	s2 =	simm.s32 $0x1;
	[bflag:$0x0] =	sbarrier.arrive $0xFFFF  }
0x5a: {  	s31 =	simm.s32 $0x2;
	[sflag:s2] =	ssyncpa.u1 $0x1  }
0x5b: {  	[sflag:s31] =	ssyncpa.u1 $0x1  }
0x5c: {  	p0 =	sne.s32 s1, $0x0;
	_ =	strace $0x90000047  }
0x5d: {  	s0 =	sadd.s32 @!p0 $0x100000, s0;
	[bflag:$0x2] =	sbarrier.arrive $0xFFFF  }
0x5e: {  	[sflag:s0] =	ssyncadd.tile.s32 @!p0 $0x1;
	_ =	shalt  }
.Lfunc_end1:
_tile_overlayer_lowered:
.L_overlay_start_2:
0x5f: {  	(tag) =	ssettag $0x2  }
0x60: {  	s0 =	rddreg [dreg:$0x0];
	s2 =	stileid.u32  }
0x61: {  	s1 =	rddreg [dreg:$0x1];
	p0 =	sne.s32 s2, $0x0  }
0x62: {  	s3 =	rddreg [dreg:$0x2];
	[bflag:$0x3] =	sbarrier.arrive $0xFFFF;
	s2 =	simm.s32 @!p0 $0x1C01  }
0x63: {  	[timem:s3], [sflag:s2] =	dma.local @!p0 [hbm:s0], s1  }
0x64: {  	s0 =	simm.s32 @!p0 $0x1  }
0x65: {  	_ =	swait.ge @!p0 [sflag:s0], s1  }
0x66: {  	s1 =	ssub.s32 @!p0 $0x0, s1;
	[sflag:s0] =	ssyncset.done @!p0 $0x0  }
0x67: {  	[sflag:s0] =	ssyncadd.s32 @!p0 s1  }
0x68: {  	[bflag:$0x3] =	sbarrier.arrive $0xFFFF  }
0x69: {  	_ =	shalt  }

// kernel: sparse-core-data-format-call.cloned.1.call-start
scs
called_computation_lowered:
.L_overlay_start_0:
0x0: {  	s2 =	sld [smem:$0x3FD9]  }
0x1: {  	s3 =	sld [smem:$0x3FFE];
	_ =	sdelay $0x1  }
0x2: {  	s1 =	srdreg.scid  }
0x3: {  	s0 =	sand.u32 $0x1, s1  }
0x4: {  	s18 =	sshll.u32 s0, $0xA;
	s2 =	sadd.s32 s3, s2  }
0x5: {  	s2 =	sadd.s32 s2, s18  }
0x6: {  	[smem:$0x3FC3] =	sst s2  }
0x7: {  	_ = 	snop  }
0x8: {  	s2 =	sld [smem:$0x3FD0];
	(tm) =	ssettm $0x1  }
0x9: {  	s19 =	sld [smem:$0x3FFB];
	_ =	sdelay $0x3  }
0xa: {  	_ =	strace s19  }
0xb: {  	s3 =	sld [smem:$0x3FFC];
	_ =	sdelay $0x3  }
0xc: {  	_ =	strace s3  }
0xd: {  	s3 =	sld [smem:$0x3FFD];
	_ =	sdelay $0x3  }
0xe: {  	_ =	strace s3  }
0xf: {  	_ =	strace $0x8FFFFFFF  }
0x10: {  	s20 =	sld [smem:$0x3FDB];
	_ =	sdelay $0x1  }
0x11: {  	s4 =	simm.s32 $_scs_section_size  }
0x12: {  	s5 =	simm.s32 $_size__tile_overlayer_lowered;
	s6 =	simm.s32 $_tile_overlayer_lowered  }
0x13: {  	s23 =	simm.s32 $0x1BFF;
	s22 =	sshll.u32 s6, $0x1;
	s3 =	sadd.s32 s4, s20  }
0x14: {  	s7 =	simm.s32 $0x0;
	s21 =	sshll.u32 s5, $0x1;
	s5 =	sadd.s32 s22, s3  }
0x15: {  	[timem:s7], [sflag:s23] =	dma.local [hbm:s5], s21  }
0x16: {  	_ =	swait.ge [sflag:s23], s21  }
0x17: {  	s4 =	ssub.s32 $0x0, s21;
	[sflag:s23] =	ssyncset.done $0x0  }
0x18: {  	[sflag:s23] =	ssyncadd.s32 s4;
	_ =	sdelay $0x1  }
0x19: {  	s24 =	simm.s32 $0x1B8B  }
0x1a: {  	_ =	swait.ge [sflag:s24], $0x1  }
0x1b: {  	[sflag:s24] =	ssyncset.done $0x0  }
0x1c: {  	s26 =	simm.s32 $0x1B8E;
	s25 =	sld [smem:$0x3FFE];
	[sflag:s24] =	ssyncadd.s32 $0xFFFFFFFF  }
0x1d: {  	s27 =	simm.s32 $execute0_lowered;
	[smem:$0x3FD2] =	sst s26  }
0x1e: {  	s5 =	sshll.u32 s27, $0x1;
	_ =	strace $0x8000004C;
	[dreg:$0x1] =	wrdreg $0xFFFFFFFF  }
0x1f: {  	s28 =	simm.s32 $_size_execute0_lowered;
	s3 =	sadd.s32 s3, s5;
	[dreg:$0x0] =	wrdreg $0x0  }
0x20: {  	s5 =	sshll.u32 s28, $0x1;
	[dreg:$0x2] =	wrdreg s3  }
0x21: {  	[dreg:$0x3] =	wrdreg s5  }
0x22: {  	[dreg:$0x4] =	wrdreg $0xC0  }
0x23: {  	_ =	task [dreg:s7], $0x5FFFF  }
0x24: {  	[dreg:$0x1] =	wrdreg $0xFFFFFFFF  }
0x25: {  	[dreg:$0x0] =	wrdreg $0x60  }
0x26: {  	[dreg:$0x2] =	wrdreg s25  }
0x27: {  	[dreg:$0x3] =	wrdreg s2  }
0x28: {  	[dreg:$0x4] =	wrdreg $0x9  }
0x29: {  	_ =	task.clear_ibuf [dreg:s7], $0x5FFFF;
	_ =	strace $0x9000004C  }
0x2a: {  	s29 =	simm.s32 $0x9;
	_ =	strace $0x8000004E  }
0x2b: {  	_ =	swait.ge [sflag:s29], $0x1  }
0x2c: {  	[sflag:s29] =	ssyncadd.s32 $0xFFFFFFFF  }
0x2d: {  	_ =	strace $0x9000004E  }
0x2e: {  	_ =	sfence  }
0x2f: {  	s30 =	sld [smem:$0x0];
	_ =	sdelay $0x2  }
0x30: {  	s31 =	sshll.u32 s1, $0xD;
	s1 =	sshrl.u32 s1, $0x2  }
0x31: {  	s3 =	sand.u32 $0x4000, s31;
	s1 =	sadd.s32 s1, s30  }
0x32: {  	s0 =	sor.u32 s3, s0;
	s1 =	sshll.u32 s1, $0x11  }
0x33: {  	s0 =	sor.u32 s1, s0  }
0x34: {  	s0 =	sadd.s32 $0x8F2B, s0  }
0x35: {  	[sflag:s0] =	ssyncadd.remote.s32 $0x1  }
0x36: {  	_ =	sfence.sel $0xFFFF  }
0x37: {  	[dreg:$0x0] =	wrdreg $0xFFFFFFFF;
	(pc) =	sbr.abs _section_cstart, $3  }
0x38: {  	[dreg:$0x1] =	wrdreg $0xFFFFFFFF  }
0x39: {  	_ =	task.clear_ibuf [dreg:s7], $0x2FFFF;
	_ =	strace $0x9FFFFFFF  }
0x3a: {  	(tm) =	ssettm $0x7FFFFFFF  }
0x3b: {  	_ =	shalt  }
tec
execute0_lowered:
.L_overlay_start_1:
0x0: {  	(tag) =	ssettag $0x1  }
0x1: {  	s0 =	srdreg.scid  }
0x2: {  	s1 =	sshll.u32 s0, $0x4  }
0x3: {  	s0 =	stileid.u32;
	s1 =	sand.u32 $0x10, s1  }
0x4: {  	s1 =	sor.u32 s0, s1  }
0x5: {  	s6 =	rddreg [dreg:$0x0];
	s4 =	simm.s32 $0x1;
	s2 =	sshll.u32 s1, $0x7  }
0x6: {  	s7 =	simm.s32 $0x2;
	s12 =	simm.s32 $0x0;
	s1 =	ssub.s32 $0x4000, s2  }
0x7: {  	s8 =	simm.s32 $0x20000;
	s13 =	simm.s32 $0x0;
	s3 =	sand.u32 $0xF80, s1  }
0x8: {  	s9 =	simm.s32 $0x0;
	s5 =	sshrl.u32 s1, $0xC;
	p0 =	sne.s32 s3, $0x0  }
.Ltmp0:
0x9: {  	s1 =	rddreg [dreg:$0x2];
	s4 =	simm.s32 @!p0 $0x0;
	(pc) =	sbr.rel .LBB1_1-.Ltmp0, $4  }
0xa: {  	s11 =	simm.s32 $0x0;
	s3 =	rddreg [dreg:$0x1];
	s5 =	sadd.s32 s4, s5  }
0xb: {  	_ =	strace $0x8000004D;
	s4 =	simm.s32 $0x1;
	s5 =	smul.u32 $0xC8, s5  }
0xc: {  	s6 =	sadd.s32 $0xFCB600, s6;
	s10 =	smov.u32 s2;
	[sflag:s4] =	ssyncpa.u1 $0x0  }
0xd: {  	p0 =	por $0x0, $0x0;
	[sflag:s7] =	ssyncpa.u1 $0x0;
	s7 =	sor.u32 $0x1, s5  }
.LBB1_4:
0xe: {  	s16 =	sshll.u32 s13, $0x3;
	s17 =	sand.u32 $0x78, s13  }
0xf: {  	s30 =	sand.u32 $0x1F800, s13;
	s12 =	sshll.u32 s12, $0x11;
	s16 =	sand.u32 $0x3C00, s16  }
0x10: {  	[tilespmem:s15+$0x810 ss:$0x81] =	vst.msk $0xffff, v2;
	s31 =	sand.u32 $0x7, s13;
	s16 =	sor.u32 s17, s16;
	s17 =	sadd.s32 s3, s30  }
0x11: {  	[tilespmem:s15+$0x1020 ss:$0x81] =	vst.msk $0xffff, v0;
	s13 =	sshll.u32 s31, $0x12;
	s12 =	sadd.s32 s12, s17;
	s16 =	sshrl.u32 s16, $0x3  }
0x12: {  	[tilespmem:s15+$0x0 ss:$0x81] =	vst.msk $0xffff, v1;
	s13 =	sor.u32 $0x400, s13;
	s12 =	sadd.s32 s16, s12  }
0x13: {  	[hbm4b:s12+s13] =	stream.strided.scatter [tilespmem:s14], [sflag:$0x2], $0x2000, s8, s13, $0x20;
	[tilespmem:$0x8080] =	vst v63  }
.LBB1_5:
0x14: {  	s14 =	sadd.s32 $0x1, s9  }
0x15: {  	s12 =	sadd.s32 $0x1000, s10;
	s16 =	smov.u32 s10;
	p2 =	sgt.s32 s14, $0xC7  }
0x16: {  	s16 =	smov.u32 @p2 s12  }
0x17: {  	s14 =	simm.s32 @p2 $0x0;
	p2 =	sgt.s32 s16, $0x3FFF  }
0x18: {  	s16 =	smov.u32 @p2 s2;
	p2 =	sne.s32 s11, s7  }
.Ltmp1:
0x19: {  	p1 =	slt.u32 s11, $0x2;
	(pc) =	sbr.rel @!p2 .LBB1_6-.Ltmp1, $4  }
0x1a: {  	s15 =	simm.s32 @!p1 $0x2  }
0x1b: {  	s13 =	smov.u32 s10;
	p0 =	por !p0, !p0;
	_ =	swait.ge @!p1 [sflag:s15], $0x2000  }
0x1c: {  	s12 =	smov.u32 s9;
	[sflag:s15] =	ssyncset.done @!p1 $0x0;
	s9 =	smov.u32 s14  }
0x1d: {  	s11 =	sadd.s32 $0x1, s11;
	[sflag:s15] =	ssyncadd.s32 @!p1 $0xFFFFE000;
	s10 =	smov.u32 s16  }
.LBB1_1:
0x1e: {  	p1 =	sge.u32 s11, s5  }
0x1f: {  	s14 =	sand.u32 @!p1 $0x1FFFFFF, s9  }
0x20: {  	s15 =	smulhi.u32 @!p1 $0x147AE15, s14;
	_ =	sdelay $0x1  }
0x21: {  	s15 =	smul.u32 @!p1 $0xC8, s15  }
0x22: {  	s16 =	sxor.u32 @!p1 $0xFFFFFFFF, s11;
	s17 =	smul.u32 @!p1 $0xC80, s10  }
0x23: {  	s31 =	sadd.s32 $0xFFFFFFFF, s11;
	s16 =	sshll.u32 @!p1 s16, $0xD;
	s14 =	ssub.s32 @!p1 s14, s15  }
0x24: {  	s15 =	sand.u32 @!p1 $0x2000, s16;
	s16 =	sadd.s32 @!p1 s6, s17;
	s14 =	sshll.u32 @!p1 s14, $0x4  }
0x25: {  	s17 =	simm.s32 @!p1 $0x6400;
	s14 =	sadd.s32 @!p1 s14, s16;
	s16 =	simm.s32 @!p1 $0x40  }
0x26: {  	[tilespmem:s15], [sflag:$0x1] =	stream.strided.gather @!p1 [hbm4b:s14+s16], $0x2000, s17, s16, $0x38;
	[tilespmem:$0x8080] =	vst v63  }
0x27: {  	p1 =	sge.u32 s31, s5  }
.Ltmp2:
0x28: {  	_ = 	snop;
	(pc) =	sbr.rel @p1 .LBB1_5-.Ltmp2, $1  }
0x29: {  	_ =	sdelay $0x3  }
0x2a: {  	s14 =	simm.s32 $0x1  }
0x2b: {  	_ =	swait.ge [sflag:s4], $0x2000;
	s14 =	simm.s32 @!p0 $0x0  }
0x2c: {  	[sflag:s4] =	ssyncset.done $0x0;
	s15 =	sshll.u32 s14, $0xD  }
0x2d: {  	[sflag:s4] =	ssyncadd.s32 $0xFFFFE000;
	s18 =	sor.u32 $0x20, s15  }
0x2e: {  	s14 =	smul.u32 $0x8100, s14;
	v3 =	vld [tilespmem:s18+$0x10]  }
0x2f: {  	s30 =	sand.u32 $0x1, s11;
	v2 =	vld [tilespmem:s18+$0xFFFFFFF0]  }
0x30: {  	s15 =	smul.u32 $0x8100, s30;
	s14 =	sshrl.u32 s14, $0x2;
	v0 =	vld [tilespmem:s18+$0x0]  }
0x31: {  	v1 =	vld [tilespmem:s18+$0xFFFFFFE0];
	s16 =	sor.u32 $0x4000, s14  }
0x32: {  	s31 =	sshrl.u32 s15, $0x2;
	s15 =	sadd.s32 $0x0, s16  }
0x33: {  	s17 =	simm.s32 $0x4;
	s18 =	sadd.s32 $0x40, s18;
	s14 =	sor.u32 $0x4000, s31;
	[tilespmem:s15+$0x1830 ss:$0x81] =	vst.msk $0xffff, v3  }
.LBB1_3:
0x34: {  	v3 =	vld [tilespmem:s18+$0x10];
	p1 =	sne.s32 s17, $0x1FC;
	[tilespmem:s15+$0x810 ss:$0x81] =	vst.msk $0xffff, v2;
	s19 =	smov.u32 s17;
	s17 =	sadd.s32 $0x4, s17  }
.Ltmp3:
0x35: {  	v2 =	vld [tilespmem:s18+$0xFFFFFFF0];
	[tilespmem:s15+$0x1020 ss:$0x81] =	vst.msk $0xffff, v0;
	(pc) =	sbr.rel @p1 .LBB1_3-.Ltmp3, $4  }
0x36: {  	v0 =	vld [tilespmem:s18+$0x0];
	[tilespmem:s15+$0x0 ss:$0x81] =	vst.msk $0xffff, v1  }
0x37: {  	s15 =	sshra.s32 s19, $0x2;
	v1 =	vld [tilespmem:s18+$0xFFFFFFE0]  }
0x38: {  	s15 =	sadd.s32 s15, s16  }
0x39: {  	s18 =	sadd.s32 $0x40, s18;
	[tilespmem:s15+$0x1830 ss:$0x81] =	vst.msk $0xffff, v3  }
.Ltmp4:
0x3a: {  	_ = 	snop;
	(pc) =	sbr.rel .LBB1_4-.Ltmp4, $1  }
0x3b: {  	_ =	sdelay $0x3  }
.LBB1_6:
0x3c: {  	_ =	sfence.sel $0x180000  }
0x3d: {  	s2 =	simm.s32 $0x1;
	[bflag:$0x0] =	sbarrier.arrive $0xFFFF  }
0x3e: {  	s31 =	simm.s32 $0x2;
	[sflag:s2] =	ssyncpa.u1 $0x1  }
0x3f: {  	[sflag:s31] =	ssyncpa.u1 $0x1  }
0x40: {  	p0 =	sne.s32 s0, $0x0;
	_ =	strace $0x9000004D  }
0x41: {  	s0 =	sadd.s32 @!p0 $0x100000, s1;
	[bflag:$0x2] =	sbarrier.arrive $0xFFFF  }
0x42: {  	[sflag:s0] =	ssyncadd.tile.s32 @!p0 $0x1;
	_ =	shalt  }
.Lfunc_end1:
_tile_overlayer_lowered:
.L_overlay_start_2:
0x43: {  	(tag) =	ssettag $0x2  }
0x44: {  	s0 =	rddreg [dreg:$0x0];
	s2 =	stileid.u32  }
0x45: {  	s1 =	rddreg [dreg:$0x1];
	p0 =	sne.s32 s2, $0x0  }
0x46: {  	s3 =	rddreg [dreg:$0x2];
	[bflag:$0x3] =	sbarrier.arrive $0xFFFF;
	s2 =	simm.s32 @!p0 $0x1C01  }
0x47: {  	[timem:s3], [sflag:s2] =	dma.local @!p0 [hbm:s0], s1  }
0x48: {  	s0 =	simm.s32 @!p0 $0x1  }
0x49: {  	_ =	swait.ge @!p0 [sflag:s0], s1  }
0x4a: {  	s1 =	ssub.s32 @!p0 $0x0, s1;
	[sflag:s0] =	ssyncset.done @!p0 $0x0  }
0x4b: {  	[sflag:s0] =	ssyncadd.s32 @!p0 s1  }
0x4c: {  	[bflag:$0x3] =	sbarrier.arrive $0xFFFF  }
0x4d: {  	_ =	shalt  }

</sc_bundles>
